<compile_context>
chip_gen: v7x
topology: tpu7x:2x2x1
jax: 0.10.2.dev20260603
libtpu: 0.0.44.dev20260713+nightly
codegen_flags: <defaults>
</compile_context>

<pallas_src>
import functools

import jax
import jax.numpy as jnp
from jax import lax
from jax.experimental import pallas as pl
from jax.experimental.pallas import tpu as pltpu
from jax.experimental.pallas import tpu_sc as plsc

N = 10000
D = 128
E = 320000
NC = 2
NS = 16
NW = NC * NS
CHUNK = 128
CPW = 80
E_PAD = NW * CPW * CHUNK
NPAD = 10112
RPT = NPAD // NS

BLK = 400
GRID = N // BLK

_mesh = plsc.VectorSubcoreMesh(core_axis_name="c", subcore_axis_name="s")



DW = 16


@functools.partial(
    pl.kernel,
    mesh=_mesh,
    out_type=(jax.ShapeDtypeStruct((NPAD, DW), jnp.float32),
              jax.ShapeDtypeStruct((NPAD, DW), jnp.float32)),
    scratch_types=[
        pltpu.VMEM((CPW, CHUNK), jnp.int32),
        pltpu.VMEM((CHUNK, DW), jnp.float32),
        pltpu.VMEM((CHUNK, DW), jnp.float32),
        pltpu.VMEM_SHARED((NPAD, DW), jnp.float32),
    ],
)
def _deg_sc(dst_hbm, deg0_hbm, deg1_hbm, idx_d, ones_b, zb16, dacc):
    c = lax.axis_index("c")
    s = lax.axis_index("s")
    one = jnp.ones((DW,), jnp.float32)
    zv = jnp.zeros((DW,), jnp.float32)

    def fill(i, carry):
        ones_b[i, :] = one
        zb16[i, :] = zv
        return carry

    lax.fori_loop(0, CHUNK, fill, None)
    wid = c * NS + s
    pltpu.sync_copy(dst_hbm.at[pl.ds(wid * CPW, CPW)], idx_d)
    base = s * RPT
    for k in range(RPT // CHUNK):
        pltpu.sync_copy(zb16, dacc.at[pl.ds(base + k * CHUNK, CHUNK)])
    rem = RPT % CHUNK
    if rem:
        pltpu.sync_copy(zb16.at[pl.ds(0, rem)],
                        dacc.at[pl.ds(base + RPT - rem, rem)])
    plsc.subcore_barrier()

    def chunk_body(j, carry):
        pltpu.sync_copy(ones_b, dacc.at[idx_d.at[j]], add=True)
        return carry

    lax.fori_loop(0, CPW, chunk_body, None)
    plsc.subcore_barrier()

    @pl.when(c == 0)
    def _():
        pltpu.sync_copy(dacc.at[pl.ds(base, RPT)],
                        deg0_hbm.at[pl.ds(base, RPT)])

    @pl.when(c == 1)
    def _():
        pltpu.sync_copy(dacc.at[pl.ds(base, RPT)],
                        deg1_hbm.at[pl.ds(base, RPT)])


@functools.partial(
    pl.kernel,
    mesh=_mesh,
    out_type=(jax.ShapeDtypeStruct((NPAD, D), jnp.float32),
              jax.ShapeDtypeStruct((NPAD, D), jnp.float32)),
    scratch_types=[
        pltpu.VMEM((CPW // 2, CHUNK), jnp.int32),
        pltpu.VMEM((CPW // 2, CHUNK), jnp.int32),
        pltpu.VMEM((CHUNK, D), jnp.float32),
        pltpu.VMEM((CHUNK, D), jnp.float32),
        pltpu.VMEM_SHARED((NPAD, D), jnp.float32),
        pltpu.SemaphoreType.DMA,
        pltpu.SemaphoreType.DMA,
        pltpu.SemaphoreType.DMA,
        pltpu.SemaphoreType.DMA,
    ],
)
def _prop_sc(xs_hbm, src_hbm, dst_hbm, out0_hbm, out1_hbm,
             src_v, dst_v, rb0, rb1, accum, sg0a, sg0b, sg1a, sg1b):
    c = lax.axis_index("c")
    s = lax.axis_index("s")
    rbufs = (rb0, rb1)
    sgs = ((sg0a, sg0b), (sg1a, sg1b))
    HC = CHUNK // 2

    def gather(j, nb):
        pltpu.async_copy(xs_hbm.at[src_v.at[j, pl.ds(0, HC)]],
                         rbufs[nb].at[pl.ds(0, HC)], sgs[nb][0])
        pltpu.async_copy(xs_hbm.at[src_v.at[j, pl.ds(HC, HC)]],
                         rbufs[nb].at[pl.ds(HC, HC)], sgs[nb][1])

    def gather_wait(j, b):
        pltpu.make_async_copy(xs_hbm.at[src_v.at[j, pl.ds(0, HC)]],
                              rbufs[b].at[pl.ds(0, HC)], sgs[b][0]).wait()
        pltpu.make_async_copy(xs_hbm.at[src_v.at[j, pl.ds(HC, HC)]],
                              rbufs[b].at[pl.ds(HC, HC)], sgs[b][1]).wait()
    zv = jnp.zeros((16,), jnp.float32)

    def zb(i, carry):
        rb0[i >> 3, pl.ds((i & 7) * 16, 16)] = zv
        return carry

    lax.fori_loop(0, CHUNK * (D // 16), zb, None)
    wid = c * NS + s
    base = s * RPT
    for k in range(RPT // CHUNK):
        pltpu.sync_copy(rb0, accum.at[pl.ds(base + k * CHUNK, CHUNK)])
    rem = RPT % CHUNK
    if rem:
        pltpu.sync_copy(rb0.at[pl.ds(0, rem)],
                        accum.at[pl.ds(base + RPT - rem, rem)])
    plsc.subcore_barrier()

    HPW = CPW // 2

    def pair_body(g, carry):
        for b in range(2):
            j = g * 2 + b
            nb = (b + 1) % 2

            @pl.when(j + 1 < HPW)
            def _():
                gather(j + 1, nb)

            gather_wait(j, b)
            pltpu.sync_copy(rbufs[b], accum.at[dst_v.at[j]], add=True)
        return carry

    for h in range(2):
        pltpu.sync_copy(src_hbm.at[pl.ds(wid * CPW + h * HPW, HPW)], src_v)
        pltpu.sync_copy(dst_hbm.at[pl.ds(wid * CPW + h * HPW, HPW)], dst_v)
        gather(0, 0)
        lax.fori_loop(0, HPW // 2, pair_body, None)
    plsc.subcore_barrier()

    @pl.when(c == 0)
    def _():
        pltpu.sync_copy(accum.at[pl.ds(base, RPT)],
                        out0_hbm.at[pl.ds(base, RPT)])

    @pl.when(c == 1)
    def _():
        pltpu.sync_copy(accum.at[pl.ds(base, RPT)],
                        out1_hbm.at[pl.ds(base, RPT)])



def _dis_from(d0_ref, d1_ref):
    deg = d0_ref[...] + d1_ref[...]
    return lax.rsqrt(deg[:, :1] + 1.0)


def _tc1_body(x_ref, w_ref, d0_ref, d1_ref, o_ref):
    dis = _dis_from(d0_ref, d1_ref)
    y = jnp.dot(x_ref[...], w_ref[...], preferred_element_type=jnp.float32)
    o_ref[...] = y * dis


def _tc1(x, W1, d0, d1):
    return pl.pallas_call(
        _tc1_body,
        grid=(GRID,),
        in_specs=[
            pl.BlockSpec((BLK, D), lambda j: (j, 0)),
            pl.BlockSpec((D, D), lambda j: (0, 0)),
            pl.BlockSpec((BLK, DW), lambda j: (j, 0)),
            pl.BlockSpec((BLK, DW), lambda j: (j, 0)),
        ],
        out_specs=pl.BlockSpec((BLK, D), lambda j: (j, 0)),
        out_shape=jax.ShapeDtypeStruct((N, D), jnp.float32),
    )(x, W1, d0, d1)


def _tc2_body(p0_ref, p1_ref, xs_ref, d0_ref, d1_ref, b_ref, w_ref, o_ref):
    dis = _dis_from(d0_ref, d1_ref)
    h = (p0_ref[...] + p1_ref[...] + xs_ref[...]) * dis + b_ref[...]
    h = jnp.maximum(h, 0.0)
    o_ref[...] = jnp.dot(h, w_ref[...],
                         preferred_element_type=jnp.float32) * dis


def _tc2(p0, p1, xs1, d0, d1, b1r, W2):
    return pl.pallas_call(
        _tc2_body,
        grid=(GRID,),
        in_specs=[
            pl.BlockSpec((BLK, D), lambda j: (j, 0)),
            pl.BlockSpec((BLK, D), lambda j: (j, 0)),
            pl.BlockSpec((BLK, D), lambda j: (j, 0)),
            pl.BlockSpec((BLK, DW), lambda j: (j, 0)),
            pl.BlockSpec((BLK, DW), lambda j: (j, 0)),
            pl.BlockSpec((1, D), lambda j: (0, 0)),
            pl.BlockSpec((D, D), lambda j: (0, 0)),
        ],
        out_specs=pl.BlockSpec((BLK, D), lambda j: (j, 0)),
        out_shape=jax.ShapeDtypeStruct((N, D), jnp.float32),
    )(p0, p1, xs1, d0, d1, b1r, W2)


def _tc3_body(p0_ref, p1_ref, xs_ref, d0_ref, d1_ref, b_ref, o_ref):
    dis = _dis_from(d0_ref, d1_ref)
    h = (p0_ref[...] + p1_ref[...] + xs_ref[...]) * dis + b_ref[...]
    nrm = jnp.sqrt(jnp.sum(h * h, axis=1, keepdims=True))
    h = h / jnp.maximum(nrm, 1e-12)
    m = jnp.max(h, axis=1, keepdims=True)
    e = h - m
    o_ref[...] = e - jnp.log(jnp.sum(jnp.exp(e), axis=1, keepdims=True))


def _tc3(p0, p1, xs2, d0, d1, b2r):
    return pl.pallas_call(
        _tc3_body,
        grid=(GRID,),
        in_specs=[
            pl.BlockSpec((BLK, D), lambda j: (j, 0)),
            pl.BlockSpec((BLK, D), lambda j: (j, 0)),
            pl.BlockSpec((BLK, D), lambda j: (j, 0)),
            pl.BlockSpec((BLK, DW), lambda j: (j, 0)),
            pl.BlockSpec((BLK, DW), lambda j: (j, 0)),
            pl.BlockSpec((1, D), lambda j: (0, 0)),
        ],
        out_specs=pl.BlockSpec((BLK, D), lambda j: (j, 0)),
        out_shape=jax.ShapeDtypeStruct((N, D), jnp.float32),
    )(p0, p1, xs2, d0, d1, b2r)



def kernel(x, edge_index, drop, W1, b1, W2, b2):
    src = edge_index[0].astype(jnp.int32)
    dst = edge_index[1].astype(jnp.int32)
    padn = E_PAD - E
    src_p = jnp.concatenate([src, jnp.zeros((padn,), jnp.int32)])
    src_p = src_p.reshape(NW * CPW, CHUNK)
    dst_p = jnp.concatenate([dst, jnp.full((padn,), N, jnp.int32)])
    dst_p = dst_p.reshape(NW * CPW, CHUNK)

    d0, d1 = _deg_sc(dst_p)
    b1r = b1.reshape(1, D)
    b2r = b2.reshape(1, D)

    xs1 = _tc1(x, W1, d0, d1)
    p10, p11 = _prop_sc(xs1, src_p, dst_p)
    xs2 = _tc2(p10, p11, xs1, d0, d1, b1r, W2)
    p20, p21 = _prop_sc(xs2, src_p, dst_p)
    return _tc3(p20, p21, xs2, d0, d1, b2r)

# --- scband reference (transcript-rebuilt; emitter-appended) ---
"""Pipeline reference for scband-gcn-encoder-27754078666900 (READ-ONLY COPY).

The authoritative reference and input builder live on the scoring server;
editing this copy changes nothing except your own understanding.
"""

import jax, jax.numpy as jnp
import numpy as np

N = 10000
E = 320000
D_IN = 128
D_H = 128
D_OUT = 128


def setup_inputs(seed: int = 0) -> dict:
    key = jax.random.key(seed)
    k1, k2, k3, k4, k5, k6 = jax.random.split(key, 6)
    x = jax.random.normal(k1, (N, D_IN), dtype=jnp.float32)
    edge_index = jax.random.randint(k2, (2, E), 0, N, dtype=jnp.int64)
    # GCNConv params (PyG convention: weight [in, out], out = x @ W)
    W1 = jax.random.normal(k3, (D_IN, D_H), dtype=jnp.float32) * (1.0 / np.sqrt(D_IN))
    b1 = jnp.zeros((D_H,), dtype=jnp.float32)
    W2 = jax.random.normal(k4, (D_H, D_OUT), dtype=jnp.float32) * (1.0 / np.sqrt(D_H))
    b2 = jnp.zeros((D_OUT,), dtype=jnp.float32)
    drop = 0  # dropout prob; eval-mode forward -> identity
    return {"x": x, "edge_index": edge_index, "drop": drop, "W1": W1, "b1": b1, "W2": W2, "b2": b2}


def _gcn_conv(x, edge_index, W, b):
    num_nodes = x.shape[0]
    x = x @ W
    loop = jnp.arange(num_nodes, dtype=edge_index.dtype)
    src = jnp.concatenate([edge_index[0], loop])
    dst = jnp.concatenate([edge_index[1], loop])
    deg = jnp.zeros((num_nodes,), dtype=x.dtype).at[dst].add(1.0)
    dis = jnp.where(deg > 0, jax.lax.rsqrt(jnp.maximum(deg, 1e-12)), 0.0)
    norm = dis[src] * dis[dst]
    msgs = x[src] * norm[:, None]
    out = jnp.zeros((num_nodes, x.shape[1]), dtype=x.dtype).at[dst].add(msgs)
    return out + b


def reference(x, edge_index, drop, W1, b1, W2, b2):
    h = _gcn_conv(x, edge_index, W1, b1)
    h = jax.nn.relu(h)
    # F.dropout(p=drop, training=self.training): eval mode -> identity
    h = _gcn_conv(h, edge_index, W2, b2)
    nrm = jnp.sqrt(jnp.sum(h * h, axis=1, keepdims=True))
    h = h / jnp.maximum(nrm, 1e-12)
    return jax.nn.log_softmax(h, axis=1)

if __name__ == "__main__":
    import jax
    _d = setup_inputs()
    print(jax.jit(kernel)(*tuple(_d.values())))

</pallas_src>

<mosaic_0001>
#map = affine_map<(d0, d1) -> (0, 0)>
module attributes {stable_mosaic.version = 14 : i64} {
  func.func @_deg_sc(%arg0: i32, %arg1: i32, %arg2: memref<2560x128xi32, #tpu.memory_space<hbm>>, %arg3: memref<10112x16xf32, #tpu.memory_space<hbm>>, %arg4: memref<10112x16xf32, #tpu.memory_space<hbm>>, %arg5: memref<80x128xi32, #tpu.memory_space<vmem>>, %arg6: memref<128x16xf32, #tpu.memory_space<vmem>>, %arg7: memref<128x16xf32, #tpu.memory_space<vmem>>, %arg8: memref<10112x16xf32, #tpu.memory_space<vmem_shared>>) attributes {dimension_semantics = [#tpu.dimension_semantics<core_parallel>, #tpu.dimension_semantics<subcore_parallel>], iteration_bounds = array<i64: 2, 16>, scalar_prefetch = 0 : i64, scratch_operands = 4 : i64, tpu.core_type = #tpu.core_type<sc_vector_subcore>, window_params = [{transform_indices = #map}, {transform_indices = #map}, {transform_indices = #map}]} {
    %broadcast_in_dim3A = arith.constant 1.000000e+00 : f32
    %broadcast_in_dim3A_0 = vector.broadcast %broadcast_in_dim3A : f32 to vector<16xf32>
    %broadcast_in_dim3A_1 = arith.constant 0.000000e+00 : f32
    %broadcast_in_dim3A_2 = vector.broadcast %broadcast_in_dim3A_1 : f32 to vector<16xf32>
    %scan3A = arith.constant 0 : i32
    %scan3A_3 = arith.constant 128 : i32
    %scan3A_4 = arith.addi %scan3A, %scan3A_3 : i32
    %scan3A_5 = arith.constant 1 : i32
    scf.for %scan3A_36 = %scan3A to %scan3A_4 step %scan3A_5  : i32 {
      %swap3A = arith.index_cast %scan3A_36 : i32 to index
      %swap3A_37 = arith.constant 0 : index
      %swap3A_38 = tpu.vector_load %arg6[%swap3A, %swap3A_37] {strides = array<i32>} : memref<128x16xf32, #tpu.memory_space<vmem>>, vector<1x16xf32>,
      %swap3A_39 = vector.shape_cast %swap3A_38 : vector<1x16xf32> to vector<16xf32>
      %swap3A_40 = vector.shape_cast %broadcast_in_dim3A_0 : vector<16xf32> to vector<1x16xf32>
      tpu.vector_store %arg6[%swap3A, %swap3A_37], %swap3A_40 {strides = array<i32>} : memref<128x16xf32, #tpu.memory_space<vmem>>, vector<1x16xf32>,
      %swap3A_41 = arith.index_cast %scan3A_36 : i32 to index
      %swap3A_42 = arith.constant 0 : index
      %swap3A_43 = tpu.vector_load %arg7[%swap3A_41, %swap3A_42] {strides = array<i32>} : memref<128x16xf32, #tpu.memory_space<vmem>>, vector<1x16xf32>,
      %swap3A_44 = vector.shape_cast %swap3A_43 : vector<1x16xf32> to vector<16xf32>
      %swap3A_45 = vector.shape_cast %broadcast_in_dim3A_2 : vector<16xf32> to vector<1x16xf32>
      tpu.vector_store %arg7[%swap3A_41, %swap3A_42], %swap3A_45 {strides = array<i32>} : memref<128x16xf32, #tpu.memory_space<vmem>>, vector<1x16xf32>,
    }
    %scan3A_6 = arith.constant 128 : i32
    %mul3A = arith.constant 16 : i32
    %mul3A_7 = arith.muli %arg0, %mul3A : i32
    %add3A = arith.addi %mul3A_7, %arg1 : i32
    %mul3A_8 = arith.constant 80 : i32
    %mul3A_9 = arith.muli %add3A, %mul3A_8 : i32
    "tpu.region"() ({
      %run_scoped3A = tpu.sem_alloc : memref<!tpu.dma_semaphore, #tpu.memory_space<semaphore_mem>>
      %dma_start3A = arith.constant 0 : i32
      %dma_start3A_36 = tpu.memref_slice %arg2[%mul3A_9, %dma_start3A] : memref<2560x128xi32, #tpu.memory_space<hbm>> -> memref<80x128xi32, #tpu.memory_space<hbm>>
      %dma_start3A_37 = arith.constant 0 : i32
      %dma_start3A_38 = tpu.memref_slice %arg2[%mul3A_9, %dma_start3A_37] : memref<2560x128xi32, #tpu.memory_space<hbm>> -> memref<80x128xi32, #tpu.memory_space<hbm>>
      tpu.enqueue_dma source(%dma_start3A_38 : memref<80x128xi32, #tpu.memory_space<hbm>>) target(%arg5 : memref<80x128xi32, #tpu.memory_space<vmem>>) target_semaphore(%run_scoped3A : memref<!tpu.dma_semaphore, #tpu.memory_space<semaphore_mem>>)
      %dma_wait3A = arith.constant 0 : i32
      %dma_wait3A_39 = tpu.memref_slice %arg2[%mul3A_9, %dma_wait3A] : memref<2560x128xi32, #tpu.memory_space<hbm>> -> memref<80x128xi32, #tpu.memory_space<hbm>>
      %dma_wait3A_40 = arith.constant 0 : i32
      %dma_wait3A_41 = tpu.memref_slice %arg2[%mul3A_9, %dma_wait3A_40] : memref<2560x128xi32, #tpu.memory_space<hbm>> -> memref<80x128xi32, #tpu.memory_space<hbm>>
      tpu.wait_dma2 semaphore(%run_scoped3A : memref<!tpu.dma_semaphore, #tpu.memory_space<semaphore_mem>>) src(%dma_wait3A_41 : memref<80x128xi32, #tpu.memory_space<hbm>>) dst(%arg5 : memref<80x128xi32, #tpu.memory_space<vmem>>)
      tpu.yield
    }) : () -> ()
    %mul3A_10 = arith.constant 632 : i32
    %mul3A_11 = arith.muli %arg1, %mul3A_10 : i32
    %add3A_12 = arith.constant 0 : i32
    %add3A_13 = arith.addi %mul3A_11, %add3A_12 : i32
    "tpu.region"() ({
      %run_scoped3A = tpu.sem_alloc : memref<!tpu.dma_semaphore, #tpu.memory_space<semaphore_mem>>
      %dma_start3A = arith.constant 0 : i32
      %dma_start3A_36 = tpu.memref_slice %arg8[%add3A_13, %dma_start3A] : memref<10112x16xf32, #tpu.memory_space<vmem_shared>> -> memref<128x16xf32, #tpu.memory_space<vmem_shared>>
      %dma_start3A_37 = arith.constant 0 : i32
      %dma_start3A_38 = tpu.memref_slice %arg8[%add3A_13, %dma_start3A_37] : memref<10112x16xf32, #tpu.memory_space<vmem_shared>> -> memref<128x16xf32, #tpu.memory_space<vmem_shared>>
      tpu.enqueue_dma source(%arg7 : memref<128x16xf32, #tpu.memory_space<vmem>>) target(%dma_start3A_38 : memref<128x16xf32, #tpu.memory_space<vmem_shared>>) target_semaphore(%run_scoped3A : memref<!tpu.dma_semaphore, #tpu.memory_space<semaphore_mem>>)
      %dma_wait3A = arith.constant 0 : i32
      %dma_wait3A_39 = tpu.memref_slice %arg8[%add3A_13, %dma_wait3A] : memref<10112x16xf32, #tpu.memory_space<vmem_shared>> -> memref<128x16xf32, #tpu.memory_space<vmem_shared>>
      %dma_wait3A_40 = arith.constant 0 : i32
      %dma_wait3A_41 = tpu.memref_slice %arg8[%add3A_13, %dma_wait3A_40] : memref<10112x16xf32, #tpu.memory_space<vmem_shared>> -> memref<128x16xf32, #tpu.memory_space<vmem_shared>>
      tpu.wait_dma2 semaphore(%run_scoped3A : memref<!tpu.dma_semaphore, #tpu.memory_space<semaphore_mem>>) src(%arg7 : memref<128x16xf32, #tpu.memory_space<vmem>>) dst(%dma_wait3A_41 : memref<128x16xf32, #tpu.memory_space<vmem_shared>>)
      tpu.yield
    }) : () -> ()
    %add3A_14 = arith.constant 128 : i32
    %add3A_15 = arith.addi %mul3A_11, %add3A_14 : i32
    "tpu.region"() ({
      %run_scoped3A = tpu.sem_alloc : memref<!tpu.dma_semaphore, #tpu.memory_space<semaphore_mem>>
      %dma_start3A = arith.constant 0 : i32
      %dma_start3A_36 = tpu.memref_slice %arg8[%add3A_15, %dma_start3A] : memref<10112x16xf32, #tpu.memory_space<vmem_shared>> -> memref<128x16xf32, #tpu.memory_space<vmem_shared>>
      %dma_start3A_37 = arith.constant 0 : i32
      %dma_start3A_38 = tpu.memref_slice %arg8[%add3A_15, %dma_start3A_37] : memref<10112x16xf32, #tpu.memory_space<vmem_shared>> -> memref<128x16xf32, #tpu.memory_space<vmem_shared>>
      tpu.enqueue_dma source(%arg7 : memref<128x16xf32, #tpu.memory_space<vmem>>) target(%dma_start3A_38 : memref<128x16xf32, #tpu.memory_space<vmem_shared>>) target_semaphore(%run_scoped3A : memref<!tpu.dma_semaphore, #tpu.memory_space<semaphore_mem>>)
      %dma_wait3A = arith.constant 0 : i32
      %dma_wait3A_39 = tpu.memref_slice %arg8[%add3A_15, %dma_wait3A] : memref<10112x16xf32, #tpu.memory_space<vmem_shared>> -> memref<128x16xf32, #tpu.memory_space<vmem_shared>>
      %dma_wait3A_40 = arith.constant 0 : i32
      %dma_wait3A_41 = tpu.memref_slice %arg8[%add3A_15, %dma_wait3A_40] : memref<10112x16xf32, #tpu.memory_space<vmem_shared>> -> memref<128x16xf32, #tpu.memory_space<vmem_shared>>
      tpu.wait_dma2 semaphore(%run_scoped3A : memref<!tpu.dma_semaphore, #tpu.memory_space<semaphore_mem>>) src(%arg7 : memref<128x16xf32, #tpu.memory_space<vmem>>) dst(%dma_wait3A_41 : memref<128x16xf32, #tpu.memory_space<vmem_shared>>)
      tpu.yield
    }) : () -> ()
    %add3A_16 = arith.constant 256 : i32
    %add3A_17 = arith.addi %mul3A_11, %add3A_16 : i32
    "tpu.region"() ({
      %run_scoped3A = tpu.sem_alloc : memref<!tpu.dma_semaphore, #tpu.memory_space<semaphore_mem>>
      %dma_start3A = arith.constant 0 : i32
      %dma_start3A_36 = tpu.memref_slice %arg8[%add3A_17, %dma_start3A] : memref<10112x16xf32, #tpu.memory_space<vmem_shared>> -> memref<128x16xf32, #tpu.memory_space<vmem_shared>>
      %dma_start3A_37 = arith.constant 0 : i32
      %dma_start3A_38 = tpu.memref_slice %arg8[%add3A_17, %dma_start3A_37] : memref<10112x16xf32, #tpu.memory_space<vmem_shared>> -> memref<128x16xf32, #tpu.memory_space<vmem_shared>>
      tpu.enqueue_dma source(%arg7 : memref<128x16xf32, #tpu.memory_space<vmem>>) target(%dma_start3A_38 : memref<128x16xf32, #tpu.memory_space<vmem_shared>>) target_semaphore(%run_scoped3A : memref<!tpu.dma_semaphore, #tpu.memory_space<semaphore_mem>>)
      %dma_wait3A = arith.constant 0 : i32
      %dma_wait3A_39 = tpu.memref_slice %arg8[%add3A_17, %dma_wait3A] : memref<10112x16xf32, #tpu.memory_space<vmem_shared>> -> memref<128x16xf32, #tpu.memory_space<vmem_shared>>
      %dma_wait3A_40 = arith.constant 0 : i32
      %dma_wait3A_41 = tpu.memref_slice %arg8[%add3A_17, %dma_wait3A_40] : memref<10112x16xf32, #tpu.memory_space<vmem_shared>> -> memref<128x16xf32, #tpu.memory_space<vmem_shared>>
      tpu.wait_dma2 semaphore(%run_scoped3A : memref<!tpu.dma_semaphore, #tpu.memory_space<semaphore_mem>>) src(%arg7 : memref<128x16xf32, #tpu.memory_space<vmem>>) dst(%dma_wait3A_41 : memref<128x16xf32, #tpu.memory_space<vmem_shared>>)
      tpu.yield
    }) : () -> ()
    %add3A_18 = arith.constant 384 : i32
    %add3A_19 = arith.addi %mul3A_11, %add3A_18 : i32
    "tpu.region"() ({
      %run_scoped3A = tpu.sem_alloc : memref<!tpu.dma_semaphore, #tpu.memory_space<semaphore_mem>>
      %dma_start3A = arith.constant 0 : i32
      %dma_start3A_36 = tpu.memref_slice %arg8[%add3A_19, %dma_start3A] : memref<10112x16xf32, #tpu.memory_space<vmem_shared>> -> memref<128x16xf32, #tpu.memory_space<vmem_shared>>
      %dma_start3A_37 = arith.constant 0 : i32
      %dma_start3A_38 = tpu.memref_slice %arg8[%add3A_19, %dma_start3A_37] : memref<10112x16xf32, #tpu.memory_space<vmem_shared>> -> memref<128x16xf32, #tpu.memory_space<vmem_shared>>
      tpu.enqueue_dma source(%arg7 : memref<128x16xf32, #tpu.memory_space<vmem>>) target(%dma_start3A_38 : memref<128x16xf32, #tpu.memory_space<vmem_shared>>) target_semaphore(%run_scoped3A : memref<!tpu.dma_semaphore, #tpu.memory_space<semaphore_mem>>)
      %dma_wait3A = arith.constant 0 : i32
      %dma_wait3A_39 = tpu.memref_slice %arg8[%add3A_19, %dma_wait3A] : memref<10112x16xf32, #tpu.memory_space<vmem_shared>> -> memref<128x16xf32, #tpu.memory_space<vmem_shared>>
      %dma_wait3A_40 = arith.constant 0 : i32
      %dma_wait3A_41 = tpu.memref_slice %arg8[%add3A_19, %dma_wait3A_40] : memref<10112x16xf32, #tpu.memory_space<vmem_shared>> -> memref<128x16xf32, #tpu.memory_space<vmem_shared>>
      tpu.wait_dma2 semaphore(%run_scoped3A : memref<!tpu.dma_semaphore, #tpu.memory_space<semaphore_mem>>) src(%arg7 : memref<128x16xf32, #tpu.memory_space<vmem>>) dst(%dma_wait3A_41 : memref<128x16xf32, #tpu.memory_space<vmem_shared>>)
      tpu.yield
    }) : () -> ()
    %add3A_20 = arith.constant 632 : i32
    %add3A_21 = arith.addi %mul3A_11, %add3A_20 : i32
    %sub3A = arith.constant 120 : i32
    %sub3A_22 = arith.subi %add3A_21, %sub3A : i32
    "tpu.region"() ({
      %run_scoped3A = tpu.sem_alloc : memref<!tpu.dma_semaphore, #tpu.memory_space<semaphore_mem>>
      %dma_start3A = arith.constant 0 : i32
      %dma_start3A_36 = arith.constant 0 : i32
      %dma_start3A_37 = tpu.memref_slice %arg7[%dma_start3A, %dma_start3A_36] : memref<128x16xf32, #tpu.memory_space<vmem>> -> memref<120x16xf32, #tpu.memory_space<vmem>>
      %dma_start3A_38 = arith.constant 0 : i32
      %dma_start3A_39 = tpu.memref_slice %arg8[%sub3A_22, %dma_start3A_38] : memref<10112x16xf32, #tpu.memory_space<vmem_shared>> -> memref<120x16xf32, #tpu.memory_space<vmem_shared>>
      %dma_start3A_40 = arith.constant 0 : i32
      %dma_start3A_41 = tpu.memref_slice %arg8[%sub3A_22, %dma_start3A_40] : memref<10112x16xf32, #tpu.memory_space<vmem_shared>> -> memref<120x16xf32, #tpu.memory_space<vmem_shared>>
      %dma_start3A_42 = arith.constant 0 : i32
      %dma_start3A_43 = arith.constant 0 : i32
      %dma_start3A_44 = tpu.memref_slice %arg7[%dma_start3A_42, %dma_start3A_43] : memref<128x16xf32, #tpu.memory_space<vmem>> -> memref<120x16xf32, #tpu.memory_space<vmem>>
      tpu.enqueue_dma source(%dma_start3A_44 : memref<120x16xf32, #tpu.memory_space<vmem>>) target(%dma_start3A_41 : memref<120x16xf32, #tpu.memory_space<vmem_shared>>) target_semaphore(%run_scoped3A : memref<!tpu.dma_semaphore, #tpu.memory_space<semaphore_mem>>)
      %dma_wait3A = arith.constant 0 : i32
      %dma_wait3A_45 = arith.constant 0 : i32
      %dma_wait3A_46 = tpu.memref_slice %arg7[%dma_wait3A, %dma_wait3A_45] : memref<128x16xf32, #tpu.memory_space<vmem>> -> memref<120x16xf32, #tpu.memory_space<vmem>>
      %dma_wait3A_47 = arith.constant 0 : i32
      %dma_wait3A_48 = tpu.memref_slice %arg8[%sub3A_22, %dma_wait3A_47] : memref<10112x16xf32, #tpu.memory_space<vmem_shared>> -> memref<120x16xf32, #tpu.memory_space<vmem_shared>>
      %dma_wait3A_49 = arith.constant 0 : i32
      %dma_wait3A_50 = tpu.memref_slice %arg8[%sub3A_22, %dma_wait3A_49] : memref<10112x16xf32, #tpu.memory_space<vmem_shared>> -> memref<120x16xf32, #tpu.memory_space<vmem_shared>>
      %dma_wait3A_51 = arith.constant 0 : i32
      %dma_wait3A_52 = arith.constant 0 : i32
      %dma_wait3A_53 = tpu.memref_slice %arg7[%dma_wait3A_51, %dma_wait3A_52] : memref<128x16xf32, #tpu.memory_space<vmem>> -> memref<120x16xf32, #tpu.memory_space<vmem>>
      tpu.wait_dma2 semaphore(%run_scoped3A : memref<!tpu.dma_semaphore, #tpu.memory_space<semaphore_mem>>) src(%dma_wait3A_53 : memref<120x16xf32, #tpu.memory_space<vmem>>) dst(%dma_wait3A_50 : memref<120x16xf32, #tpu.memory_space<vmem_shared>>)
      tpu.yield
    }) : () -> ()
    %barrier3A = arith.constant 0 : index
    tpu.barrier barrier_id(%barrier3A)
    %scan3A_23 = arith.constant 0 : i32
    %scan3A_24 = arith.constant 80 : i32
    %scan3A_25 = arith.addi %scan3A_23, %scan3A_24 : i32
    %scan3A_26 = arith.constant 1 : i32
    scf.for %scan3A_36 = %scan3A_23 to %scan3A_25 step %scan3A_26  : i32 {
      "tpu.region"() ({
        %run_scoped3A = tpu.sem_alloc : memref<!tpu.dma_semaphore, #tpu.memory_space<semaphore_mem>>
        %dma_start3A = arith.constant 0 : i32
        %dma_start3A_37 = tpu.memref_slice %arg5[%scan3A_36, %dma_start3A] : memref<80x128xi32, #tpu.memory_space<vmem>> -> memref<1x128xi32, #tpu.memory_space<vmem>>
        %dma_start3A_38 = tpu.memref_squeeze %dma_start3A_37 : memref<1x128xi32, #tpu.memory_space<vmem>> -> memref<128xi32, #tpu.memory_space<vmem>>
        %dma_start3A_39 = arith.constant 0 : i32
        %dma_start3A_40 = arith.constant 0 : i32
        %dma_start3A_41 = tpu.memref_slice %arg8[%dma_start3A_39, %dma_start3A_40] : memref<10112x16xf32, #tpu.memory_space<vmem_shared>> -> memref<10112x16xf32, #tpu.memory_space<vmem_shared>>
        tpu.enqueue_indirect_dma source(%arg6 : memref<128x16xf32, #tpu.memory_space<vmem>>) target(%dma_start3A_41 : memref<10112x16xf32, #tpu.memory_space<vmem_shared>>) offsets(%dma_start3A_38 : memref<128xi32, #tpu.memory_space<vmem>>) semaphore(%run_scoped3A : memref<!tpu.dma_semaphore, #tpu.memory_space<semaphore_mem>>) {add = true}
        %dma_wait3A = arith.constant 0 : i32
        %dma_wait3A_42 = tpu.memref_slice %arg5[%scan3A_36, %dma_wait3A] : memref<80x128xi32, #tpu.memory_space<vmem>> -> memref<1x128xi32, #tpu.memory_space<vmem>>
        %dma_wait3A_43 = tpu.memref_squeeze %dma_wait3A_42 : memref<1x128xi32, #tpu.memory_space<vmem>> -> memref<128xi32, #tpu.memory_space<vmem>>
        %dma_wait3A_44 = arith.constant 0 : i32
        %dma_wait3A_45 = arith.constant 0 : i32
        %dma_wait3A_46 = tpu.memref_slice %arg8[%dma_wait3A_44, %dma_wait3A_45] : memref<10112x16xf32, #tpu.memory_space<vmem_shared>> -> memref<10112x16xf32, #tpu.memory_space<vmem_shared>>
        tpu.wait_indirect_dma semaphore(%run_scoped3A : memref<!tpu.dma_semaphore, #tpu.memory_space<semaphore_mem>>) src(%arg6 : memref<128x16xf32, #tpu.memory_space<vmem>>) dst(%dma_wait3A_46 : memref<10112x16xf32, #tpu.memory_space<vmem_shared>>)
        tpu.yield
      }) : () -> ()
    }
    %scan3A_27 = arith.constant 80 : i32
    %barrier3A_28 = arith.constant 0 : index
    tpu.barrier barrier_id(%barrier3A_28)
    %eq3A = arith.constant 0 : i32
    %eq3A_29 = arith.cmpi eq, %arg0, %eq3A : i32
    %convert_element_type3A = arith.extui %eq3A_29 : i1 to i32
    %cond3A = arith.constant 0 : i32
    %cond3A_30 = arith.cmpi ne, %convert_element_type3A, %cond3A : i32
    scf.if %cond3A_30 {
      "tpu.region"() ({
        %run_scoped3A = tpu.sem_alloc : memref<!tpu.dma_semaphore, #tpu.memory_space<semaphore_mem>>
        %dma_start3A = arith.constant 0 : i32
        %dma_start3A_36 = tpu.memref_slice %arg3[%mul3A_11, %dma_start3A] : memref<10112x16xf32, #tpu.memory_space<hbm>> -> memref<632x16xf32, #tpu.memory_space<hbm>>
        %dma_start3A_37 = arith.constant 0 : i32
        %dma_start3A_38 = tpu.memref_slice %arg8[%mul3A_11, %dma_start3A_37] : memref<10112x16xf32, #tpu.memory_space<vmem_shared>> -> memref<632x16xf32, #tpu.memory_space<vmem_shared>>
        tpu.enqueue_dma source(%dma_start3A_38 : memref<632x16xf32, #tpu.memory_space<vmem_shared>>) target(%dma_start3A_36 : memref<632x16xf32, #tpu.memory_space<hbm>>) target_semaphore(%run_scoped3A : memref<!tpu.dma_semaphore, #tpu.memory_space<semaphore_mem>>)
        %dma_wait3A = arith.constant 0 : i32
        %dma_wait3A_39 = tpu.memref_slice %arg3[%mul3A_11, %dma_wait3A] : memref<10112x16xf32, #tpu.memory_space<hbm>> -> memref<632x16xf32, #tpu.memory_space<hbm>>
        %dma_wait3A_40 = arith.constant 0 : i32
        %dma_wait3A_41 = tpu.memref_slice %arg8[%mul3A_11, %dma_wait3A_40] : memref<10112x16xf32, #tpu.memory_space<vmem_shared>> -> memref<632x16xf32, #tpu.memory_space<vmem_shared>>
        tpu.wait_dma2 semaphore(%run_scoped3A : memref<!tpu.dma_semaphore, #tpu.memory_space<semaphore_mem>>) src(%dma_wait3A_41 : memref<632x16xf32, #tpu.memory_space<vmem_shared>>) dst(%dma_wait3A_39 : memref<632x16xf32, #tpu.memory_space<hbm>>)
        tpu.yield
      }) : () -> ()
    } else {
    }
    %eq3A_31 = arith.constant 1 : i32
    %eq3A_32 = arith.cmpi eq, %arg0, %eq3A_31 : i32
    %convert_element_type3A_33 = arith.extui %eq3A_32 : i1 to i32
    %cond3A_34 = arith.constant 0 : i32
    %cond3A_35 = arith.cmpi ne, %convert_element_type3A_33, %cond3A_34 : i32
    scf.if %cond3A_35 {
      "tpu.region"() ({
        %run_scoped3A = tpu.sem_alloc : memref<!tpu.dma_semaphore, #tpu.memory_space<semaphore_mem>>
        %dma_start3A = arith.constant 0 : i32
        %dma_start3A_36 = tpu.memref_slice %arg4[%mul3A_11, %dma_start3A] : memref<10112x16xf32, #tpu.memory_space<hbm>> -> memref<632x16xf32, #tpu.memory_space<hbm>>
        %dma_start3A_37 = arith.constant 0 : i32
        %dma_start3A_38 = tpu.memref_slice %arg8[%mul3A_11, %dma_start3A_37] : memref<10112x16xf32, #tpu.memory_space<vmem_shared>> -> memref<632x16xf32, #tpu.memory_space<vmem_shared>>
        tpu.enqueue_dma source(%dma_start3A_38 : memref<632x16xf32, #tpu.memory_space<vmem_shared>>) target(%dma_start3A_36 : memref<632x16xf32, #tpu.memory_space<hbm>>) target_semaphore(%run_scoped3A : memref<!tpu.dma_semaphore, #tpu.memory_space<semaphore_mem>>)
        %dma_wait3A = arith.constant 0 : i32
        %dma_wait3A_39 = tpu.memref_slice %arg4[%mul3A_11, %dma_wait3A] : memref<10112x16xf32, #tpu.memory_space<hbm>> -> memref<632x16xf32, #tpu.memory_space<hbm>>
        %dma_wait3A_40 = arith.constant 0 : i32
        %dma_wait3A_41 = tpu.memref_slice %arg8[%mul3A_11, %dma_wait3A_40] : memref<10112x16xf32, #tpu.memory_space<vmem_shared>> -> memref<632x16xf32, #tpu.memory_space<vmem_shared>>
        tpu.wait_dma2 semaphore(%run_scoped3A : memref<!tpu.dma_semaphore, #tpu.memory_space<semaphore_mem>>) src(%dma_wait3A_41 : memref<632x16xf32, #tpu.memory_space<vmem_shared>>) dst(%dma_wait3A_39 : memref<632x16xf32, #tpu.memory_space<hbm>>)
        tpu.yield
      }) : () -> ()
    } else {
    }
    return
  }
}

#map = affine_map<(d0, d1) -> (0, 0)>
module attributes {stable_mosaic.version = 14 : i64} {
  func.func @_prop_sc(%arg0: i32, %arg1: i32, %arg2: memref<10000x128xf32, #tpu.memory_space<hbm>>, %arg3: memref<2560x128xi32, #tpu.memory_space<hbm>>, %arg4: memref<2560x128xi32, #tpu.memory_space<hbm>>, %arg5: memref<10112x128xf32, #tpu.memory_space<hbm>>, %arg6: memref<10112x128xf32, #tpu.memory_space<hbm>>, %arg7: memref<40x128xi32, #tpu.memory_space<vmem>>, %arg8: memref<40x128xi32, #tpu.memory_space<vmem>>, %arg9: memref<128x128xf32, #tpu.memory_space<vmem>>, %arg10: memref<128x128xf32, #tpu.memory_space<vmem>>, %arg11: memref<10112x128xf32, #tpu.memory_space<vmem_shared>>, %arg12: memref<!tpu.dma_semaphore, #tpu.memory_space<semaphore_mem>>, %arg13: memref<!tpu.dma_semaphore, #tpu.memory_space<semaphore_mem>>, %arg14: memref<!tpu.dma_semaphore, #tpu.memory_space<semaphore_mem>>, %arg15: memref<!tpu.dma_semaphore, #tpu.memory_space<semaphore_mem>>) attributes {dimension_semantics = [#tpu.dimension_semantics<core_parallel>, #tpu.dimension_semantics<subcore_parallel>], iteration_bounds = array<i64: 2, 16>, scalar_prefetch = 0 : i64, scratch_operands = 9 : i64, tpu.core_type = #tpu.core_type<sc_vector_subcore>, window_params = [{transform_indices = #map}, {transform_indices = #map}, {transform_indices = #map}, {transform_indices = #map}, {transform_indices = #map}]} {
    %broadcast_in_dim3A = arith.constant 0.000000e+00 : f32
    %broadcast_in_dim3A_0 = vector.broadcast %broadcast_in_dim3A : f32 to vector<16xf32>
    %scan3A = arith.constant 0 : i32
    %scan3A_1 = arith.constant 1024 : i32
    %scan3A_2 = arith.addi %scan3A, %scan3A_1 : i32
    %scan3A_3 = arith.constant 1 : i32
    scf.for %scan3A_92 = %scan3A to %scan3A_2 step %scan3A_3  : i32 {
      %shift_right_arithmetic3A = arith.constant 3 : i32
      %shift_right_arithmetic3A_93 = arith.shrsi %scan3A_92, %shift_right_arithmetic3A : i32
      %and3A = arith.constant 7 : i32
      %and3A_94 = arith.andi %scan3A_92, %and3A : i32
      %mul3A_95 = arith.constant 16 : i32
      %mul3A_96 = arith.muli %and3A_94, %mul3A_95 : i32
      %swap3A = arith.index_cast %shift_right_arithmetic3A_93 : i32 to index
      %swap3A_97 = arith.index_cast %mul3A_96 : i32 to index
      %swap3A_98 = tpu.vector_load %arg9[%swap3A, %swap3A_97] {strides = array<i32>} : memref<128x128xf32, #tpu.memory_space<vmem>>, vector<1x16xf32>,
      %swap3A_99 = vector.shape_cast %swap3A_98 : vector<1x16xf32> to vector<16xf32>
      %swap3A_100 = vector.shape_cast %broadcast_in_dim3A_0 : vector<16xf32> to vector<1x16xf32>
      tpu.vector_store %arg9[%swap3A, %swap3A_97], %swap3A_100 {strides = array<i32>} : memref<128x128xf32, #tpu.memory_space<vmem>>, vector<1x16xf32>,
    }
    %scan3A_4 = arith.constant 1024 : i32
    %mul3A = arith.constant 16 : i32
    %mul3A_5 = arith.muli %arg0, %mul3A : i32
    %add3A = arith.addi %mul3A_5, %arg1 : i32
    %mul3A_6 = arith.constant 632 : i32
    %mul3A_7 = arith.muli %arg1, %mul3A_6 : i32
    %add3A_8 = arith.constant 0 : i32
    %add3A_9 = arith.addi %mul3A_7, %add3A_8 : i32
    "tpu.region"() ({
      %run_scoped3A = tpu.sem_alloc : memref<!tpu.dma_semaphore, #tpu.memory_space<semaphore_mem>>
      %dma_start3A_92 = arith.constant 0 : i32
      %dma_start3A_93 = tpu.memref_slice %arg11[%add3A_9, %dma_start3A_92] : memref<10112x128xf32, #tpu.memory_space<vmem_shared>> -> memref<128x128xf32, #tpu.memory_space<vmem_shared>>
      %dma_start3A_94 = arith.constant 0 : i32
      %dma_start3A_95 = tpu.memref_slice %arg11[%add3A_9, %dma_start3A_94] : memref<10112x128xf32, #tpu.memory_space<vmem_shared>> -> memref<128x128xf32, #tpu.memory_space<vmem_shared>>
      tpu.enqueue_dma source(%arg9 : memref<128x128xf32, #tpu.memory_space<vmem>>) target(%dma_start3A_95 : memref<128x128xf32, #tpu.memory_space<vmem_shared>>) target_semaphore(%run_scoped3A : memref<!tpu.dma_semaphore, #tpu.memory_space<semaphore_mem>>)
      %dma_wait3A = arith.constant 0 : i32
      %dma_wait3A_96 = tpu.memref_slice %arg11[%add3A_9, %dma_wait3A] : memref<10112x128xf32, #tpu.memory_space<vmem_shared>> -> memref<128x128xf32, #tpu.memory_space<vmem_shared>>
      %dma_wait3A_97 = arith.constant 0 : i32
      %dma_wait3A_98 = tpu.memref_slice %arg11[%add3A_9, %dma_wait3A_97] : memref<10112x128xf32, #tpu.memory_space<vmem_shared>> -> memref<128x128xf32, #tpu.memory_space<vmem_shared>>
      tpu.wait_dma2 semaphore(%run_scoped3A : memref<!tpu.dma_semaphore, #tpu.memory_space<semaphore_mem>>) src(%arg9 : memref<128x128xf32, #tpu.memory_space<vmem>>) dst(%dma_wait3A_98 : memref<128x128xf32, #tpu.memory_space<vmem_shared>>)
      tpu.yield
    }) : () -> ()
    %add3A_10 = arith.constant 128 : i32
    %add3A_11 = arith.addi %mul3A_7, %add3A_10 : i32
    "tpu.region"() ({
      %run_scoped3A = tpu.sem_alloc : memref<!tpu.dma_semaphore, #tpu.memory_space<semaphore_mem>>
      %dma_start3A_92 = arith.constant 0 : i32
      %dma_start3A_93 = tpu.memref_slice %arg11[%add3A_11, %dma_start3A_92] : memref<10112x128xf32, #tpu.memory_space<vmem_shared>> -> memref<128x128xf32, #tpu.memory_space<vmem_shared>>
      %dma_start3A_94 = arith.constant 0 : i32
      %dma_start3A_95 = tpu.memref_slice %arg11[%add3A_11, %dma_start3A_94] : memref<10112x128xf32, #tpu.memory_space<vmem_shared>> -> memref<128x128xf32, #tpu.memory_space<vmem_shared>>
      tpu.enqueue_dma source(%arg9 : memref<128x128xf32, #tpu.memory_space<vmem>>) target(%dma_start3A_95 : memref<128x128xf32, #tpu.memory_space<vmem_shared>>) target_semaphore(%run_scoped3A : memref<!tpu.dma_semaphore, #tpu.memory_space<semaphore_mem>>)
      %dma_wait3A = arith.constant 0 : i32
      %dma_wait3A_96 = tpu.memref_slice %arg11[%add3A_11, %dma_wait3A] : memref<10112x128xf32, #tpu.memory_space<vmem_shared>> -> memref<128x128xf32, #tpu.memory_space<vmem_shared>>
      %dma_wait3A_97 = arith.constant 0 : i32
      %dma_wait3A_98 = tpu.memref_slice %arg11[%add3A_11, %dma_wait3A_97] : memref<10112x128xf32, #tpu.memory_space<vmem_shared>> -> memref<128x128xf32, #tpu.memory_space<vmem_shared>>
      tpu.wait_dma2 semaphore(%run_scoped3A : memref<!tpu.dma_semaphore, #tpu.memory_space<semaphore_mem>>) src(%arg9 : memref<128x128xf32, #tpu.memory_space<vmem>>) dst(%dma_wait3A_98 : memref<128x128xf32, #tpu.memory_space<vmem_shared>>)
      tpu.yield
    }) : () -> ()
    %add3A_12 = arith.constant 256 : i32
    %add3A_13 = arith.addi %mul3A_7, %add3A_12 : i32
    "tpu.region"() ({
      %run_scoped3A = tpu.sem_alloc : memref<!tpu.dma_semaphore, #tpu.memory_space<semaphore_mem>>
      %dma_start3A_92 = arith.constant 0 : i32
      %dma_start3A_93 = tpu.memref_slice %arg11[%add3A_13, %dma_start3A_92] : memref<10112x128xf32, #tpu.memory_space<vmem_shared>> -> memref<128x128xf32, #tpu.memory_space<vmem_shared>>
      %dma_start3A_94 = arith.constant 0 : i32
      %dma_start3A_95 = tpu.memref_slice %arg11[%add3A_13, %dma_start3A_94] : memref<10112x128xf32, #tpu.memory_space<vmem_shared>> -> memref<128x128xf32, #tpu.memory_space<vmem_shared>>
      tpu.enqueue_dma source(%arg9 : memref<128x128xf32, #tpu.memory_space<vmem>>) target(%dma_start3A_95 : memref<128x128xf32, #tpu.memory_space<vmem_shared>>) target_semaphore(%run_scoped3A : memref<!tpu.dma_semaphore, #tpu.memory_space<semaphore_mem>>)
      %dma_wait3A = arith.constant 0 : i32
      %dma_wait3A_96 = tpu.memref_slice %arg11[%add3A_13, %dma_wait3A] : memref<10112x128xf32, #tpu.memory_space<vmem_shared>> -> memref<128x128xf32, #tpu.memory_space<vmem_shared>>
      %dma_wait3A_97 = arith.constant 0 : i32
      %dma_wait3A_98 = tpu.memref_slice %arg11[%add3A_13, %dma_wait3A_97] : memref<10112x128xf32, #tpu.memory_space<vmem_shared>> -> memref<128x128xf32, #tpu.memory_space<vmem_shared>>
      tpu.wait_dma2 semaphore(%run_scoped3A : memref<!tpu.dma_semaphore, #tpu.memory_space<semaphore_mem>>) src(%arg9 : memref<128x128xf32, #tpu.memory_space<vmem>>) dst(%dma_wait3A_98 : memref<128x128xf32, #tpu.memory_space<vmem_shared>>)
      tpu.yield
    }) : () -> ()
    %add3A_14 = arith.constant 384 : i32
    %add3A_15 = arith.addi %mul3A_7, %add3A_14 : i32
    "tpu.region"() ({
      %run_scoped3A = tpu.sem_alloc : memref<!tpu.dma_semaphore, #tpu.memory_space<semaphore_mem>>
      %dma_start3A_92 = arith.constant 0 : i32
      %dma_start3A_93 = tpu.memref_slice %arg11[%add3A_15, %dma_start3A_92] : memref<10112x128xf32, #tpu.memory_space<vmem_shared>> -> memref<128x128xf32, #tpu.memory_space<vmem_shared>>
      %dma_start3A_94 = arith.constant 0 : i32
      %dma_start3A_95 = tpu.memref_slice %arg11[%add3A_15, %dma_start3A_94] : memref<10112x128xf32, #tpu.memory_space<vmem_shared>> -> memref<128x128xf32, #tpu.memory_space<vmem_shared>>
      tpu.enqueue_dma source(%arg9 : memref<128x128xf32, #tpu.memory_space<vmem>>) target(%dma_start3A_95 : memref<128x128xf32, #tpu.memory_space<vmem_shared>>) target_semaphore(%run_scoped3A : memref<!tpu.dma_semaphore, #tpu.memory_space<semaphore_mem>>)
      %dma_wait3A = arith.constant 0 : i32
      %dma_wait3A_96 = tpu.memref_slice %arg11[%add3A_15, %dma_wait3A] : memref<10112x128xf32, #tpu.memory_space<vmem_shared>> -> memref<128x128xf32, #tpu.memory_space<vmem_shared>>
      %dma_wait3A_97 = arith.constant 0 : i32
      %dma_wait3A_98 = tpu.memref_slice %arg11[%add3A_15, %dma_wait3A_97] : memref<10112x128xf32, #tpu.memory_space<vmem_shared>> -> memref<128x128xf32, #tpu.memory_space<vmem_shared>>
      tpu.wait_dma2 semaphore(%run_scoped3A : memref<!tpu.dma_semaphore, #tpu.memory_space<semaphore_mem>>) src(%arg9 : memref<128x128xf32, #tpu.memory_space<vmem>>) dst(%dma_wait3A_98 : memref<128x128xf32, #tpu.memory_space<vmem_shared>>)
      tpu.yield
    }) : () -> ()
    %add3A_16 = arith.constant 632 : i32
    %add3A_17 = arith.addi %mul3A_7, %add3A_16 : i32
    %sub3A = arith.constant 120 : i32
    %sub3A_18 = arith.subi %add3A_17, %sub3A : i32
    "tpu.region"() ({
      %run_scoped3A = tpu.sem_alloc : memref<!tpu.dma_semaphore, #tpu.memory_space<semaphore_mem>>
      %dma_start3A_92 = arith.constant 0 : i32
      %dma_start3A_93 = arith.constant 0 : i32
      %dma_start3A_94 = tpu.memref_slice %arg9[%dma_start3A_92, %dma_start3A_93] : memref<128x128xf32, #tpu.memory_space<vmem>> -> memref<120x128xf32, #tpu.memory_space<vmem>>
      %dma_start3A_95 = arith.constant 0 : i32
      %dma_start3A_96 = tpu.memref_slice %arg11[%sub3A_18, %dma_start3A_95] : memref<10112x128xf32, #tpu.memory_space<vmem_shared>> -> memref<120x128xf32, #tpu.memory_space<vmem_shared>>
      %dma_start3A_97 = arith.constant 0 : i32
      %dma_start3A_98 = tpu.memref_slice %arg11[%sub3A_18, %dma_start3A_97] : memref<10112x128xf32, #tpu.memory_space<vmem_shared>> -> memref<120x128xf32, #tpu.memory_space<vmem_shared>>
      %dma_start3A_99 = arith.constant 0 : i32
      %dma_start3A_100 = arith.constant 0 : i32
      %dma_start3A_101 = tpu.memref_slice %arg9[%dma_start3A_99, %dma_start3A_100] : memref<128x128xf32, #tpu.memory_space<vmem>> -> memref<120x128xf32, #tpu.memory_space<vmem>>
      tpu.enqueue_dma source(%dma_start3A_101 : memref<120x128xf32, #tpu.memory_space<vmem>>) target(%dma_start3A_98 : memref<120x128xf32, #tpu.memory_space<vmem_shared>>) target_semaphore(%run_scoped3A : memref<!tpu.dma_semaphore, #tpu.memory_space<semaphore_mem>>)
      %dma_wait3A = arith.constant 0 : i32
      %dma_wait3A_102 = arith.constant 0 : i32
      %dma_wait3A_103 = tpu.memref_slice %arg9[%dma_wait3A, %dma_wait3A_102] : memref<128x128xf32, #tpu.memory_space<vmem>> -> memref<120x128xf32, #tpu.memory_space<vmem>>
      %dma_wait3A_104 = arith.constant 0 : i32
      %dma_wait3A_105 = tpu.memref_slice %arg11[%sub3A_18, %dma_wait3A_104] : memref<10112x128xf32, #tpu.memory_space<vmem_shared>> -> memref<120x128xf32, #tpu.memory_space<vmem_shared>>
      %dma_wait3A_106 = arith.constant 0 : i32
      %dma_wait3A_107 = tpu.memref_slice %arg11[%sub3A_18, %dma_wait3A_106] : memref<10112x128xf32, #tpu.memory_space<vmem_shared>> -> memref<120x128xf32, #tpu.memory_space<vmem_shared>>
      %dma_wait3A_108 = arith.constant 0 : i32
      %dma_wait3A_109 = arith.constant 0 : i32
      %dma_wait3A_110 = tpu.memref_slice %arg9[%dma_wait3A_108, %dma_wait3A_109] : memref<128x128xf32, #tpu.memory_space<vmem>> -> memref<120x128xf32, #tpu.memory_space<vmem>>
      tpu.wait_dma2 semaphore(%run_scoped3A : memref<!tpu.dma_semaphore, #tpu.memory_space<semaphore_mem>>) src(%dma_wait3A_110 : memref<120x128xf32, #tpu.memory_space<vmem>>) dst(%dma_wait3A_107 : memref<120x128xf32, #tpu.memory_space<vmem_shared>>)
      tpu.yield
    }) : () -> ()
    %barrier3A = arith.constant 0 : index
    tpu.barrier barrier_id(%barrier3A)
    %mul3A_19 = arith.constant 80 : i32
    %mul3A_20 = arith.muli %add3A, %mul3A_19 : i32
    %add3A_21 = arith.constant 0 : i32
    %add3A_22 = arith.addi %mul3A_20, %add3A_21 : i32
    "tpu.region"() ({
      %run_scoped3A = tpu.sem_alloc : memref<!tpu.dma_semaphore, #tpu.memory_space<semaphore_mem>>
      %dma_start3A_92 = arith.constant 0 : i32
      %dma_start3A_93 = tpu.memref_slice %arg3[%add3A_22, %dma_start3A_92] : memref<2560x128xi32, #tpu.memory_space<hbm>> -> memref<40x128xi32, #tpu.memory_space<hbm>>
      %dma_start3A_94 = arith.constant 0 : i32
      %dma_start3A_95 = tpu.memref_slice %arg3[%add3A_22, %dma_start3A_94] : memref<2560x128xi32, #tpu.memory_space<hbm>> -> memref<40x128xi32, #tpu.memory_space<hbm>>
      tpu.enqueue_dma source(%dma_start3A_95 : memref<40x128xi32, #tpu.memory_space<hbm>>) target(%arg7 : memref<40x128xi32, #tpu.memory_space<vmem>>) target_semaphore(%run_scoped3A : memref<!tpu.dma_semaphore, #tpu.memory_space<semaphore_mem>>)
      %dma_wait3A = arith.constant 0 : i32
      %dma_wait3A_96 = tpu.memref_slice %arg3[%add3A_22, %dma_wait3A] : memref<2560x128xi32, #tpu.memory_space<hbm>> -> memref<40x128xi32, #tpu.memory_space<hbm>>
      %dma_wait3A_97 = arith.constant 0 : i32
      %dma_wait3A_98 = tpu.memref_slice %arg3[%add3A_22, %dma_wait3A_97] : memref<2560x128xi32, #tpu.memory_space<hbm>> -> memref<40x128xi32, #tpu.memory_space<hbm>>
      tpu.wait_dma2 semaphore(%run_scoped3A : memref<!tpu.dma_semaphore, #tpu.memory_space<semaphore_mem>>) src(%dma_wait3A_98 : memref<40x128xi32, #tpu.memory_space<hbm>>) dst(%arg7 : memref<40x128xi32, #tpu.memory_space<vmem>>)
      tpu.yield
    }) : () -> ()
    %mul3A_23 = arith.constant 80 : i32
    %mul3A_24 = arith.muli %add3A, %mul3A_23 : i32
    %add3A_25 = arith.constant 0 : i32
    %add3A_26 = arith.addi %mul3A_24, %add3A_25 : i32
    "tpu.region"() ({
      %run_scoped3A = tpu.sem_alloc : memref<!tpu.dma_semaphore, #tpu.memory_space<semaphore_mem>>
      %dma_start3A_92 = arith.constant 0 : i32
      %dma_start3A_93 = tpu.memref_slice %arg4[%add3A_26, %dma_start3A_92] : memref<2560x128xi32, #tpu.memory_space<hbm>> -> memref<40x128xi32, #tpu.memory_space<hbm>>
      %dma_start3A_94 = arith.constant 0 : i32
      %dma_start3A_95 = tpu.memref_slice %arg4[%add3A_26, %dma_start3A_94] : memref<2560x128xi32, #tpu.memory_space<hbm>> -> memref<40x128xi32, #tpu.memory_space<hbm>>
      tpu.enqueue_dma source(%dma_start3A_95 : memref<40x128xi32, #tpu.memory_space<hbm>>) target(%arg8 : memref<40x128xi32, #tpu.memory_space<vmem>>) target_semaphore(%run_scoped3A : memref<!tpu.dma_semaphore, #tpu.memory_space<semaphore_mem>>)
      %dma_wait3A = arith.constant 0 : i32
      %dma_wait3A_96 = tpu.memref_slice %arg4[%add3A_26, %dma_wait3A] : memref<2560x128xi32, #tpu.memory_space<hbm>> -> memref<40x128xi32, #tpu.memory_space<hbm>>
      %dma_wait3A_97 = arith.constant 0 : i32
      %dma_wait3A_98 = tpu.memref_slice %arg4[%add3A_26, %dma_wait3A_97] : memref<2560x128xi32, #tpu.memory_space<hbm>> -> memref<40x128xi32, #tpu.memory_space<hbm>>
      tpu.wait_dma2 semaphore(%run_scoped3A : memref<!tpu.dma_semaphore, #tpu.memory_space<semaphore_mem>>) src(%dma_wait3A_98 : memref<40x128xi32, #tpu.memory_space<hbm>>) dst(%arg8 : memref<40x128xi32, #tpu.memory_space<vmem>>)
      tpu.yield
    }) : () -> ()
    %dma_start3A = arith.constant 0 : i32
    %dma_start3A_27 = arith.constant 0 : i32
    %dma_start3A_28 = arith.constant 0 : i32
    %dma_start3A_29 = tpu.memref_slice %arg9[%dma_start3A_27, %dma_start3A_28] : memref<128x128xf32, #tpu.memory_space<vmem>> -> memref<64x128xf32, #tpu.memory_space<vmem>>
    %dma_start3A_30 = arith.constant 0 : i32
    %dma_start3A_31 = tpu.memref_slice %arg7[%dma_start3A, %dma_start3A_30] : memref<40x128xi32, #tpu.memory_space<vmem>> -> memref<1x64xi32, #tpu.memory_space<vmem>>
    %dma_start3A_32 = tpu.memref_squeeze %dma_start3A_31 : memref<1x64xi32, #tpu.memory_space<vmem>> -> memref<64xi32, #tpu.memory_space<vmem>>
    %dma_start3A_33 = arith.constant 0 : i32
    %dma_start3A_34 = arith.constant 0 : i32
    %dma_start3A_35 = tpu.memref_slice %arg2[%dma_start3A_33, %dma_start3A_34] : memref<10000x128xf32, #tpu.memory_space<hbm>> -> memref<10000x128xf32, #tpu.memory_space<hbm>>
    tpu.enqueue_indirect_dma source(%dma_start3A_35 : memref<10000x128xf32, #tpu.memory_space<hbm>>) target(%dma_start3A_29 : memref<64x128xf32, #tpu.memory_space<vmem>>) offsets(%dma_start3A_32 : memref<64xi32, #tpu.memory_space<vmem>>) semaphore(%arg12 : memref<!tpu.dma_semaphore, #tpu.memory_space<semaphore_mem>>)
    %dma_start3A_36 = arith.constant 0 : i32
    %dma_start3A_37 = arith.constant 64 : i32
    %dma_start3A_38 = arith.constant 0 : i32
    %dma_start3A_39 = tpu.memref_slice %arg9[%dma_start3A_37, %dma_start3A_38] : memref<128x128xf32, #tpu.memory_space<vmem>> -> memref<64x128xf32, #tpu.memory_space<vmem>>
    %dma_start3A_40 = arith.constant 64 : i32
    %dma_start3A_41 = tpu.memref_slice %arg7[%dma_start3A_36, %dma_start3A_40] : memref<40x128xi32, #tpu.memory_space<vmem>> -> memref<1x64xi32, #tpu.memory_space<vmem>>
    %dma_start3A_42 = tpu.memref_squeeze %dma_start3A_41 : memref<1x64xi32, #tpu.memory_space<vmem>> -> memref<64xi32, #tpu.memory_space<vmem>>
    %dma_start3A_43 = arith.constant 0 : i32
    %dma_start3A_44 = arith.constant 0 : i32
    %dma_start3A_45 = tpu.memref_slice %arg2[%dma_start3A_43, %dma_start3A_44] : memref<10000x128xf32, #tpu.memory_space<hbm>> -> memref<10000x128xf32, #tpu.memory_space<hbm>>
    tpu.enqueue_indirect_dma source(%dma_start3A_45 : memref<10000x128xf32, #tpu.memory_space<hbm>>) target(%dma_start3A_39 : memref<64x128xf32, #tpu.memory_space<vmem>>) offsets(%dma_start3A_42 : memref<64xi32, #tpu.memory_space<vmem>>) semaphore(%arg13 : memref<!tpu.dma_semaphore, #tpu.memory_space<semaphore_mem>>)
    %scan3A_46 = arith.constant 0 : i32
    %scan3A_47 = arith.constant 20 : i32
    %scan3A_48 = arith.addi %scan3A_46, %scan3A_47 : i32
    %scan3A_49 = arith.constant 1 : i32
    scf.for %scan3A_92 = %scan3A_46 to %scan3A_48 step %scan3A_49  : i32 {
      %mul3A_93 = arith.constant 2 : i32
      %mul3A_94 = arith.muli %scan3A_92, %mul3A_93 : i32
      %add3A_95 = arith.constant 0 : i32
      %add3A_96 = arith.addi %mul3A_94, %add3A_95 : i32
      %add3A_97 = arith.constant 1 : i32
      %add3A_98 = arith.addi %add3A_96, %add3A_97 : i32
      %lt3A = arith.constant 40 : i32
      %lt3A_99 = arith.cmpi slt, %add3A_98, %lt3A : i32
      %convert_element_type3A_100 = arith.extui %lt3A_99 : i1 to i32
      %cond3A_101 = arith.constant 0 : i32
      %cond3A_102 = arith.cmpi ne, %convert_element_type3A_100, %cond3A_101 : i32
      scf.if %cond3A_102 {
        %add3A_149 = arith.constant 1 : i32
        %add3A_150 = arith.addi %add3A_96, %add3A_149 : i32
        %dma_start3A_151 = arith.constant 0 : i32
        %dma_start3A_152 = arith.constant 0 : i32
        %dma_start3A_153 = tpu.memref_slice %arg10[%dma_start3A_151, %dma_start3A_152] : memref<128x128xf32, #tpu.memory_space<vmem>> -> memref<64x128xf32, #tpu.memory_space<vmem>>
        %dma_start3A_154 = arith.constant 0 : i32
        %dma_start3A_155 = tpu.memref_slice %arg7[%add3A_150, %dma_start3A_154] : memref<40x128xi32, #tpu.memory_space<vmem>> -> memref<1x64xi32, #tpu.memory_space<vmem>>
        %dma_start3A_156 = tpu.memref_squeeze %dma_start3A_155 : memref<1x64xi32, #tpu.memory_space<vmem>> -> memref<64xi32, #tpu.memory_space<vmem>>
        %dma_start3A_157 = arith.constant 0 : i32
        %dma_start3A_158 = arith.constant 0 : i32
        %dma_start3A_159 = tpu.memref_slice %arg2[%dma_start3A_157, %dma_start3A_158] : memref<10000x128xf32, #tpu.memory_space<hbm>> -> memref<10000x128xf32, #tpu.memory_space<hbm>>
        tpu.enqueue_indirect_dma source(%dma_start3A_159 : memref<10000x128xf32, #tpu.memory_space<hbm>>) target(%dma_start3A_153 : memref<64x128xf32, #tpu.memory_space<vmem>>) offsets(%dma_start3A_156 : memref<64xi32, #tpu.memory_space<vmem>>) semaphore(%arg14 : memref<!tpu.dma_semaphore, #tpu.memory_space<semaphore_mem>>)
        %dma_start3A_160 = arith.constant 64 : i32
        %dma_start3A_161 = arith.constant 0 : i32
        %dma_start3A_162 = tpu.memref_slice %arg10[%dma_start3A_160, %dma_start3A_161] : memref<128x128xf32, #tpu.memory_space<vmem>> -> memref<64x128xf32, #tpu.memory_space<vmem>>
        %dma_start3A_163 = arith.constant 64 : i32
        %dma_start3A_164 = tpu.memref_slice %arg7[%add3A_150, %dma_start3A_163] : memref<40x128xi32, #tpu.memory_space<vmem>> -> memref<1x64xi32, #tpu.memory_space<vmem>>
        %dma_start3A_165 = tpu.memref_squeeze %dma_start3A_164 : memref<1x64xi32, #tpu.memory_space<vmem>> -> memref<64xi32, #tpu.memory_space<vmem>>
        %dma_start3A_166 = arith.constant 0 : i32
        %dma_start3A_167 = arith.constant 0 : i32
        %dma_start3A_168 = tpu.memref_slice %arg2[%dma_start3A_166, %dma_start3A_167] : memref<10000x128xf32, #tpu.memory_space<hbm>> -> memref<10000x128xf32, #tpu.memory_space<hbm>>
        tpu.enqueue_indirect_dma source(%dma_start3A_168 : memref<10000x128xf32, #tpu.memory_space<hbm>>) target(%dma_start3A_162 : memref<64x128xf32, #tpu.memory_space<vmem>>) offsets(%dma_start3A_165 : memref<64xi32, #tpu.memory_space<vmem>>) semaphore(%arg15 : memref<!tpu.dma_semaphore, #tpu.memory_space<semaphore_mem>>)
      } else {
      }
      %dma_wait3A = arith.constant 0 : i32
      %dma_wait3A_103 = arith.constant 0 : i32
      %dma_wait3A_104 = tpu.memref_slice %arg9[%dma_wait3A, %dma_wait3A_103] : memref<128x128xf32, #tpu.memory_space<vmem>> -> memref<64x128xf32, #tpu.memory_space<vmem>>
      %dma_wait3A_105 = arith.constant 0 : i32
      %dma_wait3A_106 = tpu.memref_slice %arg7[%add3A_96, %dma_wait3A_105] : memref<40x128xi32, #tpu.memory_space<vmem>> -> memref<1x64xi32, #tpu.memory_space<vmem>>
      %dma_wait3A_107 = tpu.memref_squeeze %dma_wait3A_106 : memref<1x64xi32, #tpu.memory_space<vmem>> -> memref<64xi32, #tpu.memory_space<vmem>>
      %dma_wait3A_108 = arith.constant 0 : i32
      %dma_wait3A_109 = arith.constant 0 : i32
      %dma_wait3A_110 = tpu.memref_slice %arg2[%dma_wait3A_108, %dma_wait3A_109] : memref<10000x128xf32, #tpu.memory_space<hbm>> -> memref<10000x128xf32, #tpu.memory_space<hbm>>
      tpu.wait_indirect_dma semaphore(%arg12 : memref<!tpu.dma_semaphore, #tpu.memory_space<semaphore_mem>>) src(%dma_wait3A_110 : memref<10000x128xf32, #tpu.memory_space<hbm>>) dst(%dma_wait3A_104 : memref<64x128xf32, #tpu.memory_space<vmem>>)
      %dma_wait3A_111 = arith.constant 64 : i32
      %dma_wait3A_112 = arith.constant 0 : i32
      %dma_wait3A_113 = tpu.memref_slice %arg9[%dma_wait3A_111, %dma_wait3A_112] : memref<128x128xf32, #tpu.memory_space<vmem>> -> memref<64x128xf32, #tpu.memory_space<vmem>>
      %dma_wait3A_114 = arith.constant 64 : i32
      %dma_wait3A_115 = tpu.memref_slice %arg7[%add3A_96, %dma_wait3A_114] : memref<40x128xi32, #tpu.memory_space<vmem>> -> memref<1x64xi32, #tpu.memory_space<vmem>>
      %dma_wait3A_116 = tpu.memref_squeeze %dma_wait3A_115 : memref<1x64xi32, #tpu.memory_space<vmem>> -> memref<64xi32, #tpu.memory_space<vmem>>
      %dma_wait3A_117 = arith.constant 0 : i32
      %dma_wait3A_118 = arith.constant 0 : i32
      %dma_wait3A_119 = tpu.memref_slice %arg2[%dma_wait3A_117, %dma_wait3A_118] : memref<10000x128xf32, #tpu.memory_space<hbm>> -> memref<10000x128xf32, #tpu.memory_space<hbm>>
      tpu.wait_indirect_dma semaphore(%arg13 : memref<!tpu.dma_semaphore, #tpu.memory_space<semaphore_mem>>) src(%dma_wait3A_119 : memref<10000x128xf32, #tpu.memory_space<hbm>>) dst(%dma_wait3A_113 : memref<64x128xf32, #tpu.memory_space<vmem>>)
      "tpu.region"() ({
        %run_scoped3A = tpu.sem_alloc : memref<!tpu.dma_semaphore, #tpu.memory_space<semaphore_mem>>
        %dma_start3A_149 = arith.constant 0 : i32
        %dma_start3A_150 = tpu.memref_slice %arg8[%add3A_96, %dma_start3A_149] : memref<40x128xi32, #tpu.memory_space<vmem>> -> memref<1x128xi32, #tpu.memory_space<vmem>>
        %dma_start3A_151 = tpu.memref_squeeze %dma_start3A_150 : memref<1x128xi32, #tpu.memory_space<vmem>> -> memref<128xi32, #tpu.memory_space<vmem>>
        %dma_start3A_152 = arith.constant 0 : i32
        %dma_start3A_153 = arith.constant 0 : i32
        %dma_start3A_154 = tpu.memref_slice %arg11[%dma_start3A_152, %dma_start3A_153] : memref<10112x128xf32, #tpu.memory_space<vmem_shared>> -> memref<10112x128xf32, #tpu.memory_space<vmem_shared>>
        tpu.enqueue_indirect_dma source(%arg9 : memref<128x128xf32, #tpu.memory_space<vmem>>) target(%dma_start3A_154 : memref<10112x128xf32, #tpu.memory_space<vmem_shared>>) offsets(%dma_start3A_151 : memref<128xi32, #tpu.memory_space<vmem>>) semaphore(%run_scoped3A : memref<!tpu.dma_semaphore, #tpu.memory_space<semaphore_mem>>) {add = true}
        %dma_wait3A_155 = arith.constant 0 : i32
        %dma_wait3A_156 = tpu.memref_slice %arg8[%add3A_96, %dma_wait3A_155] : memref<40x128xi32, #tpu.memory_space<vmem>> -> memref<1x128xi32, #tpu.memory_space<vmem>>
        %dma_wait3A_157 = tpu.memref_squeeze %dma_wait3A_156 : memref<1x128xi32, #tpu.memory_space<vmem>> -> memref<128xi32, #tpu.memory_space<vmem>>
        %dma_wait3A_158 = arith.constant 0 : i32
        %dma_wait3A_159 = arith.constant 0 : i32
        %dma_wait3A_160 = tpu.memref_slice %arg11[%dma_wait3A_158, %dma_wait3A_159] : memref<10112x128xf32, #tpu.memory_space<vmem_shared>> -> memref<10112x128xf32, #tpu.memory_space<vmem_shared>>
        tpu.wait_indirect_dma semaphore(%run_scoped3A : memref<!tpu.dma_semaphore, #tpu.memory_space<semaphore_mem>>) src(%arg9 : memref<128x128xf32, #tpu.memory_space<vmem>>) dst(%dma_wait3A_160 : memref<10112x128xf32, #tpu.memory_space<vmem_shared>>)
        tpu.yield
      }) : () -> ()
      %mul3A_120 = arith.constant 2 : i32
      %mul3A_121 = arith.muli %scan3A_92, %mul3A_120 : i32
      %add3A_122 = arith.constant 1 : i32
      %add3A_123 = arith.addi %mul3A_121, %add3A_122 : i32
      %add3A_124 = arith.constant 1 : i32
      %add3A_125 = arith.addi %add3A_123, %add3A_124 : i32
      %lt3A_126 = arith.constant 40 : i32
      %lt3A_127 = arith.cmpi slt, %add3A_125, %lt3A_126 : i32
      %convert_element_type3A_128 = arith.extui %lt3A_127 : i1 to i32
      %cond3A_129 = arith.constant 0 : i32
      %cond3A_130 = arith.cmpi ne, %convert_element_type3A_128, %cond3A_129 : i32
      scf.if %cond3A_130 {
        %add3A_149 = arith.constant 1 : i32
        %add3A_150 = arith.addi %add3A_123, %add3A_149 : i32
        %dma_start3A_151 = arith.constant 0 : i32
        %dma_start3A_152 = arith.constant 0 : i32
        %dma_start3A_153 = tpu.memref_slice %arg9[%dma_start3A_151, %dma_start3A_152] : memref<128x128xf32, #tpu.memory_space<vmem>> -> memref<64x128xf32, #tpu.memory_space<vmem>>
        %dma_start3A_154 = arith.constant 0 : i32
        %dma_start3A_155 = tpu.memref_slice %arg7[%add3A_150, %dma_start3A_154] : memref<40x128xi32, #tpu.memory_space<vmem>> -> memref<1x64xi32, #tpu.memory_space<vmem>>
        %dma_start3A_156 = tpu.memref_squeeze %dma_start3A_155 : memref<1x64xi32, #tpu.memory_space<vmem>> -> memref<64xi32, #tpu.memory_space<vmem>>
        %dma_start3A_157 = arith.constant 0 : i32
        %dma_start3A_158 = arith.constant 0 : i32
        %dma_start3A_159 = tpu.memref_slice %arg2[%dma_start3A_157, %dma_start3A_158] : memref<10000x128xf32, #tpu.memory_space<hbm>> -> memref<10000x128xf32, #tpu.memory_space<hbm>>
        tpu.enqueue_indirect_dma source(%dma_start3A_159 : memref<10000x128xf32, #tpu.memory_space<hbm>>) target(%dma_start3A_153 : memref<64x128xf32, #tpu.memory_space<vmem>>) offsets(%dma_start3A_156 : memref<64xi32, #tpu.memory_space<vmem>>) semaphore(%arg12 : memref<!tpu.dma_semaphore, #tpu.memory_space<semaphore_mem>>)
        %dma_start3A_160 = arith.constant 64 : i32
        %dma_start3A_161 = arith.constant 0 : i32
        %dma_start3A_162 = tpu.memref_slice %arg9[%dma_start3A_160, %dma_start3A_161] : memref<128x128xf32, #tpu.memory_space<vmem>> -> memref<64x128xf32, #tpu.memory_space<vmem>>
        %dma_start3A_163 = arith.constant 64 : i32
        %dma_start3A_164 = tpu.memref_slice %arg7[%add3A_150, %dma_start3A_163] : memref<40x128xi32, #tpu.memory_space<vmem>> -> memref<1x64xi32, #tpu.memory_space<vmem>>
        %dma_start3A_165 = tpu.memref_squeeze %dma_start3A_164 : memref<1x64xi32, #tpu.memory_space<vmem>> -> memref<64xi32, #tpu.memory_space<vmem>>
        %dma_start3A_166 = arith.constant 0 : i32
        %dma_start3A_167 = arith.constant 0 : i32
        %dma_start3A_168 = tpu.memref_slice %arg2[%dma_start3A_166, %dma_start3A_167] : memref<10000x128xf32, #tpu.memory_space<hbm>> -> memref<10000x128xf32, #tpu.memory_space<hbm>>
        tpu.enqueue_indirect_dma source(%dma_start3A_168 : memref<10000x128xf32, #tpu.memory_space<hbm>>) target(%dma_start3A_162 : memref<64x128xf32, #tpu.memory_space<vmem>>) offsets(%dma_start3A_165 : memref<64xi32, #tpu.memory_space<vmem>>) semaphore(%arg13 : memref<!tpu.dma_semaphore, #tpu.memory_space<semaphore_mem>>)
      } else {
      }
      %dma_wait3A_131 = arith.constant 0 : i32
      %dma_wait3A_132 = arith.constant 0 : i32
      %dma_wait3A_133 = tpu.memref_slice %arg10[%dma_wait3A_131, %dma_wait3A_132] : memref<128x128xf32, #tpu.memory_space<vmem>> -> memref<64x128xf32, #tpu.memory_space<vmem>>
      %dma_wait3A_134 = arith.constant 0 : i32
      %dma_wait3A_135 = tpu.memref_slice %arg7[%add3A_123, %dma_wait3A_134] : memref<40x128xi32, #tpu.memory_space<vmem>> -> memref<1x64xi32, #tpu.memory_space<vmem>>
      %dma_wait3A_136 = tpu.memref_squeeze %dma_wait3A_135 : memref<1x64xi32, #tpu.memory_space<vmem>> -> memref<64xi32, #tpu.memory_space<vmem>>
      %dma_wait3A_137 = arith.constant 0 : i32
      %dma_wait3A_138 = arith.constant 0 : i32
      %dma_wait3A_139 = tpu.memref_slice %arg2[%dma_wait3A_137, %dma_wait3A_138] : memref<10000x128xf32, #tpu.memory_space<hbm>> -> memref<10000x128xf32, #tpu.memory_space<hbm>>
      tpu.wait_indirect_dma semaphore(%arg14 : memref<!tpu.dma_semaphore, #tpu.memory_space<semaphore_mem>>) src(%dma_wait3A_139 : memref<10000x128xf32, #tpu.memory_space<hbm>>) dst(%dma_wait3A_133 : memref<64x128xf32, #tpu.memory_space<vmem>>)
      %dma_wait3A_140 = arith.constant 64 : i32
      %dma_wait3A_141 = arith.constant 0 : i32
      %dma_wait3A_142 = tpu.memref_slice %arg10[%dma_wait3A_140, %dma_wait3A_141] : memref<128x128xf32, #tpu.memory_space<vmem>> -> memref<64x128xf32, #tpu.memory_space<vmem>>
      %dma_wait3A_143 = arith.constant 64 : i32
      %dma_wait3A_144 = tpu.memref_slice %arg7[%add3A_123, %dma_wait3A_143] : memref<40x128xi32, #tpu.memory_space<vmem>> -> memref<1x64xi32, #tpu.memory_space<vmem>>
      %dma_wait3A_145 = tpu.memref_squeeze %dma_wait3A_144 : memref<1x64xi32, #tpu.memory_space<vmem>> -> memref<64xi32, #tpu.memory_space<vmem>>
      %dma_wait3A_146 = arith.constant 0 : i32
      %dma_wait3A_147 = arith.constant 0 : i32
      %dma_wait3A_148 = tpu.memref_slice %arg2[%dma_wait3A_146, %dma_wait3A_147] : memref<10000x128xf32, #tpu.memory_space<hbm>> -> memref<10000x128xf32, #tpu.memory_space<hbm>>
      tpu.wait_indirect_dma semaphore(%arg15 : memref<!tpu.dma_semaphore, #tpu.memory_space<semaphore_mem>>) src(%dma_wait3A_148 : memref<10000x128xf32, #tpu.memory_space<hbm>>) dst(%dma_wait3A_142 : memref<64x128xf32, #tpu.memory_space<vmem>>)
      "tpu.region"() ({
        %run_scoped3A = tpu.sem_alloc : memref<!tpu.dma_semaphore, #tpu.memory_space<semaphore_mem>>
        %dma_start3A_149 = arith.constant 0 : i32
        %dma_start3A_150 = tpu.memref_slice %arg8[%add3A_123, %dma_start3A_149] : memref<40x128xi32, #tpu.memory_space<vmem>> -> memref<1x128xi32, #tpu.memory_space<vmem>>
        %dma_start3A_151 = tpu.memref_squeeze %dma_start3A_150 : memref<1x128xi32, #tpu.memory_space<vmem>> -> memref<128xi32, #tpu.memory_space<vmem>>
        %dma_start3A_152 = arith.constant 0 : i32
        %dma_start3A_153 = arith.constant 0 : i32
        %dma_start3A_154 = tpu.memref_slice %arg11[%dma_start3A_152, %dma_start3A_153] : memref<10112x128xf32, #tpu.memory_space<vmem_shared>> -> memref<10112x128xf32, #tpu.memory_space<vmem_shared>>
        tpu.enqueue_indirect_dma source(%arg10 : memref<128x128xf32, #tpu.memory_space<vmem>>) target(%dma_start3A_154 : memref<10112x128xf32, #tpu.memory_space<vmem_shared>>) offsets(%dma_start3A_151 : memref<128xi32, #tpu.memory_space<vmem>>) semaphore(%run_scoped3A : memref<!tpu.dma_semaphore, #tpu.memory_space<semaphore_mem>>) {add = true}
        %dma_wait3A_155 = arith.constant 0 : i32
        %dma_wait3A_156 = tpu.memref_slice %arg8[%add3A_123, %dma_wait3A_155] : memref<40x128xi32, #tpu.memory_space<vmem>> -> memref<1x128xi32, #tpu.memory_space<vmem>>
        %dma_wait3A_157 = tpu.memref_squeeze %dma_wait3A_156 : memref<1x128xi32, #tpu.memory_space<vmem>> -> memref<128xi32, #tpu.memory_space<vmem>>
        %dma_wait3A_158 = arith.constant 0 : i32
        %dma_wait3A_159 = arith.constant 0 : i32
        %dma_wait3A_160 = tpu.memref_slice %arg11[%dma_wait3A_158, %dma_wait3A_159] : memref<10112x128xf32, #tpu.memory_space<vmem_shared>> -> memref<10112x128xf32, #tpu.memory_space<vmem_shared>>
        tpu.wait_indirect_dma semaphore(%run_scoped3A : memref<!tpu.dma_semaphore, #tpu.memory_space<semaphore_mem>>) src(%arg10 : memref<128x128xf32, #tpu.memory_space<vmem>>) dst(%dma_wait3A_160 : memref<10112x128xf32, #tpu.memory_space<vmem_shared>>)
        tpu.yield
      }) : () -> ()
    }
    %scan3A_50 = arith.constant 20 : i32
    %mul3A_51 = arith.constant 80 : i32
    %mul3A_52 = arith.muli %add3A, %mul3A_51 : i32
    %add3A_53 = arith.constant 40 : i32
    %add3A_54 = arith.addi %mul3A_52, %add3A_53 : i32
    "tpu.region"() ({
      %run_scoped3A = tpu.sem_alloc : memref<!tpu.dma_semaphore, #tpu.memory_space<semaphore_mem>>
      %dma_start3A_92 = arith.constant 0 : i32
      %dma_start3A_93 = tpu.memref_slice %arg3[%add3A_54, %dma_start3A_92] : memref<2560x128xi32, #tpu.memory_space<hbm>> -> memref<40x128xi32, #tpu.memory_space<hbm>>
      %dma_start3A_94 = arith.constant 0 : i32
      %dma_start3A_95 = tpu.memref_slice %arg3[%add3A_54, %dma_start3A_94] : memref<2560x128xi32, #tpu.memory_space<hbm>> -> memref<40x128xi32, #tpu.memory_space<hbm>>
      tpu.enqueue_dma source(%dma_start3A_95 : memref<40x128xi32, #tpu.memory_space<hbm>>) target(%arg7 : memref<40x128xi32, #tpu.memory_space<vmem>>) target_semaphore(%run_scoped3A : memref<!tpu.dma_semaphore, #tpu.memory_space<semaphore_mem>>)
      %dma_wait3A = arith.constant 0 : i32
      %dma_wait3A_96 = tpu.memref_slice %arg3[%add3A_54, %dma_wait3A] : memref<2560x128xi32, #tpu.memory_space<hbm>> -> memref<40x128xi32, #tpu.memory_space<hbm>>
      %dma_wait3A_97 = arith.constant 0 : i32
      %dma_wait3A_98 = tpu.memref_slice %arg3[%add3A_54, %dma_wait3A_97] : memref<2560x128xi32, #tpu.memory_space<hbm>> -> memref<40x128xi32, #tpu.memory_space<hbm>>
      tpu.wait_dma2 semaphore(%run_scoped3A : memref<!tpu.dma_semaphore, #tpu.memory_space<semaphore_mem>>) src(%dma_wait3A_98 : memref<40x128xi32, #tpu.memory_space<hbm>>) dst(%arg7 : memref<40x128xi32, #tpu.memory_space<vmem>>)
      tpu.yield
    }) : () -> ()
    %mul3A_55 = arith.constant 80 : i32
    %mul3A_56 = arith.muli %add3A, %mul3A_55 : i32
    %add3A_57 = arith.constant 40 : i32
    %add3A_58 = arith.addi %mul3A_56, %add3A_57 : i32
    "tpu.region"() ({
      %run_scoped3A = tpu.sem_alloc : memref<!tpu.dma_semaphore, #tpu.memory_space<semaphore_mem>>
      %dma_start3A_92 = arith.constant 0 : i32
      %dma_start3A_93 = tpu.memref_slice %arg4[%add3A_58, %dma_start3A_92] : memref<2560x128xi32, #tpu.memory_space<hbm>> -> memref<40x128xi32, #tpu.memory_space<hbm>>
      %dma_start3A_94 = arith.constant 0 : i32
      %dma_start3A_95 = tpu.memref_slice %arg4[%add3A_58, %dma_start3A_94] : memref<2560x128xi32, #tpu.memory_space<hbm>> -> memref<40x128xi32, #tpu.memory_space<hbm>>
      tpu.enqueue_dma source(%dma_start3A_95 : memref<40x128xi32, #tpu.memory_space<hbm>>) target(%arg8 : memref<40x128xi32, #tpu.memory_space<vmem>>) target_semaphore(%run_scoped3A : memref<!tpu.dma_semaphore, #tpu.memory_space<semaphore_mem>>)
      %dma_wait3A = arith.constant 0 : i32
      %dma_wait3A_96 = tpu.memref_slice %arg4[%add3A_58, %dma_wait3A] : memref<2560x128xi32, #tpu.memory_space<hbm>> -> memref<40x128xi32, #tpu.memory_space<hbm>>
      %dma_wait3A_97 = arith.constant 0 : i32
      %dma_wait3A_98 = tpu.memref_slice %arg4[%add3A_58, %dma_wait3A_97] : memref<2560x128xi32, #tpu.memory_space<hbm>> -> memref<40x128xi32, #tpu.memory_space<hbm>>
      tpu.wait_dma2 semaphore(%run_scoped3A : memref<!tpu.dma_semaphore, #tpu.memory_space<semaphore_mem>>) src(%dma_wait3A_98 : memref<40x128xi32, #tpu.memory_space<hbm>>) dst(%arg8 : memref<40x128xi32, #tpu.memory_space<vmem>>)
      tpu.yield
    }) : () -> ()
    %dma_start3A_59 = arith.constant 0 : i32
    %dma_start3A_60 = arith.constant 0 : i32
    %dma_start3A_61 = arith.constant 0 : i32
    %dma_start3A_62 = tpu.memref_slice %arg9[%dma_start3A_60, %dma_start3A_61] : memref<128x128xf32, #tpu.memory_space<vmem>> -> memref<64x128xf32, #tpu.memory_space<vmem>>
    %dma_start3A_63 = arith.constant 0 : i32
    %dma_start3A_64 = tpu.memref_slice %arg7[%dma_start3A_59, %dma_start3A_63] : memref<40x128xi32, #tpu.memory_space<vmem>> -> memref<1x64xi32, #tpu.memory_space<vmem>>
    %dma_start3A_65 = tpu.memref_squeeze %dma_start3A_64 : memref<1x64xi32, #tpu.memory_space<vmem>> -> memref<64xi32, #tpu.memory_space<vmem>>
    %dma_start3A_66 = arith.constant 0 : i32
    %dma_start3A_67 = arith.constant 0 : i32
    %dma_start3A_68 = tpu.memref_slice %arg2[%dma_start3A_66, %dma_start3A_67] : memref<10000x128xf32, #tpu.memory_space<hbm>> -> memref<10000x128xf32, #tpu.memory_space<hbm>>
    tpu.enqueue_indirect_dma source(%dma_start3A_68 : memref<10000x128xf32, #tpu.memory_space<hbm>>) target(%dma_start3A_62 : memref<64x128xf32, #tpu.memory_space<vmem>>) offsets(%dma_start3A_65 : memref<64xi32, #tpu.memory_space<vmem>>) semaphore(%arg12 : memref<!tpu.dma_semaphore, #tpu.memory_space<semaphore_mem>>)
    %dma_start3A_69 = arith.constant 0 : i32
    %dma_start3A_70 = arith.constant 64 : i32
    %dma_start3A_71 = arith.constant 0 : i32
    %dma_start3A_72 = tpu.memref_slice %arg9[%dma_start3A_70, %dma_start3A_71] : memref<128x128xf32, #tpu.memory_space<vmem>> -> memref<64x128xf32, #tpu.memory_space<vmem>>
    %dma_start3A_73 = arith.constant 64 : i32
    %dma_start3A_74 = tpu.memref_slice %arg7[%dma_start3A_69, %dma_start3A_73] : memref<40x128xi32, #tpu.memory_space<vmem>> -> memref<1x64xi32, #tpu.memory_space<vmem>>
    %dma_start3A_75 = tpu.memref_squeeze %dma_start3A_74 : memref<1x64xi32, #tpu.memory_space<vmem>> -> memref<64xi32, #tpu.memory_space<vmem>>
    %dma_start3A_76 = arith.constant 0 : i32
    %dma_start3A_77 = arith.constant 0 : i32
    %dma_start3A_78 = tpu.memref_slice %arg2[%dma_start3A_76, %dma_start3A_77] : memref<10000x128xf32, #tpu.memory_space<hbm>> -> memref<10000x128xf32, #tpu.memory_space<hbm>>
    tpu.enqueue_indirect_dma source(%dma_start3A_78 : memref<10000x128xf32, #tpu.memory_space<hbm>>) target(%dma_start3A_72 : memref<64x128xf32, #tpu.memory_space<vmem>>) offsets(%dma_start3A_75 : memref<64xi32, #tpu.memory_space<vmem>>) semaphore(%arg13 : memref<!tpu.dma_semaphore, #tpu.memory_space<semaphore_mem>>)
    %scan3A_79 = arith.constant 0 : i32
    %scan3A_80 = arith.constant 20 : i32
    %scan3A_81 = arith.addi %scan3A_79, %scan3A_80 : i32
    %scan3A_82 = arith.constant 1 : i32
    scf.for %scan3A_92 = %scan3A_79 to %scan3A_81 step %scan3A_82  : i32 {
      %mul3A_93 = arith.constant 2 : i32
      %mul3A_94 = arith.muli %scan3A_92, %mul3A_93 : i32
      %add3A_95 = arith.constant 0 : i32
      %add3A_96 = arith.addi %mul3A_94, %add3A_95 : i32
      %add3A_97 = arith.constant 1 : i32
      %add3A_98 = arith.addi %add3A_96, %add3A_97 : i32
      %lt3A = arith.constant 40 : i32
      %lt3A_99 = arith.cmpi slt, %add3A_98, %lt3A : i32
      %convert_element_type3A_100 = arith.extui %lt3A_99 : i1 to i32
      %cond3A_101 = arith.constant 0 : i32
      %cond3A_102 = arith.cmpi ne, %convert_element_type3A_100, %cond3A_101 : i32
      scf.if %cond3A_102 {
        %add3A_149 = arith.constant 1 : i32
        %add3A_150 = arith.addi %add3A_96, %add3A_149 : i32
        %dma_start3A_151 = arith.constant 0 : i32
        %dma_start3A_152 = arith.constant 0 : i32
        %dma_start3A_153 = tpu.memref_slice %arg10[%dma_start3A_151, %dma_start3A_152] : memref<128x128xf32, #tpu.memory_space<vmem>> -> memref<64x128xf32, #tpu.memory_space<vmem>>
        %dma_start3A_154 = arith.constant 0 : i32
        %dma_start3A_155 = tpu.memref_slice %arg7[%add3A_150, %dma_start3A_154] : memref<40x128xi32, #tpu.memory_space<vmem>> -> memref<1x64xi32, #tpu.memory_space<vmem>>
        %dma_start3A_156 = tpu.memref_squeeze %dma_start3A_155 : memref<1x64xi32, #tpu.memory_space<vmem>> -> memref<64xi32, #tpu.memory_space<vmem>>
        %dma_start3A_157 = arith.constant 0 : i32
        %dma_start3A_158 = arith.constant 0 : i32
        %dma_start3A_159 = tpu.memref_slice %arg2[%dma_start3A_157, %dma_start3A_158] : memref<10000x128xf32, #tpu.memory_space<hbm>> -> memref<10000x128xf32, #tpu.memory_space<hbm>>
        tpu.enqueue_indirect_dma source(%dma_start3A_159 : memref<10000x128xf32, #tpu.memory_space<hbm>>) target(%dma_start3A_153 : memref<64x128xf32, #tpu.memory_space<vmem>>) offsets(%dma_start3A_156 : memref<64xi32, #tpu.memory_space<vmem>>) semaphore(%arg14 : memref<!tpu.dma_semaphore, #tpu.memory_space<semaphore_mem>>)
        %dma_start3A_160 = arith.constant 64 : i32
        %dma_start3A_161 = arith.constant 0 : i32
        %dma_start3A_162 = tpu.memref_slice %arg10[%dma_start3A_160, %dma_start3A_161] : memref<128x128xf32, #tpu.memory_space<vmem>> -> memref<64x128xf32, #tpu.memory_space<vmem>>
        %dma_start3A_163 = arith.constant 64 : i32
        %dma_start3A_164 = tpu.memref_slice %arg7[%add3A_150, %dma_start3A_163] : memref<40x128xi32, #tpu.memory_space<vmem>> -> memref<1x64xi32, #tpu.memory_space<vmem>>
        %dma_start3A_165 = tpu.memref_squeeze %dma_start3A_164 : memref<1x64xi32, #tpu.memory_space<vmem>> -> memref<64xi32, #tpu.memory_space<vmem>>
        %dma_start3A_166 = arith.constant 0 : i32
        %dma_start3A_167 = arith.constant 0 : i32
        %dma_start3A_168 = tpu.memref_slice %arg2[%dma_start3A_166, %dma_start3A_167] : memref<10000x128xf32, #tpu.memory_space<hbm>> -> memref<10000x128xf32, #tpu.memory_space<hbm>>
        tpu.enqueue_indirect_dma source(%dma_start3A_168 : memref<10000x128xf32, #tpu.memory_space<hbm>>) target(%dma_start3A_162 : memref<64x128xf32, #tpu.memory_space<vmem>>) offsets(%dma_start3A_165 : memref<64xi32, #tpu.memory_space<vmem>>) semaphore(%arg15 : memref<!tpu.dma_semaphore, #tpu.memory_space<semaphore_mem>>)
      } else {
      }
      %dma_wait3A = arith.constant 0 : i32
      %dma_wait3A_103 = arith.constant 0 : i32
      %dma_wait3A_104 = tpu.memref_slice %arg9[%dma_wait3A, %dma_wait3A_103] : memref<128x128xf32, #tpu.memory_space<vmem>> -> memref<64x128xf32, #tpu.memory_space<vmem>>
      %dma_wait3A_105 = arith.constant 0 : i32
      %dma_wait3A_106 = tpu.memref_slice %arg7[%add3A_96, %dma_wait3A_105] : memref<40x128xi32, #tpu.memory_space<vmem>> -> memref<1x64xi32, #tpu.memory_space<vmem>>
      %dma_wait3A_107 = tpu.memref_squeeze %dma_wait3A_106 : memref<1x64xi32, #tpu.memory_space<vmem>> -> memref<64xi32, #tpu.memory_space<vmem>>
      %dma_wait3A_108 = arith.constant 0 : i32
      %dma_wait3A_109 = arith.constant 0 : i32
      %dma_wait3A_110 = tpu.memref_slice %arg2[%dma_wait3A_108, %dma_wait3A_109] : memref<10000x128xf32, #tpu.memory_space<hbm>> -> memref<10000x128xf32, #tpu.memory_space<hbm>>
      tpu.wait_indirect_dma semaphore(%arg12 : memref<!tpu.dma_semaphore, #tpu.memory_space<semaphore_mem>>) src(%dma_wait3A_110 : memref<10000x128xf32, #tpu.memory_space<hbm>>) dst(%dma_wait3A_104 : memref<64x128xf32, #tpu.memory_space<vmem>>)
      %dma_wait3A_111 = arith.constant 64 : i32
      %dma_wait3A_112 = arith.constant 0 : i32
      %dma_wait3A_113 = tpu.memref_slice %arg9[%dma_wait3A_111, %dma_wait3A_112] : memref<128x128xf32, #tpu.memory_space<vmem>> -> memref<64x128xf32, #tpu.memory_space<vmem>>
      %dma_wait3A_114 = arith.constant 64 : i32
      %dma_wait3A_115 = tpu.memref_slice %arg7[%add3A_96, %dma_wait3A_114] : memref<40x128xi32, #tpu.memory_space<vmem>> -> memref<1x64xi32, #tpu.memory_space<vmem>>
      %dma_wait3A_116 = tpu.memref_squeeze %dma_wait3A_115 : memref<1x64xi32, #tpu.memory_space<vmem>> -> memref<64xi32, #tpu.memory_space<vmem>>
      %dma_wait3A_117 = arith.constant 0 : i32
      %dma_wait3A_118 = arith.constant 0 : i32
      %dma_wait3A_119 = tpu.memref_slice %arg2[%dma_wait3A_117, %dma_wait3A_118] : memref<10000x128xf32, #tpu.memory_space<hbm>> -> memref<10000x128xf32, #tpu.memory_space<hbm>>
      tpu.wait_indirect_dma semaphore(%arg13 : memref<!tpu.dma_semaphore, #tpu.memory_space<semaphore_mem>>) src(%dma_wait3A_119 : memref<10000x128xf32, #tpu.memory_space<hbm>>) dst(%dma_wait3A_113 : memref<64x128xf32, #tpu.memory_space<vmem>>)
      "tpu.region"() ({
        %run_scoped3A = tpu.sem_alloc : memref<!tpu.dma_semaphore, #tpu.memory_space<semaphore_mem>>
        %dma_start3A_149 = arith.constant 0 : i32
        %dma_start3A_150 = tpu.memref_slice %arg8[%add3A_96, %dma_start3A_149] : memref<40x128xi32, #tpu.memory_space<vmem>> -> memref<1x128xi32, #tpu.memory_space<vmem>>
        %dma_start3A_151 = tpu.memref_squeeze %dma_start3A_150 : memref<1x128xi32, #tpu.memory_space<vmem>> -> memref<128xi32, #tpu.memory_space<vmem>>
        %dma_start3A_152 = arith.constant 0 : i32
        %dma_start3A_153 = arith.constant 0 : i32
        %dma_start3A_154 = tpu.memref_slice %arg11[%dma_start3A_152, %dma_start3A_153] : memref<10112x128xf32, #tpu.memory_space<vmem_shared>> -> memref<10112x128xf32, #tpu.memory_space<vmem_shared>>
        tpu.enqueue_indirect_dma source(%arg9 : memref<128x128xf32, #tpu.memory_space<vmem>>) target(%dma_start3A_154 : memref<10112x128xf32, #tpu.memory_space<vmem_shared>>) offsets(%dma_start3A_151 : memref<128xi32, #tpu.memory_space<vmem>>) semaphore(%run_scoped3A : memref<!tpu.dma_semaphore, #tpu.memory_space<semaphore_mem>>) {add = true}
        %dma_wait3A_155 = arith.constant 0 : i32
        %dma_wait3A_156 = tpu.memref_slice %arg8[%add3A_96, %dma_wait3A_155] : memref<40x128xi32, #tpu.memory_space<vmem>> -> memref<1x128xi32, #tpu.memory_space<vmem>>
        %dma_wait3A_157 = tpu.memref_squeeze %dma_wait3A_156 : memref<1x128xi32, #tpu.memory_space<vmem>> -> memref<128xi32, #tpu.memory_space<vmem>>
        %dma_wait3A_158 = arith.constant 0 : i32
        %dma_wait3A_159 = arith.constant 0 : i32
        %dma_wait3A_160 = tpu.memref_slice %arg11[%dma_wait3A_158, %dma_wait3A_159] : memref<10112x128xf32, #tpu.memory_space<vmem_shared>> -> memref<10112x128xf32, #tpu.memory_space<vmem_shared>>
        tpu.wait_indirect_dma semaphore(%run_scoped3A : memref<!tpu.dma_semaphore, #tpu.memory_space<semaphore_mem>>) src(%arg9 : memref<128x128xf32, #tpu.memory_space<vmem>>) dst(%dma_wait3A_160 : memref<10112x128xf32, #tpu.memory_space<vmem_shared>>)
        tpu.yield
      }) : () -> ()
      %mul3A_120 = arith.constant 2 : i32
      %mul3A_121 = arith.muli %scan3A_92, %mul3A_120 : i32
      %add3A_122 = arith.constant 1 : i32
      %add3A_123 = arith.addi %mul3A_121, %add3A_122 : i32
      %add3A_124 = arith.constant 1 : i32
      %add3A_125 = arith.addi %add3A_123, %add3A_124 : i32
      %lt3A_126 = arith.constant 40 : i32
      %lt3A_127 = arith.cmpi slt, %add3A_125, %lt3A_126 : i32
      %convert_element_type3A_128 = arith.extui %lt3A_127 : i1 to i32
      %cond3A_129 = arith.constant 0 : i32
      %cond3A_130 = arith.cmpi ne, %convert_element_type3A_128, %cond3A_129 : i32
      scf.if %cond3A_130 {
        %add3A_149 = arith.constant 1 : i32
        %add3A_150 = arith.addi %add3A_123, %add3A_149 : i32
        %dma_start3A_151 = arith.constant 0 : i32
        %dma_start3A_152 = arith.constant 0 : i32
        %dma_start3A_153 = tpu.memref_slice %arg9[%dma_start3A_151, %dma_start3A_152] : memref<128x128xf32, #tpu.memory_space<vmem>> -> memref<64x128xf32, #tpu.memory_space<vmem>>
        %dma_start3A_154 = arith.constant 0 : i32
        %dma_start3A_155 = tpu.memref_slice %arg7[%add3A_150, %dma_start3A_154] : memref<40x128xi32, #tpu.memory_space<vmem>> -> memref<1x64xi32, #tpu.memory_space<vmem>>
        %dma_start3A_156 = tpu.memref_squeeze %dma_start3A_155 : memref<1x64xi32, #tpu.memory_space<vmem>> -> memref<64xi32, #tpu.memory_space<vmem>>
        %dma_start3A_157 = arith.constant 0 : i32
        %dma_start3A_158 = arith.constant 0 : i32
        %dma_start3A_159 = tpu.memref_slice %arg2[%dma_start3A_157, %dma_start3A_158] : memref<10000x128xf32, #tpu.memory_space<hbm>> -> memref<10000x128xf32, #tpu.memory_space<hbm>>
        tpu.enqueue_indirect_dma source(%dma_start3A_159 : memref<10000x128xf32, #tpu.memory_space<hbm>>) target(%dma_start3A_153 : memref<64x128xf32, #tpu.memory_space<vmem>>) offsets(%dma_start3A_156 : memref<64xi32, #tpu.memory_space<vmem>>) semaphore(%arg12 : memref<!tpu.dma_semaphore, #tpu.memory_space<semaphore_mem>>)
        %dma_start3A_160 = arith.constant 64 : i32
        %dma_start3A_161 = arith.constant 0 : i32
        %dma_start3A_162 = tpu.memref_slice %arg9[%dma_start3A_160, %dma_start3A_161] : memref<128x128xf32, #tpu.memory_space<vmem>> -> memref<64x128xf32, #tpu.memory_space<vmem>>
        %dma_start3A_163 = arith.constant 64 : i32
        %dma_start3A_164 = tpu.memref_slice %arg7[%add3A_150, %dma_start3A_163] : memref<40x128xi32, #tpu.memory_space<vmem>> -> memref<1x64xi32, #tpu.memory_space<vmem>>
        %dma_start3A_165 = tpu.memref_squeeze %dma_start3A_164 : memref<1x64xi32, #tpu.memory_space<vmem>> -> memref<64xi32, #tpu.memory_space<vmem>>
        %dma_start3A_166 = arith.constant 0 : i32
        %dma_start3A_167 = arith.constant 0 : i32
        %dma_start3A_168 = tpu.memref_slice %arg2[%dma_start3A_166, %dma_start3A_167] : memref<10000x128xf32, #tpu.memory_space<hbm>> -> memref<10000x128xf32, #tpu.memory_space<hbm>>
        tpu.enqueue_indirect_dma source(%dma_start3A_168 : memref<10000x128xf32, #tpu.memory_space<hbm>>) target(%dma_start3A_162 : memref<64x128xf32, #tpu.memory_space<vmem>>) offsets(%dma_start3A_165 : memref<64xi32, #tpu.memory_space<vmem>>) semaphore(%arg13 : memref<!tpu.dma_semaphore, #tpu.memory_space<semaphore_mem>>)
      } else {
      }
      %dma_wait3A_131 = arith.constant 0 : i32
      %dma_wait3A_132 = arith.constant 0 : i32
      %dma_wait3A_133 = tpu.memref_slice %arg10[%dma_wait3A_131, %dma_wait3A_132] : memref<128x128xf32, #tpu.memory_space<vmem>> -> memref<64x128xf32, #tpu.memory_space<vmem>>
      %dma_wait3A_134 = arith.constant 0 : i32
      %dma_wait3A_135 = tpu.memref_slice %arg7[%add3A_123, %dma_wait3A_134] : memref<40x128xi32, #tpu.memory_space<vmem>> -> memref<1x64xi32, #tpu.memory_space<vmem>>
      %dma_wait3A_136 = tpu.memref_squeeze %dma_wait3A_135 : memref<1x64xi32, #tpu.memory_space<vmem>> -> memref<64xi32, #tpu.memory_space<vmem>>
      %dma_wait3A_137 = arith.constant 0 : i32
      %dma_wait3A_138 = arith.constant 0 : i32
      %dma_wait3A_139 = tpu.memref_slice %arg2[%dma_wait3A_137, %dma_wait3A_138] : memref<10000x128xf32, #tpu.memory_space<hbm>> -> memref<10000x128xf32, #tpu.memory_space<hbm>>
      tpu.wait_indirect_dma semaphore(%arg14 : memref<!tpu.dma_semaphore, #tpu.memory_space<semaphore_mem>>) src(%dma_wait3A_139 : memref<10000x128xf32, #tpu.memory_space<hbm>>) dst(%dma_wait3A_133 : memref<64x128xf32, #tpu.memory_space<vmem>>)
      %dma_wait3A_140 = arith.constant 64 : i32
      %dma_wait3A_141 = arith.constant 0 : i32
      %dma_wait3A_142 = tpu.memref_slice %arg10[%dma_wait3A_140, %dma_wait3A_141] : memref<128x128xf32, #tpu.memory_space<vmem>> -> memref<64x128xf32, #tpu.memory_space<vmem>>
      %dma_wait3A_143 = arith.constant 64 : i32
      %dma_wait3A_144 = tpu.memref_slice %arg7[%add3A_123, %dma_wait3A_143] : memref<40x128xi32, #tpu.memory_space<vmem>> -> memref<1x64xi32, #tpu.memory_space<vmem>>
      %dma_wait3A_145 = tpu.memref_squeeze %dma_wait3A_144 : memref<1x64xi32, #tpu.memory_space<vmem>> -> memref<64xi32, #tpu.memory_space<vmem>>
      %dma_wait3A_146 = arith.constant 0 : i32
      %dma_wait3A_147 = arith.constant 0 : i32
      %dma_wait3A_148 = tpu.memref_slice %arg2[%dma_wait3A_146, %dma_wait3A_147] : memref<10000x128xf32, #tpu.memory_space<hbm>> -> memref<10000x128xf32, #tpu.memory_space<hbm>>
      tpu.wait_indirect_dma semaphore(%arg15 : memref<!tpu.dma_semaphore, #tpu.memory_space<semaphore_mem>>) src(%dma_wait3A_148 : memref<10000x128xf32, #tpu.memory_space<hbm>>) dst(%dma_wait3A_142 : memref<64x128xf32, #tpu.memory_space<vmem>>)
      "tpu.region"() ({
        %run_scoped3A = tpu.sem_alloc : memref<!tpu.dma_semaphore, #tpu.memory_space<semaphore_mem>>
        %dma_start3A_149 = arith.constant 0 : i32
        %dma_start3A_150 = tpu.memref_slice %arg8[%add3A_123, %dma_start3A_149] : memref<40x128xi32, #tpu.memory_space<vmem>> -> memref<1x128xi32, #tpu.memory_space<vmem>>
        %dma_start3A_151 = tpu.memref_squeeze %dma_start3A_150 : memref<1x128xi32, #tpu.memory_space<vmem>> -> memref<128xi32, #tpu.memory_space<vmem>>
        %dma_start3A_152 = arith.constant 0 : i32
        %dma_start3A_153 = arith.constant 0 : i32
        %dma_start3A_154 = tpu.memref_slice %arg11[%dma_start3A_152, %dma_start3A_153] : memref<10112x128xf32, #tpu.memory_space<vmem_shared>> -> memref<10112x128xf32, #tpu.memory_space<vmem_shared>>
        tpu.enqueue_indirect_dma source(%arg10 : memref<128x128xf32, #tpu.memory_space<vmem>>) target(%dma_start3A_154 : memref<10112x128xf32, #tpu.memory_space<vmem_shared>>) offsets(%dma_start3A_151 : memref<128xi32, #tpu.memory_space<vmem>>) semaphore(%run_scoped3A : memref<!tpu.dma_semaphore, #tpu.memory_space<semaphore_mem>>) {add = true}
        %dma_wait3A_155 = arith.constant 0 : i32
        %dma_wait3A_156 = tpu.memref_slice %arg8[%add3A_123, %dma_wait3A_155] : memref<40x128xi32, #tpu.memory_space<vmem>> -> memref<1x128xi32, #tpu.memory_space<vmem>>
        %dma_wait3A_157 = tpu.memref_squeeze %dma_wait3A_156 : memref<1x128xi32, #tpu.memory_space<vmem>> -> memref<128xi32, #tpu.memory_space<vmem>>
        %dma_wait3A_158 = arith.constant 0 : i32
        %dma_wait3A_159 = arith.constant 0 : i32
        %dma_wait3A_160 = tpu.memref_slice %arg11[%dma_wait3A_158, %dma_wait3A_159] : memref<10112x128xf32, #tpu.memory_space<vmem_shared>> -> memref<10112x128xf32, #tpu.memory_space<vmem_shared>>
        tpu.wait_indirect_dma semaphore(%run_scoped3A : memref<!tpu.dma_semaphore, #tpu.memory_space<semaphore_mem>>) src(%arg10 : memref<128x128xf32, #tpu.memory_space<vmem>>) dst(%dma_wait3A_160 : memref<10112x128xf32, #tpu.memory_space<vmem_shared>>)
        tpu.yield
      }) : () -> ()
    }
    %scan3A_83 = arith.constant 20 : i32
    %barrier3A_84 = arith.constant 0 : index
    tpu.barrier barrier_id(%barrier3A_84)
    %eq3A = arith.constant 0 : i32
    %eq3A_85 = arith.cmpi eq, %arg0, %eq3A : i32
    %convert_element_type3A = arith.extui %eq3A_85 : i1 to i32
    %cond3A = arith.constant 0 : i32
    %cond3A_86 = arith.cmpi ne, %convert_element_type3A, %cond3A : i32
    scf.if %cond3A_86 {
      "tpu.region"() ({
        %run_scoped3A = tpu.sem_alloc : memref<!tpu.dma_semaphore, #tpu.memory_space<semaphore_mem>>
        %dma_start3A_92 = arith.constant 0 : i32
        %dma_start3A_93 = tpu.memref_slice %arg5[%mul3A_7, %dma_start3A_92] : memref<10112x128xf32, #tpu.memory_space<hbm>> -> memref<632x128xf32, #tpu.memory_space<hbm>>
        %dma_start3A_94 = arith.constant 0 : i32
        %dma_start3A_95 = tpu.memref_slice %arg11[%mul3A_7, %dma_start3A_94] : memref<10112x128xf32, #tpu.memory_space<vmem_shared>> -> memref<632x128xf32, #tpu.memory_space<vmem_shared>>
        tpu.enqueue_dma source(%dma_start3A_95 : memref<632x128xf32, #tpu.memory_space<vmem_shared>>) target(%dma_start3A_93 : memref<632x128xf32, #tpu.memory_space<hbm>>) target_semaphore(%run_scoped3A : memref<!tpu.dma_semaphore, #tpu.memory_space<semaphore_mem>>)
        %dma_wait3A = arith.constant 0 : i32
        %dma_wait3A_96 = tpu.memref_slice %arg5[%mul3A_7, %dma_wait3A] : memref<10112x128xf32, #tpu.memory_space<hbm>> -> memref<632x128xf32, #tpu.memory_space<hbm>>
        %dma_wait3A_97 = arith.constant 0 : i32
        %dma_wait3A_98 = tpu.memref_slice %arg11[%mul3A_7, %dma_wait3A_97] : memref<10112x128xf32, #tpu.memory_space<vmem_shared>> -> memref<632x128xf32, #tpu.memory_space<vmem_shared>>
        tpu.wait_dma2 semaphore(%run_scoped3A : memref<!tpu.dma_semaphore, #tpu.memory_space<semaphore_mem>>) src(%dma_wait3A_98 : memref<632x128xf32, #tpu.memory_space<vmem_shared>>) dst(%dma_wait3A_96 : memref<632x128xf32, #tpu.memory_space<hbm>>)
        tpu.yield
      }) : () -> ()
    } else {
    }
    %eq3A_87 = arith.constant 1 : i32
    %eq3A_88 = arith.cmpi eq, %arg0, %eq3A_87 : i32
    %convert_element_type3A_89 = arith.extui %eq3A_88 : i1 to i32
    %cond3A_90 = arith.constant 0 : i32
    %cond3A_91 = arith.cmpi ne, %convert_element_type3A_89, %cond3A_90 : i32
    scf.if %cond3A_91 {
      "tpu.region"() ({
        %run_scoped3A = tpu.sem_alloc : memref<!tpu.dma_semaphore, #tpu.memory_space<semaphore_mem>>
        %dma_start3A_92 = arith.constant 0 : i32
        %dma_start3A_93 = tpu.memref_slice %arg6[%mul3A_7, %dma_start3A_92] : memref<10112x128xf32, #tpu.memory_space<hbm>> -> memref<632x128xf32, #tpu.memory_space<hbm>>
        %dma_start3A_94 = arith.constant 0 : i32
        %dma_start3A_95 = tpu.memref_slice %arg11[%mul3A_7, %dma_start3A_94] : memref<10112x128xf32, #tpu.memory_space<vmem_shared>> -> memref<632x128xf32, #tpu.memory_space<vmem_shared>>
        tpu.enqueue_dma source(%dma_start3A_95 : memref<632x128xf32, #tpu.memory_space<vmem_shared>>) target(%dma_start3A_93 : memref<632x128xf32, #tpu.memory_space<hbm>>) target_semaphore(%run_scoped3A : memref<!tpu.dma_semaphore, #tpu.memory_space<semaphore_mem>>)
        %dma_wait3A = arith.constant 0 : i32
        %dma_wait3A_96 = tpu.memref_slice %arg6[%mul3A_7, %dma_wait3A] : memref<10112x128xf32, #tpu.memory_space<hbm>> -> memref<632x128xf32, #tpu.memory_space<hbm>>
        %dma_wait3A_97 = arith.constant 0 : i32
        %dma_wait3A_98 = tpu.memref_slice %arg11[%mul3A_7, %dma_wait3A_97] : memref<10112x128xf32, #tpu.memory_space<vmem_shared>> -> memref<632x128xf32, #tpu.memory_space<vmem_shared>>
        tpu.wait_dma2 semaphore(%run_scoped3A : memref<!tpu.dma_semaphore, #tpu.memory_space<semaphore_mem>>) src(%dma_wait3A_98 : memref<632x128xf32, #tpu.memory_space<vmem_shared>>) dst(%dma_wait3A_96 : memref<632x128xf32, #tpu.memory_space<hbm>>)
        tpu.yield
      }) : () -> ()
    } else {
    }
    return
  }
}

#map = affine_map<(d0, d1) -> (0, 0)>
module attributes {stable_mosaic.version = 14 : i64} {
  func.func @_prop_sc(%arg0: i32, %arg1: i32, %arg2: memref<10000x128xf32, #tpu.memory_space<hbm>>, %arg3: memref<2560x128xi32, #tpu.memory_space<hbm>>, %arg4: memref<2560x128xi32, #tpu.memory_space<hbm>>, %arg5: memref<10112x128xf32, #tpu.memory_space<hbm>>, %arg6: memref<10112x128xf32, #tpu.memory_space<hbm>>, %arg7: memref<40x128xi32, #tpu.memory_space<vmem>>, %arg8: memref<40x128xi32, #tpu.memory_space<vmem>>, %arg9: memref<128x128xf32, #tpu.memory_space<vmem>>, %arg10: memref<128x128xf32, #tpu.memory_space<vmem>>, %arg11: memref<10112x128xf32, #tpu.memory_space<vmem_shared>>, %arg12: memref<!tpu.dma_semaphore, #tpu.memory_space<semaphore_mem>>, %arg13: memref<!tpu.dma_semaphore, #tpu.memory_space<semaphore_mem>>, %arg14: memref<!tpu.dma_semaphore, #tpu.memory_space<semaphore_mem>>, %arg15: memref<!tpu.dma_semaphore, #tpu.memory_space<semaphore_mem>>) attributes {dimension_semantics = [#tpu.dimension_semantics<core_parallel>, #tpu.dimension_semantics<subcore_parallel>], iteration_bounds = array<i64: 2, 16>, scalar_prefetch = 0 : i64, scratch_operands = 9 : i64, tpu.core_type = #tpu.core_type<sc_vector_subcore>, window_params = [{transform_indices = #map}, {transform_indices = #map}, {transform_indices = #map}, {transform_indices = #map}, {transform_indices = #map}]} {
    %broadcast_in_dim3A = arith.constant 0.000000e+00 : f32
    %broadcast_in_dim3A_0 = vector.broadcast %broadcast_in_dim3A : f32 to vector<16xf32>
    %scan3A = arith.constant 0 : i32
    %scan3A_1 = arith.constant 1024 : i32
    %scan3A_2 = arith.addi %scan3A, %scan3A_1 : i32
    %scan3A_3 = arith.constant 1 : i32
    scf.for %scan3A_92 = %scan3A to %scan3A_2 step %scan3A_3  : i32 {
      %shift_right_arithmetic3A = arith.constant 3 : i32
      %shift_right_arithmetic3A_93 = arith.shrsi %scan3A_92, %shift_right_arithmetic3A : i32
      %and3A = arith.constant 7 : i32
      %and3A_94 = arith.andi %scan3A_92, %and3A : i32
      %mul3A_95 = arith.constant 16 : i32
      %mul3A_96 = arith.muli %and3A_94, %mul3A_95 : i32
      %swap3A = arith.index_cast %shift_right_arithmetic3A_93 : i32 to index
      %swap3A_97 = arith.index_cast %mul3A_96 : i32 to index
      %swap3A_98 = tpu.vector_load %arg9[%swap3A, %swap3A_97] {strides = array<i32>} : memref<128x128xf32, #tpu.memory_space<vmem>>, vector<1x16xf32>,
      %swap3A_99 = vector.shape_cast %swap3A_98 : vector<1x16xf32> to vector<16xf32>
      %swap3A_100 = vector.shape_cast %broadcast_in_dim3A_0 : vector<16xf32> to vector<1x16xf32>
      tpu.vector_store %arg9[%swap3A, %swap3A_97], %swap3A_100 {strides = array<i32>} : memref<128x128xf32, #tpu.memory_space<vmem>>, vector<1x16xf32>,
    }
    %scan3A_4 = arith.constant 1024 : i32
    %mul3A = arith.constant 16 : i32
    %mul3A_5 = arith.muli %arg0, %mul3A : i32
    %add3A = arith.addi %mul3A_5, %arg1 : i32
    %mul3A_6 = arith.constant 632 : i32
    %mul3A_7 = arith.muli %arg1, %mul3A_6 : i32
    %add3A_8 = arith.constant 0 : i32
    %add3A_9 = arith.addi %mul3A_7, %add3A_8 : i32
    "tpu.region"() ({
      %run_scoped3A = tpu.sem_alloc : memref<!tpu.dma_semaphore, #tpu.memory_space<semaphore_mem>>
      %dma_start3A_92 = arith.constant 0 : i32
      %dma_start3A_93 = tpu.memref_slice %arg11[%add3A_9, %dma_start3A_92] : memref<10112x128xf32, #tpu.memory_space<vmem_shared>> -> memref<128x128xf32, #tpu.memory_space<vmem_shared>>
      %dma_start3A_94 = arith.constant 0 : i32
      %dma_start3A_95 = tpu.memref_slice %arg11[%add3A_9, %dma_start3A_94] : memref<10112x128xf32, #tpu.memory_space<vmem_shared>> -> memref<128x128xf32, #tpu.memory_space<vmem_shared>>
      tpu.enqueue_dma source(%arg9 : memref<128x128xf32, #tpu.memory_space<vmem>>) target(%dma_start3A_95 : memref<128x128xf32, #tpu.memory_space<vmem_shared>>) target_semaphore(%run_scoped3A : memref<!tpu.dma_semaphore, #tpu.memory_space<semaphore_mem>>)
      %dma_wait3A = arith.constant 0 : i32
      %dma_wait3A_96 = tpu.memref_slice %arg11[%add3A_9, %dma_wait3A] : memref<10112x128xf32, #tpu.memory_space<vmem_shared>> -> memref<128x128xf32, #tpu.memory_space<vmem_shared>>
      %dma_wait3A_97 = arith.constant 0 : i32
      %dma_wait3A_98 = tpu.memref_slice %arg11[%add3A_9, %dma_wait3A_97] : memref<10112x128xf32, #tpu.memory_space<vmem_shared>> -> memref<128x128xf32, #tpu.memory_space<vmem_shared>>
      tpu.wait_dma2 semaphore(%run_scoped3A : memref<!tpu.dma_semaphore, #tpu.memory_space<semaphore_mem>>) src(%arg9 : memref<128x128xf32, #tpu.memory_space<vmem>>) dst(%dma_wait3A_98 : memref<128x128xf32, #tpu.memory_space<vmem_shared>>)
      tpu.yield
    }) : () -> ()
    %add3A_10 = arith.constant 128 : i32
    %add3A_11 = arith.addi %mul3A_7, %add3A_10 : i32
    "tpu.region"() ({
      %run_scoped3A = tpu.sem_alloc : memref<!tpu.dma_semaphore, #tpu.memory_space<semaphore_mem>>
      %dma_start3A_92 = arith.constant 0 : i32
      %dma_start3A_93 = tpu.memref_slice %arg11[%add3A_11, %dma_start3A_92] : memref<10112x128xf32, #tpu.memory_space<vmem_shared>> -> memref<128x128xf32, #tpu.memory_space<vmem_shared>>
      %dma_start3A_94 = arith.constant 0 : i32
      %dma_start3A_95 = tpu.memref_slice %arg11[%add3A_11, %dma_start3A_94] : memref<10112x128xf32, #tpu.memory_space<vmem_shared>> -> memref<128x128xf32, #tpu.memory_space<vmem_shared>>
      tpu.enqueue_dma source(%arg9 : memref<128x128xf32, #tpu.memory_space<vmem>>) target(%dma_start3A_95 : memref<128x128xf32, #tpu.memory_space<vmem_shared>>) target_semaphore(%run_scoped3A : memref<!tpu.dma_semaphore, #tpu.memory_space<semaphore_mem>>)
      %dma_wait3A = arith.constant 0 : i32
      %dma_wait3A_96 = tpu.memref_slice %arg11[%add3A_11, %dma_wait3A] : memref<10112x128xf32, #tpu.memory_space<vmem_shared>> -> memref<128x128xf32, #tpu.memory_space<vmem_shared>>
      %dma_wait3A_97 = arith.constant 0 : i32
      %dma_wait3A_98 = tpu.memref_slice %arg11[%add3A_11, %dma_wait3A_97] : memref<10112x128xf32, #tpu.memory_space<vmem_shared>> -> memref<128x128xf32, #tpu.memory_space<vmem_shared>>
      tpu.wait_dma2 semaphore(%run_scoped3A : memref<!tpu.dma_semaphore, #tpu.memory_space<semaphore_mem>>) src(%arg9 : memref<128x128xf32, #tpu.memory_space<vmem>>) dst(%dma_wait3A_98 : memref<128x128xf32, #tpu.memory_space<vmem_shared>>)
      tpu.yield
    }) : () -> ()
    %add3A_12 = arith.constant 256 : i32
    %add3A_13 = arith.addi %mul3A_7, %add3A_12 : i32
    "tpu.region"() ({
      %run_scoped3A = tpu.sem_alloc : memref<!tpu.dma_semaphore, #tpu.memory_space<semaphore_mem>>
      %dma_start3A_92 = arith.constant 0 : i32
      %dma_start3A_93 = tpu.memref_slice %arg11[%add3A_13, %dma_start3A_92] : memref<10112x128xf32, #tpu.memory_space<vmem_shared>> -> memref<128x128xf32, #tpu.memory_space<vmem_shared>>
      %dma_start3A_94 = arith.constant 0 : i32
      %dma_start3A_95 = tpu.memref_slice %arg11[%add3A_13, %dma_start3A_94] : memref<10112x128xf32, #tpu.memory_space<vmem_shared>> -> memref<128x128xf32, #tpu.memory_space<vmem_shared>>
      tpu.enqueue_dma source(%arg9 : memref<128x128xf32, #tpu.memory_space<vmem>>) target(%dma_start3A_95 : memref<128x128xf32, #tpu.memory_space<vmem_shared>>) target_semaphore(%run_scoped3A : memref<!tpu.dma_semaphore, #tpu.memory_space<semaphore_mem>>)
      %dma_wait3A = arith.constant 0 : i32
      %dma_wait3A_96 = tpu.memref_slice %arg11[%add3A_13, %dma_wait3A] : memref<10112x128xf32, #tpu.memory_space<vmem_shared>> -> memref<128x128xf32, #tpu.memory_space<vmem_shared>>
      %dma_wait3A_97 = arith.constant 0 : i32
      %dma_wait3A_98 = tpu.memref_slice %arg11[%add3A_13, %dma_wait3A_97] : memref<10112x128xf32, #tpu.memory_space<vmem_shared>> -> memref<128x128xf32, #tpu.memory_space<vmem_shared>>
      tpu.wait_dma2 semaphore(%run_scoped3A : memref<!tpu.dma_semaphore, #tpu.memory_space<semaphore_mem>>) src(%arg9 : memref<128x128xf32, #tpu.memory_space<vmem>>) dst(%dma_wait3A_98 : memref<128x128xf32, #tpu.memory_space<vmem_shared>>)
      tpu.yield
    }) : () -> ()
    %add3A_14 = arith.constant 384 : i32
    %add3A_15 = arith.addi %mul3A_7, %add3A_14 : i32
    "tpu.region"() ({
      %run_scoped3A = tpu.sem_alloc : memref<!tpu.dma_semaphore, #tpu.memory_space<semaphore_mem>>
      %dma_start3A_92 = arith.constant 0 : i32
      %dma_start3A_93 = tpu.memref_slice %arg11[%add3A_15, %dma_start3A_92] : memref<10112x128xf32, #tpu.memory_space<vmem_shared>> -> memref<128x128xf32, #tpu.memory_space<vmem_shared>>
      %dma_start3A_94 = arith.constant 0 : i32
      %dma_start3A_95 = tpu.memref_slice %arg11[%add3A_15, %dma_start3A_94] : memref<10112x128xf32, #tpu.memory_space<vmem_shared>> -> memref<128x128xf32, #tpu.memory_space<vmem_shared>>
      tpu.enqueue_dma source(%arg9 : memref<128x128xf32, #tpu.memory_space<vmem>>) target(%dma_start3A_95 : memref<128x128xf32, #tpu.memory_space<vmem_shared>>) target_semaphore(%run_scoped3A : memref<!tpu.dma_semaphore, #tpu.memory_space<semaphore_mem>>)
      %dma_wait3A = arith.constant 0 : i32
      %dma_wait3A_96 = tpu.memref_slice %arg11[%add3A_15, %dma_wait3A] : memref<10112x128xf32, #tpu.memory_space<vmem_shared>> -> memref<128x128xf32, #tpu.memory_space<vmem_shared>>
      %dma_wait3A_97 = arith.constant 0 : i32
      %dma_wait3A_98 = tpu.memref_slice %arg11[%add3A_15, %dma_wait3A_97] : memref<10112x128xf32, #tpu.memory_space<vmem_shared>> -> memref<128x128xf32, #tpu.memory_space<vmem_shared>>
      tpu.wait_dma2 semaphore(%run_scoped3A : memref<!tpu.dma_semaphore, #tpu.memory_space<semaphore_mem>>) src(%arg9 : memref<128x128xf32, #tpu.memory_space<vmem>>) dst(%dma_wait3A_98 : memref<128x128xf32, #tpu.memory_space<vmem_shared>>)
      tpu.yield
    }) : () -> ()
    %add3A_16 = arith.constant 632 : i32
    %add3A_17 = arith.addi %mul3A_7, %add3A_16 : i32
    %sub3A = arith.constant 120 : i32
    %sub3A_18 = arith.subi %add3A_17, %sub3A : i32
    "tpu.region"() ({
      %run_scoped3A = tpu.sem_alloc : memref<!tpu.dma_semaphore, #tpu.memory_space<semaphore_mem>>
      %dma_start3A_92 = arith.constant 0 : i32
      %dma_start3A_93 = arith.constant 0 : i32
      %dma_start3A_94 = tpu.memref_slice %arg9[%dma_start3A_92, %dma_start3A_93] : memref<128x128xf32, #tpu.memory_space<vmem>> -> memref<120x128xf32, #tpu.memory_space<vmem>>
      %dma_start3A_95 = arith.constant 0 : i32
      %dma_start3A_96 = tpu.memref_slice %arg11[%sub3A_18, %dma_start3A_95] : memref<10112x128xf32, #tpu.memory_space<vmem_shared>> -> memref<120x128xf32, #tpu.memory_space<vmem_shared>>
      %dma_start3A_97 = arith.constant 0 : i32
      %dma_start3A_98 = tpu.memref_slice %arg11[%sub3A_18, %dma_start3A_97] : memref<10112x128xf32, #tpu.memory_space<vmem_shared>> -> memref<120x128xf32, #tpu.memory_space<vmem_shared>>
      %dma_start3A_99 = arith.constant 0 : i32
      %dma_start3A_100 = arith.constant 0 : i32
      %dma_start3A_101 = tpu.memref_slice %arg9[%dma_start3A_99, %dma_start3A_100] : memref<128x128xf32, #tpu.memory_space<vmem>> -> memref<120x128xf32, #tpu.memory_space<vmem>>
      tpu.enqueue_dma source(%dma_start3A_101 : memref<120x128xf32, #tpu.memory_space<vmem>>) target(%dma_start3A_98 : memref<120x128xf32, #tpu.memory_space<vmem_shared>>) target_semaphore(%run_scoped3A : memref<!tpu.dma_semaphore, #tpu.memory_space<semaphore_mem>>)
      %dma_wait3A = arith.constant 0 : i32
      %dma_wait3A_102 = arith.constant 0 : i32
      %dma_wait3A_103 = tpu.memref_slice %arg9[%dma_wait3A, %dma_wait3A_102] : memref<128x128xf32, #tpu.memory_space<vmem>> -> memref<120x128xf32, #tpu.memory_space<vmem>>
      %dma_wait3A_104 = arith.constant 0 : i32
      %dma_wait3A_105 = tpu.memref_slice %arg11[%sub3A_18, %dma_wait3A_104] : memref<10112x128xf32, #tpu.memory_space<vmem_shared>> -> memref<120x128xf32, #tpu.memory_space<vmem_shared>>
      %dma_wait3A_106 = arith.constant 0 : i32
      %dma_wait3A_107 = tpu.memref_slice %arg11[%sub3A_18, %dma_wait3A_106] : memref<10112x128xf32, #tpu.memory_space<vmem_shared>> -> memref<120x128xf32, #tpu.memory_space<vmem_shared>>
      %dma_wait3A_108 = arith.constant 0 : i32
      %dma_wait3A_109 = arith.constant 0 : i32
      %dma_wait3A_110 = tpu.memref_slice %arg9[%dma_wait3A_108, %dma_wait3A_109] : memref<128x128xf32, #tpu.memory_space<vmem>> -> memref<120x128xf32, #tpu.memory_space<vmem>>
      tpu.wait_dma2 semaphore(%run_scoped3A : memref<!tpu.dma_semaphore, #tpu.memory_space<semaphore_mem>>) src(%dma_wait3A_110 : memref<120x128xf32, #tpu.memory_space<vmem>>) dst(%dma_wait3A_107 : memref<120x128xf32, #tpu.memory_space<vmem_shared>>)
      tpu.yield
    }) : () -> ()
    %barrier3A = arith.constant 0 : index
    tpu.barrier barrier_id(%barrier3A)
    %mul3A_19 = arith.constant 80 : i32
    %mul3A_20 = arith.muli %add3A, %mul3A_19 : i32
    %add3A_21 = arith.constant 0 : i32
    %add3A_22 = arith.addi %mul3A_20, %add3A_21 : i32
    "tpu.region"() ({
      %run_scoped3A = tpu.sem_alloc : memref<!tpu.dma_semaphore, #tpu.memory_space<semaphore_mem>>
      %dma_start3A_92 = arith.constant 0 : i32
      %dma_start3A_93 = tpu.memref_slice %arg3[%add3A_22, %dma_start3A_92] : memref<2560x128xi32, #tpu.memory_space<hbm>> -> memref<40x128xi32, #tpu.memory_space<hbm>>
      %dma_start3A_94 = arith.constant 0 : i32
      %dma_start3A_95 = tpu.memref_slice %arg3[%add3A_22, %dma_start3A_94] : memref<2560x128xi32, #tpu.memory_space<hbm>> -> memref<40x128xi32, #tpu.memory_space<hbm>>
      tpu.enqueue_dma source(%dma_start3A_95 : memref<40x128xi32, #tpu.memory_space<hbm>>) target(%arg7 : memref<40x128xi32, #tpu.memory_space<vmem>>) target_semaphore(%run_scoped3A : memref<!tpu.dma_semaphore, #tpu.memory_space<semaphore_mem>>)
      %dma_wait3A = arith.constant 0 : i32
      %dma_wait3A_96 = tpu.memref_slice %arg3[%add3A_22, %dma_wait3A] : memref<2560x128xi32, #tpu.memory_space<hbm>> -> memref<40x128xi32, #tpu.memory_space<hbm>>
      %dma_wait3A_97 = arith.constant 0 : i32
      %dma_wait3A_98 = tpu.memref_slice %arg3[%add3A_22, %dma_wait3A_97] : memref<2560x128xi32, #tpu.memory_space<hbm>> -> memref<40x128xi32, #tpu.memory_space<hbm>>
      tpu.wait_dma2 semaphore(%run_scoped3A : memref<!tpu.dma_semaphore, #tpu.memory_space<semaphore_mem>>) src(%dma_wait3A_98 : memref<40x128xi32, #tpu.memory_space<hbm>>) dst(%arg7 : memref<40x128xi32, #tpu.memory_space<vmem>>)
      tpu.yield
    }) : () -> ()
    %mul3A_23 = arith.constant 80 : i32
    %mul3A_24 = arith.muli %add3A, %mul3A_23 : i32
    %add3A_25 = arith.constant 0 : i32
    %add3A_26 = arith.addi %mul3A_24, %add3A_25 : i32
    "tpu.region"() ({
      %run_scoped3A = tpu.sem_alloc : memref<!tpu.dma_semaphore, #tpu.memory_space<semaphore_mem>>
      %dma_start3A_92 = arith.constant 0 : i32
      %dma_start3A_93 = tpu.memref_slice %arg4[%add3A_26, %dma_start3A_92] : memref<2560x128xi32, #tpu.memory_space<hbm>> -> memref<40x128xi32, #tpu.memory_space<hbm>>
      %dma_start3A_94 = arith.constant 0 : i32
      %dma_start3A_95 = tpu.memref_slice %arg4[%add3A_26, %dma_start3A_94] : memref<2560x128xi32, #tpu.memory_space<hbm>> -> memref<40x128xi32, #tpu.memory_space<hbm>>
      tpu.enqueue_dma source(%dma_start3A_95 : memref<40x128xi32, #tpu.memory_space<hbm>>) target(%arg8 : memref<40x128xi32, #tpu.memory_space<vmem>>) target_semaphore(%run_scoped3A : memref<!tpu.dma_semaphore, #tpu.memory_space<semaphore_mem>>)
      %dma_wait3A = arith.constant 0 : i32
      %dma_wait3A_96 = tpu.memref_slice %arg4[%add3A_26, %dma_wait3A] : memref<2560x128xi32, #tpu.memory_space<hbm>> -> memref<40x128xi32, #tpu.memory_space<hbm>>
      %dma_wait3A_97 = arith.constant 0 : i32
      %dma_wait3A_98 = tpu.memref_slice %arg4[%add3A_26, %dma_wait3A_97] : memref<2560x128xi32, #tpu.memory_space<hbm>> -> memref<40x128xi32, #tpu.memory_space<hbm>>
      tpu.wait_dma2 semaphore(%run_scoped3A : memref<!tpu.dma_semaphore, #tpu.memory_space<semaphore_mem>>) src(%dma_wait3A_98 : memref<40x128xi32, #tpu.memory_space<hbm>>) dst(%arg8 : memref<40x128xi32, #tpu.memory_space<vmem>>)
      tpu.yield
    }) : () -> ()
    %dma_start3A = arith.constant 0 : i32
    %dma_start3A_27 = arith.constant 0 : i32
    %dma_start3A_28 = arith.constant 0 : i32
    %dma_start3A_29 = tpu.memref_slice %arg9[%dma_start3A_27, %dma_start3A_28] : memref<128x128xf32, #tpu.memory_space<vmem>> -> memref<64x128xf32, #tpu.memory_space<vmem>>
    %dma_start3A_30 = arith.constant 0 : i32
    %dma_start3A_31 = tpu.memref_slice %arg7[%dma_start3A, %dma_start3A_30] : memref<40x128xi32, #tpu.memory_space<vmem>> -> memref<1x64xi32, #tpu.memory_space<vmem>>
    %dma_start3A_32 = tpu.memref_squeeze %dma_start3A_31 : memref<1x64xi32, #tpu.memory_space<vmem>> -> memref<64xi32, #tpu.memory_space<vmem>>
    %dma_start3A_33 = arith.constant 0 : i32
    %dma_start3A_34 = arith.constant 0 : i32
    %dma_start3A_35 = tpu.memref_slice %arg2[%dma_start3A_33, %dma_start3A_34] : memref<10000x128xf32, #tpu.memory_space<hbm>> -> memref<10000x128xf32, #tpu.memory_space<hbm>>
    tpu.enqueue_indirect_dma source(%dma_start3A_35 : memref<10000x128xf32, #tpu.memory_space<hbm>>) target(%dma_start3A_29 : memref<64x128xf32, #tpu.memory_space<vmem>>) offsets(%dma_start3A_32 : memref<64xi32, #tpu.memory_space<vmem>>) semaphore(%arg12 : memref<!tpu.dma_semaphore, #tpu.memory_space<semaphore_mem>>)
    %dma_start3A_36 = arith.constant 0 : i32
    %dma_start3A_37 = arith.constant 64 : i32
    %dma_start3A_38 = arith.constant 0 : i32
    %dma_start3A_39 = tpu.memref_slice %arg9[%dma_start3A_37, %dma_start3A_38] : memref<128x128xf32, #tpu.memory_space<vmem>> -> memref<64x128xf32, #tpu.memory_space<vmem>>
    %dma_start3A_40 = arith.constant 64 : i32
    %dma_start3A_41 = tpu.memref_slice %arg7[%dma_start3A_36, %dma_start3A_40] : memref<40x128xi32, #tpu.memory_space<vmem>> -> memref<1x64xi32, #tpu.memory_space<vmem>>
    %dma_start3A_42 = tpu.memref_squeeze %dma_start3A_41 : memref<1x64xi32, #tpu.memory_space<vmem>> -> memref<64xi32, #tpu.memory_space<vmem>>
    %dma_start3A_43 = arith.constant 0 : i32
    %dma_start3A_44 = arith.constant 0 : i32
    %dma_start3A_45 = tpu.memref_slice %arg2[%dma_start3A_43, %dma_start3A_44] : memref<10000x128xf32, #tpu.memory_space<hbm>> -> memref<10000x128xf32, #tpu.memory_space<hbm>>
    tpu.enqueue_indirect_dma source(%dma_start3A_45 : memref<10000x128xf32, #tpu.memory_space<hbm>>) target(%dma_start3A_39 : memref<64x128xf32, #tpu.memory_space<vmem>>) offsets(%dma_start3A_42 : memref<64xi32, #tpu.memory_space<vmem>>) semaphore(%arg13 : memref<!tpu.dma_semaphore, #tpu.memory_space<semaphore_mem>>)
    %scan3A_46 = arith.constant 0 : i32
    %scan3A_47 = arith.constant 20 : i32
    %scan3A_48 = arith.addi %scan3A_46, %scan3A_47 : i32
    %scan3A_49 = arith.constant 1 : i32
    scf.for %scan3A_92 = %scan3A_46 to %scan3A_48 step %scan3A_49  : i32 {
      %mul3A_93 = arith.constant 2 : i32
      %mul3A_94 = arith.muli %scan3A_92, %mul3A_93 : i32
      %add3A_95 = arith.constant 0 : i32
      %add3A_96 = arith.addi %mul3A_94, %add3A_95 : i32
      %add3A_97 = arith.constant 1 : i32
      %add3A_98 = arith.addi %add3A_96, %add3A_97 : i32
      %lt3A = arith.constant 40 : i32
      %lt3A_99 = arith.cmpi slt, %add3A_98, %lt3A : i32
      %convert_element_type3A_100 = arith.extui %lt3A_99 : i1 to i32
      %cond3A_101 = arith.constant 0 : i32
      %cond3A_102 = arith.cmpi ne, %convert_element_type3A_100, %cond3A_101 : i32
      scf.if %cond3A_102 {
        %add3A_149 = arith.constant 1 : i32
        %add3A_150 = arith.addi %add3A_96, %add3A_149 : i32
        %dma_start3A_151 = arith.constant 0 : i32
        %dma_start3A_152 = arith.constant 0 : i32
        %dma_start3A_153 = tpu.memref_slice %arg10[%dma_start3A_151, %dma_start3A_152] : memref<128x128xf32, #tpu.memory_space<vmem>> -> memref<64x128xf32, #tpu.memory_space<vmem>>
        %dma_start3A_154 = arith.constant 0 : i32
        %dma_start3A_155 = tpu.memref_slice %arg7[%add3A_150, %dma_start3A_154] : memref<40x128xi32, #tpu.memory_space<vmem>> -> memref<1x64xi32, #tpu.memory_space<vmem>>
        %dma_start3A_156 = tpu.memref_squeeze %dma_start3A_155 : memref<1x64xi32, #tpu.memory_space<vmem>> -> memref<64xi32, #tpu.memory_space<vmem>>
        %dma_start3A_157 = arith.constant 0 : i32
        %dma_start3A_158 = arith.constant 0 : i32
        %dma_start3A_159 = tpu.memref_slice %arg2[%dma_start3A_157, %dma_start3A_158] : memref<10000x128xf32, #tpu.memory_space<hbm>> -> memref<10000x128xf32, #tpu.memory_space<hbm>>
        tpu.enqueue_indirect_dma source(%dma_start3A_159 : memref<10000x128xf32, #tpu.memory_space<hbm>>) target(%dma_start3A_153 : memref<64x128xf32, #tpu.memory_space<vmem>>) offsets(%dma_start3A_156 : memref<64xi32, #tpu.memory_space<vmem>>) semaphore(%arg14 : memref<!tpu.dma_semaphore, #tpu.memory_space<semaphore_mem>>)
        %dma_start3A_160 = arith.constant 64 : i32
        %dma_start3A_161 = arith.constant 0 : i32
        %dma_start3A_162 = tpu.memref_slice %arg10[%dma_start3A_160, %dma_start3A_161] : memref<128x128xf32, #tpu.memory_space<vmem>> -> memref<64x128xf32, #tpu.memory_space<vmem>>
        %dma_start3A_163 = arith.constant 64 : i32
        %dma_start3A_164 = tpu.memref_slice %arg7[%add3A_150, %dma_start3A_163] : memref<40x128xi32, #tpu.memory_space<vmem>> -> memref<1x64xi32, #tpu.memory_space<vmem>>
        %dma_start3A_165 = tpu.memref_squeeze %dma_start3A_164 : memref<1x64xi32, #tpu.memory_space<vmem>> -> memref<64xi32, #tpu.memory_space<vmem>>
        %dma_start3A_166 = arith.constant 0 : i32
        %dma_start3A_167 = arith.constant 0 : i32
        %dma_start3A_168 = tpu.memref_slice %arg2[%dma_start3A_166, %dma_start3A_167] : memref<10000x128xf32, #tpu.memory_space<hbm>> -> memref<10000x128xf32, #tpu.memory_space<hbm>>
        tpu.enqueue_indirect_dma source(%dma_start3A_168 : memref<10000x128xf32, #tpu.memory_space<hbm>>) target(%dma_start3A_162 : memref<64x128xf32, #tpu.memory_space<vmem>>) offsets(%dma_start3A_165 : memref<64xi32, #tpu.memory_space<vmem>>) semaphore(%arg15 : memref<!tpu.dma_semaphore, #tpu.memory_space<semaphore_mem>>)
      } else {
      }
      %dma_wait3A = arith.constant 0 : i32
      %dma_wait3A_103 = arith.constant 0 : i32
      %dma_wait3A_104 = tpu.memref_slice %arg9[%dma_wait3A, %dma_wait3A_103] : memref<128x128xf32, #tpu.memory_space<vmem>> -> memref<64x128xf32, #tpu.memory_space<vmem>>
      %dma_wait3A_105 = arith.constant 0 : i32
      %dma_wait3A_106 = tpu.memref_slice %arg7[%add3A_96, %dma_wait3A_105] : memref<40x128xi32, #tpu.memory_space<vmem>> -> memref<1x64xi32, #tpu.memory_space<vmem>>
      %dma_wait3A_107 = tpu.memref_squeeze %dma_wait3A_106 : memref<1x64xi32, #tpu.memory_space<vmem>> -> memref<64xi32, #tpu.memory_space<vmem>>
      %dma_wait3A_108 = arith.constant 0 : i32
      %dma_wait3A_109 = arith.constant 0 : i32
      %dma_wait3A_110 = tpu.memref_slice %arg2[%dma_wait3A_108, %dma_wait3A_109] : memref<10000x128xf32, #tpu.memory_space<hbm>> -> memref<10000x128xf32, #tpu.memory_space<hbm>>
      tpu.wait_indirect_dma semaphore(%arg12 : memref<!tpu.dma_semaphore, #tpu.memory_space<semaphore_mem>>) src(%dma_wait3A_110 : memref<10000x128xf32, #tpu.memory_space<hbm>>) dst(%dma_wait3A_104 : memref<64x128xf32, #tpu.memory_space<vmem>>)
      %dma_wait3A_111 = arith.constant 64 : i32
      %dma_wait3A_112 = arith.constant 0 : i32
      %dma_wait3A_113 = tpu.memref_slice %arg9[%dma_wait3A_111, %dma_wait3A_112] : memref<128x128xf32, #tpu.memory_space<vmem>> -> memref<64x128xf32, #tpu.memory_space<vmem>>
      %dma_wait3A_114 = arith.constant 64 : i32
      %dma_wait3A_115 = tpu.memref_slice %arg7[%add3A_96, %dma_wait3A_114] : memref<40x128xi32, #tpu.memory_space<vmem>> -> memref<1x64xi32, #tpu.memory_space<vmem>>
      %dma_wait3A_116 = tpu.memref_squeeze %dma_wait3A_115 : memref<1x64xi32, #tpu.memory_space<vmem>> -> memref<64xi32, #tpu.memory_space<vmem>>
      %dma_wait3A_117 = arith.constant 0 : i32
      %dma_wait3A_118 = arith.constant 0 : i32
      %dma_wait3A_119 = tpu.memref_slice %arg2[%dma_wait3A_117, %dma_wait3A_118] : memref<10000x128xf32, #tpu.memory_space<hbm>> -> memref<10000x128xf32, #tpu.memory_space<hbm>>
      tpu.wait_indirect_dma semaphore(%arg13 : memref<!tpu.dma_semaphore, #tpu.memory_space<semaphore_mem>>) src(%dma_wait3A_119 : memref<10000x128xf32, #tpu.memory_space<hbm>>) dst(%dma_wait3A_113 : memref<64x128xf32, #tpu.memory_space<vmem>>)
      "tpu.region"() ({
        %run_scoped3A = tpu.sem_alloc : memref<!tpu.dma_semaphore, #tpu.memory_space<semaphore_mem>>
        %dma_start3A_149 = arith.constant 0 : i32
        %dma_start3A_150 = tpu.memref_slice %arg8[%add3A_96, %dma_start3A_149] : memref<40x128xi32, #tpu.memory_space<vmem>> -> memref<1x128xi32, #tpu.memory_space<vmem>>
        %dma_start3A_151 = tpu.memref_squeeze %dma_start3A_150 : memref<1x128xi32, #tpu.memory_space<vmem>> -> memref<128xi32, #tpu.memory_space<vmem>>
        %dma_start3A_152 = arith.constant 0 : i32
        %dma_start3A_153 = arith.constant 0 : i32
        %dma_start3A_154 = tpu.memref_slice %arg11[%dma_start3A_152, %dma_start3A_153] : memref<10112x128xf32, #tpu.memory_space<vmem_shared>> -> memref<10112x128xf32, #tpu.memory_space<vmem_shared>>
        tpu.enqueue_indirect_dma source(%arg9 : memref<128x128xf32, #tpu.memory_space<vmem>>) target(%dma_start3A_154 : memref<10112x128xf32, #tpu.memory_space<vmem_shared>>) offsets(%dma_start3A_151 : memref<128xi32, #tpu.memory_space<vmem>>) semaphore(%run_scoped3A : memref<!tpu.dma_semaphore, #tpu.memory_space<semaphore_mem>>) {add = true}
        %dma_wait3A_155 = arith.constant 0 : i32
        %dma_wait3A_156 = tpu.memref_slice %arg8[%add3A_96, %dma_wait3A_155] : memref<40x128xi32, #tpu.memory_space<vmem>> -> memref<1x128xi32, #tpu.memory_space<vmem>>
        %dma_wait3A_157 = tpu.memref_squeeze %dma_wait3A_156 : memref<1x128xi32, #tpu.memory_space<vmem>> -> memref<128xi32, #tpu.memory_space<vmem>>
        %dma_wait3A_158 = arith.constant 0 : i32
        %dma_wait3A_159 = arith.constant 0 : i32
        %dma_wait3A_160 = tpu.memref_slice %arg11[%dma_wait3A_158, %dma_wait3A_159] : memref<10112x128xf32, #tpu.memory_space<vmem_shared>> -> memref<10112x128xf32, #tpu.memory_space<vmem_shared>>
        tpu.wait_indirect_dma semaphore(%run_scoped3A : memref<!tpu.dma_semaphore, #tpu.memory_space<semaphore_mem>>) src(%arg9 : memref<128x128xf32, #tpu.memory_space<vmem>>) dst(%dma_wait3A_160 : memref<10112x128xf32, #tpu.memory_space<vmem_shared>>)
        tpu.yield
      }) : () -> ()
      %mul3A_120 = arith.constant 2 : i32
      %mul3A_121 = arith.muli %scan3A_92, %mul3A_120 : i32
      %add3A_122 = arith.constant 1 : i32
      %add3A_123 = arith.addi %mul3A_121, %add3A_122 : i32
      %add3A_124 = arith.constant 1 : i32
      %add3A_125 = arith.addi %add3A_123, %add3A_124 : i32
      %lt3A_126 = arith.constant 40 : i32
      %lt3A_127 = arith.cmpi slt, %add3A_125, %lt3A_126 : i32
      %convert_element_type3A_128 = arith.extui %lt3A_127 : i1 to i32
      %cond3A_129 = arith.constant 0 : i32
      %cond3A_130 = arith.cmpi ne, %convert_element_type3A_128, %cond3A_129 : i32
      scf.if %cond3A_130 {
        %add3A_149 = arith.constant 1 : i32
        %add3A_150 = arith.addi %add3A_123, %add3A_149 : i32
        %dma_start3A_151 = arith.constant 0 : i32
        %dma_start3A_152 = arith.constant 0 : i32
        %dma_start3A_153 = tpu.memref_slice %arg9[%dma_start3A_151, %dma_start3A_152] : memref<128x128xf32, #tpu.memory_space<vmem>> -> memref<64x128xf32, #tpu.memory_space<vmem>>
        %dma_start3A_154 = arith.constant 0 : i32
        %dma_start3A_155 = tpu.memref_slice %arg7[%add3A_150, %dma_start3A_154] : memref<40x128xi32, #tpu.memory_space<vmem>> -> memref<1x64xi32, #tpu.memory_space<vmem>>
        %dma_start3A_156 = tpu.memref_squeeze %dma_start3A_155 : memref<1x64xi32, #tpu.memory_space<vmem>> -> memref<64xi32, #tpu.memory_space<vmem>>
        %dma_start3A_157 = arith.constant 0 : i32
        %dma_start3A_158 = arith.constant 0 : i32
        %dma_start3A_159 = tpu.memref_slice %arg2[%dma_start3A_157, %dma_start3A_158] : memref<10000x128xf32, #tpu.memory_space<hbm>> -> memref<10000x128xf32, #tpu.memory_space<hbm>>
        tpu.enqueue_indirect_dma source(%dma_start3A_159 : memref<10000x128xf32, #tpu.memory_space<hbm>>) target(%dma_start3A_153 : memref<64x128xf32, #tpu.memory_space<vmem>>) offsets(%dma_start3A_156 : memref<64xi32, #tpu.memory_space<vmem>>) semaphore(%arg12 : memref<!tpu.dma_semaphore, #tpu.memory_space<semaphore_mem>>)
        %dma_start3A_160 = arith.constant 64 : i32
        %dma_start3A_161 = arith.constant 0 : i32
        %dma_start3A_162 = tpu.memref_slice %arg9[%dma_start3A_160, %dma_start3A_161] : memref<128x128xf32, #tpu.memory_space<vmem>> -> memref<64x128xf32, #tpu.memory_space<vmem>>
        %dma_start3A_163 = arith.constant 64 : i32
        %dma_start3A_164 = tpu.memref_slice %arg7[%add3A_150, %dma_start3A_163] : memref<40x128xi32, #tpu.memory_space<vmem>> -> memref<1x64xi32, #tpu.memory_space<vmem>>
        %dma_start3A_165 = tpu.memref_squeeze %dma_start3A_164 : memref<1x64xi32, #tpu.memory_space<vmem>> -> memref<64xi32, #tpu.memory_space<vmem>>
        %dma_start3A_166 = arith.constant 0 : i32
        %dma_start3A_167 = arith.constant 0 : i32
        %dma_start3A_168 = tpu.memref_slice %arg2[%dma_start3A_166, %dma_start3A_167] : memref<10000x128xf32, #tpu.memory_space<hbm>> -> memref<10000x128xf32, #tpu.memory_space<hbm>>
        tpu.enqueue_indirect_dma source(%dma_start3A_168 : memref<10000x128xf32, #tpu.memory_space<hbm>>) target(%dma_start3A_162 : memref<64x128xf32, #tpu.memory_space<vmem>>) offsets(%dma_start3A_165 : memref<64xi32, #tpu.memory_space<vmem>>) semaphore(%arg13 : memref<!tpu.dma_semaphore, #tpu.memory_space<semaphore_mem>>)
      } else {
      }
      %dma_wait3A_131 = arith.constant 0 : i32
      %dma_wait3A_132 = arith.constant 0 : i32
      %dma_wait3A_133 = tpu.memref_slice %arg10[%dma_wait3A_131, %dma_wait3A_132] : memref<128x128xf32, #tpu.memory_space<vmem>> -> memref<64x128xf32, #tpu.memory_space<vmem>>
      %dma_wait3A_134 = arith.constant 0 : i32
      %dma_wait3A_135 = tpu.memref_slice %arg7[%add3A_123, %dma_wait3A_134] : memref<40x128xi32, #tpu.memory_space<vmem>> -> memref<1x64xi32, #tpu.memory_space<vmem>>
      %dma_wait3A_136 = tpu.memref_squeeze %dma_wait3A_135 : memref<1x64xi32, #tpu.memory_space<vmem>> -> memref<64xi32, #tpu.memory_space<vmem>>
      %dma_wait3A_137 = arith.constant 0 : i32
      %dma_wait3A_138 = arith.constant 0 : i32
      %dma_wait3A_139 = tpu.memref_slice %arg2[%dma_wait3A_137, %dma_wait3A_138] : memref<10000x128xf32, #tpu.memory_space<hbm>> -> memref<10000x128xf32, #tpu.memory_space<hbm>>
      tpu.wait_indirect_dma semaphore(%arg14 : memref<!tpu.dma_semaphore, #tpu.memory_space<semaphore_mem>>) src(%dma_wait3A_139 : memref<10000x128xf32, #tpu.memory_space<hbm>>) dst(%dma_wait3A_133 : memref<64x128xf32, #tpu.memory_space<vmem>>)
      %dma_wait3A_140 = arith.constant 64 : i32
      %dma_wait3A_141 = arith.constant 0 : i32
      %dma_wait3A_142 = tpu.memref_slice %arg10[%dma_wait3A_140, %dma_wait3A_141] : memref<128x128xf32, #tpu.memory_space<vmem>> -> memref<64x128xf32, #tpu.memory_space<vmem>>
      %dma_wait3A_143 = arith.constant 64 : i32
      %dma_wait3A_144 = tpu.memref_slice %arg7[%add3A_123, %dma_wait3A_143] : memref<40x128xi32, #tpu.memory_space<vmem>> -> memref<1x64xi32, #tpu.memory_space<vmem>>
      %dma_wait3A_145 = tpu.memref_squeeze %dma_wait3A_144 : memref<1x64xi32, #tpu.memory_space<vmem>> -> memref<64xi32, #tpu.memory_space<vmem>>
      %dma_wait3A_146 = arith.constant 0 : i32
      %dma_wait3A_147 = arith.constant 0 : i32
      %dma_wait3A_148 = tpu.memref_slice %arg2[%dma_wait3A_146, %dma_wait3A_147] : memref<10000x128xf32, #tpu.memory_space<hbm>> -> memref<10000x128xf32, #tpu.memory_space<hbm>>
      tpu.wait_indirect_dma semaphore(%arg15 : memref<!tpu.dma_semaphore, #tpu.memory_space<semaphore_mem>>) src(%dma_wait3A_148 : memref<10000x128xf32, #tpu.memory_space<hbm>>) dst(%dma_wait3A_142 : memref<64x128xf32, #tpu.memory_space<vmem>>)
      "tpu.region"() ({
        %run_scoped3A = tpu.sem_alloc : memref<!tpu.dma_semaphore, #tpu.memory_space<semaphore_mem>>
        %dma_start3A_149 = arith.constant 0 : i32
        %dma_start3A_150 = tpu.memref_slice %arg8[%add3A_123, %dma_start3A_149] : memref<40x128xi32, #tpu.memory_space<vmem>> -> memref<1x128xi32, #tpu.memory_space<vmem>>
        %dma_start3A_151 = tpu.memref_squeeze %dma_start3A_150 : memref<1x128xi32, #tpu.memory_space<vmem>> -> memref<128xi32, #tpu.memory_space<vmem>>
        %dma_start3A_152 = arith.constant 0 : i32
        %dma_start3A_153 = arith.constant 0 : i32
        %dma_start3A_154 = tpu.memref_slice %arg11[%dma_start3A_152, %dma_start3A_153] : memref<10112x128xf32, #tpu.memory_space<vmem_shared>> -> memref<10112x128xf32, #tpu.memory_space<vmem_shared>>
        tpu.enqueue_indirect_dma source(%arg10 : memref<128x128xf32, #tpu.memory_space<vmem>>) target(%dma_start3A_154 : memref<10112x128xf32, #tpu.memory_space<vmem_shared>>) offsets(%dma_start3A_151 : memref<128xi32, #tpu.memory_space<vmem>>) semaphore(%run_scoped3A : memref<!tpu.dma_semaphore, #tpu.memory_space<semaphore_mem>>) {add = true}
        %dma_wait3A_155 = arith.constant 0 : i32
        %dma_wait3A_156 = tpu.memref_slice %arg8[%add3A_123, %dma_wait3A_155] : memref<40x128xi32, #tpu.memory_space<vmem>> -> memref<1x128xi32, #tpu.memory_space<vmem>>
        %dma_wait3A_157 = tpu.memref_squeeze %dma_wait3A_156 : memref<1x128xi32, #tpu.memory_space<vmem>> -> memref<128xi32, #tpu.memory_space<vmem>>
        %dma_wait3A_158 = arith.constant 0 : i32
        %dma_wait3A_159 = arith.constant 0 : i32
        %dma_wait3A_160 = tpu.memref_slice %arg11[%dma_wait3A_158, %dma_wait3A_159] : memref<10112x128xf32, #tpu.memory_space<vmem_shared>> -> memref<10112x128xf32, #tpu.memory_space<vmem_shared>>
        tpu.wait_indirect_dma semaphore(%run_scoped3A : memref<!tpu.dma_semaphore, #tpu.memory_space<semaphore_mem>>) src(%arg10 : memref<128x128xf32, #tpu.memory_space<vmem>>) dst(%dma_wait3A_160 : memref<10112x128xf32, #tpu.memory_space<vmem_shared>>)
        tpu.yield
      }) : () -> ()
    }
    %scan3A_50 = arith.constant 20 : i32
    %mul3A_51 = arith.constant 80 : i32
    %mul3A_52 = arith.muli %add3A, %mul3A_51 : i32
    %add3A_53 = arith.constant 40 : i32
    %add3A_54 = arith.addi %mul3A_52, %add3A_53 : i32
    "tpu.region"() ({
      %run_scoped3A = tpu.sem_alloc : memref<!tpu.dma_semaphore, #tpu.memory_space<semaphore_mem>>
      %dma_start3A_92 = arith.constant 0 : i32
      %dma_start3A_93 = tpu.memref_slice %arg3[%add3A_54, %dma_start3A_92] : memref<2560x128xi32, #tpu.memory_space<hbm>> -> memref<40x128xi32, #tpu.memory_space<hbm>>
      %dma_start3A_94 = arith.constant 0 : i32
      %dma_start3A_95 = tpu.memref_slice %arg3[%add3A_54, %dma_start3A_94] : memref<2560x128xi32, #tpu.memory_space<hbm>> -> memref<40x128xi32, #tpu.memory_space<hbm>>
      tpu.enqueue_dma source(%dma_start3A_95 : memref<40x128xi32, #tpu.memory_space<hbm>>) target(%arg7 : memref<40x128xi32, #tpu.memory_space<vmem>>) target_semaphore(%run_scoped3A : memref<!tpu.dma_semaphore, #tpu.memory_space<semaphore_mem>>)
      %dma_wait3A = arith.constant 0 : i32
      %dma_wait3A_96 = tpu.memref_slice %arg3[%add3A_54, %dma_wait3A] : memref<2560x128xi32, #tpu.memory_space<hbm>> -> memref<40x128xi32, #tpu.memory_space<hbm>>
      %dma_wait3A_97 = arith.constant 0 : i32
      %dma_wait3A_98 = tpu.memref_slice %arg3[%add3A_54, %dma_wait3A_97] : memref<2560x128xi32, #tpu.memory_space<hbm>> -> memref<40x128xi32, #tpu.memory_space<hbm>>
      tpu.wait_dma2 semaphore(%run_scoped3A : memref<!tpu.dma_semaphore, #tpu.memory_space<semaphore_mem>>) src(%dma_wait3A_98 : memref<40x128xi32, #tpu.memory_space<hbm>>) dst(%arg7 : memref<40x128xi32, #tpu.memory_space<vmem>>)
      tpu.yield
    }) : () -> ()
    %mul3A_55 = arith.constant 80 : i32
    %mul3A_56 = arith.muli %add3A, %mul3A_55 : i32
    %add3A_57 = arith.constant 40 : i32
    %add3A_58 = arith.addi %mul3A_56, %add3A_57 : i32
    "tpu.region"() ({
      %run_scoped3A = tpu.sem_alloc : memref<!tpu.dma_semaphore, #tpu.memory_space<semaphore_mem>>
      %dma_start3A_92 = arith.constant 0 : i32
      %dma_start3A_93 = tpu.memref_slice %arg4[%add3A_58, %dma_start3A_92] : memref<2560x128xi32, #tpu.memory_space<hbm>> -> memref<40x128xi32, #tpu.memory_space<hbm>>
      %dma_start3A_94 = arith.constant 0 : i32
      %dma_start3A_95 = tpu.memref_slice %arg4[%add3A_58, %dma_start3A_94] : memref<2560x128xi32, #tpu.memory_space<hbm>> -> memref<40x128xi32, #tpu.memory_space<hbm>>
      tpu.enqueue_dma source(%dma_start3A_95 : memref<40x128xi32, #tpu.memory_space<hbm>>) target(%arg8 : memref<40x128xi32, #tpu.memory_space<vmem>>) target_semaphore(%run_scoped3A : memref<!tpu.dma_semaphore, #tpu.memory_space<semaphore_mem>>)
      %dma_wait3A = arith.constant 0 : i32
      %dma_wait3A_96 = tpu.memref_slice %arg4[%add3A_58, %dma_wait3A] : memref<2560x128xi32, #tpu.memory_space<hbm>> -> memref<40x128xi32, #tpu.memory_space<hbm>>
      %dma_wait3A_97 = arith.constant 0 : i32
      %dma_wait3A_98 = tpu.memref_slice %arg4[%add3A_58, %dma_wait3A_97] : memref<2560x128xi32, #tpu.memory_space<hbm>> -> memref<40x128xi32, #tpu.memory_space<hbm>>
      tpu.wait_dma2 semaphore(%run_scoped3A : memref<!tpu.dma_semaphore, #tpu.memory_space<semaphore_mem>>) src(%dma_wait3A_98 : memref<40x128xi32, #tpu.memory_space<hbm>>) dst(%arg8 : memref<40x128xi32, #tpu.memory_space<vmem>>)
      tpu.yield
    }) : () -> ()
    %dma_start3A_59 = arith.constant 0 : i32
    %dma_start3A_60 = arith.constant 0 : i32
    %dma_start3A_61 = arith.constant 0 : i32
    %dma_start3A_62 = tpu.memref_slice %arg9[%dma_start3A_60, %dma_start3A_61] : memref<128x128xf32, #tpu.memory_space<vmem>> -> memref<64x128xf32, #tpu.memory_space<vmem>>
    %dma_start3A_63 = arith.constant 0 : i32
    %dma_start3A_64 = tpu.memref_slice %arg7[%dma_start3A_59, %dma_start3A_63] : memref<40x128xi32, #tpu.memory_space<vmem>> -> memref<1x64xi32, #tpu.memory_space<vmem>>
    %dma_start3A_65 = tpu.memref_squeeze %dma_start3A_64 : memref<1x64xi32, #tpu.memory_space<vmem>> -> memref<64xi32, #tpu.memory_space<vmem>>
    %dma_start3A_66 = arith.constant 0 : i32
    %dma_start3A_67 = arith.constant 0 : i32
    %dma_start3A_68 = tpu.memref_slice %arg2[%dma_start3A_66, %dma_start3A_67] : memref<10000x128xf32, #tpu.memory_space<hbm>> -> memref<10000x128xf32, #tpu.memory_space<hbm>>
    tpu.enqueue_indirect_dma source(%dma_start3A_68 : memref<10000x128xf32, #tpu.memory_space<hbm>>) target(%dma_start3A_62 : memref<64x128xf32, #tpu.memory_space<vmem>>) offsets(%dma_start3A_65 : memref<64xi32, #tpu.memory_space<vmem>>) semaphore(%arg12 : memref<!tpu.dma_semaphore, #tpu.memory_space<semaphore_mem>>)
    %dma_start3A_69 = arith.constant 0 : i32
    %dma_start3A_70 = arith.constant 64 : i32
    %dma_start3A_71 = arith.constant 0 : i32
    %dma_start3A_72 = tpu.memref_slice %arg9[%dma_start3A_70, %dma_start3A_71] : memref<128x128xf32, #tpu.memory_space<vmem>> -> memref<64x128xf32, #tpu.memory_space<vmem>>
    %dma_start3A_73 = arith.constant 64 : i32
    %dma_start3A_74 = tpu.memref_slice %arg7[%dma_start3A_69, %dma_start3A_73] : memref<40x128xi32, #tpu.memory_space<vmem>> -> memref<1x64xi32, #tpu.memory_space<vmem>>
    %dma_start3A_75 = tpu.memref_squeeze %dma_start3A_74 : memref<1x64xi32, #tpu.memory_space<vmem>> -> memref<64xi32, #tpu.memory_space<vmem>>
    %dma_start3A_76 = arith.constant 0 : i32
    %dma_start3A_77 = arith.constant 0 : i32
    %dma_start3A_78 = tpu.memref_slice %arg2[%dma_start3A_76, %dma_start3A_77] : memref<10000x128xf32, #tpu.memory_space<hbm>> -> memref<10000x128xf32, #tpu.memory_space<hbm>>
    tpu.enqueue_indirect_dma source(%dma_start3A_78 : memref<10000x128xf32, #tpu.memory_space<hbm>>) target(%dma_start3A_72 : memref<64x128xf32, #tpu.memory_space<vmem>>) offsets(%dma_start3A_75 : memref<64xi32, #tpu.memory_space<vmem>>) semaphore(%arg13 : memref<!tpu.dma_semaphore, #tpu.memory_space<semaphore_mem>>)
    %scan3A_79 = arith.constant 0 : i32
    %scan3A_80 = arith.constant 20 : i32
    %scan3A_81 = arith.addi %scan3A_79, %scan3A_80 : i32
    %scan3A_82 = arith.constant 1 : i32
    scf.for %scan3A_92 = %scan3A_79 to %scan3A_81 step %scan3A_82  : i32 {
      %mul3A_93 = arith.constant 2 : i32
      %mul3A_94 = arith.muli %scan3A_92, %mul3A_93 : i32
      %add3A_95 = arith.constant 0 : i32
      %add3A_96 = arith.addi %mul3A_94, %add3A_95 : i32
      %add3A_97 = arith.constant 1 : i32
      %add3A_98 = arith.addi %add3A_96, %add3A_97 : i32
      %lt3A = arith.constant 40 : i32
      %lt3A_99 = arith.cmpi slt, %add3A_98, %lt3A : i32
      %convert_element_type3A_100 = arith.extui %lt3A_99 : i1 to i32
      %cond3A_101 = arith.constant 0 : i32
      %cond3A_102 = arith.cmpi ne, %convert_element_type3A_100, %cond3A_101 : i32
      scf.if %cond3A_102 {
        %add3A_149 = arith.constant 1 : i32
        %add3A_150 = arith.addi %add3A_96, %add3A_149 : i32
        %dma_start3A_151 = arith.constant 0 : i32
        %dma_start3A_152 = arith.constant 0 : i32
        %dma_start3A_153 = tpu.memref_slice %arg10[%dma_start3A_151, %dma_start3A_152] : memref<128x128xf32, #tpu.memory_space<vmem>> -> memref<64x128xf32, #tpu.memory_space<vmem>>
        %dma_start3A_154 = arith.constant 0 : i32
        %dma_start3A_155 = tpu.memref_slice %arg7[%add3A_150, %dma_start3A_154] : memref<40x128xi32, #tpu.memory_space<vmem>> -> memref<1x64xi32, #tpu.memory_space<vmem>>
        %dma_start3A_156 = tpu.memref_squeeze %dma_start3A_155 : memref<1x64xi32, #tpu.memory_space<vmem>> -> memref<64xi32, #tpu.memory_space<vmem>>
        %dma_start3A_157 = arith.constant 0 : i32
        %dma_start3A_158 = arith.constant 0 : i32
        %dma_start3A_159 = tpu.memref_slice %arg2[%dma_start3A_157, %dma_start3A_158] : memref<10000x128xf32, #tpu.memory_space<hbm>> -> memref<10000x128xf32, #tpu.memory_space<hbm>>
        tpu.enqueue_indirect_dma source(%dma_start3A_159 : memref<10000x128xf32, #tpu.memory_space<hbm>>) target(%dma_start3A_153 : memref<64x128xf32, #tpu.memory_space<vmem>>) offsets(%dma_start3A_156 : memref<64xi32, #tpu.memory_space<vmem>>) semaphore(%arg14 : memref<!tpu.dma_semaphore, #tpu.memory_space<semaphore_mem>>)
        %dma_start3A_160 = arith.constant 64 : i32
        %dma_start3A_161 = arith.constant 0 : i32
        %dma_start3A_162 = tpu.memref_slice %arg10[%dma_start3A_160, %dma_start3A_161] : memref<128x128xf32, #tpu.memory_space<vmem>> -> memref<64x128xf32, #tpu.memory_space<vmem>>
        %dma_start3A_163 = arith.constant 64 : i32
        %dma_start3A_164 = tpu.memref_slice %arg7[%add3A_150, %dma_start3A_163] : memref<40x128xi32, #tpu.memory_space<vmem>> -> memref<1x64xi32, #tpu.memory_space<vmem>>
        %dma_start3A_165 = tpu.memref_squeeze %dma_start3A_164 : memref<1x64xi32, #tpu.memory_space<vmem>> -> memref<64xi32, #tpu.memory_space<vmem>>
        %dma_start3A_166 = arith.constant 0 : i32
        %dma_start3A_167 = arith.constant 0 : i32
        %dma_start3A_168 = tpu.memref_slice %arg2[%dma_start3A_166, %dma_start3A_167] : memref<10000x128xf32, #tpu.memory_space<hbm>> -> memref<10000x128xf32, #tpu.memory_space<hbm>>
        tpu.enqueue_indirect_dma source(%dma_start3A_168 : memref<10000x128xf32, #tpu.memory_space<hbm>>) target(%dma_start3A_162 : memref<64x128xf32, #tpu.memory_space<vmem>>) offsets(%dma_start3A_165 : memref<64xi32, #tpu.memory_space<vmem>>) semaphore(%arg15 : memref<!tpu.dma_semaphore, #tpu.memory_space<semaphore_mem>>)
      } else {
      }
      %dma_wait3A = arith.constant 0 : i32
      %dma_wait3A_103 = arith.constant 0 : i32
      %dma_wait3A_104 = tpu.memref_slice %arg9[%dma_wait3A, %dma_wait3A_103] : memref<128x128xf32, #tpu.memory_space<vmem>> -> memref<64x128xf32, #tpu.memory_space<vmem>>
      %dma_wait3A_105 = arith.constant 0 : i32
      %dma_wait3A_106 = tpu.memref_slice %arg7[%add3A_96, %dma_wait3A_105] : memref<40x128xi32, #tpu.memory_space<vmem>> -> memref<1x64xi32, #tpu.memory_space<vmem>>
      %dma_wait3A_107 = tpu.memref_squeeze %dma_wait3A_106 : memref<1x64xi32, #tpu.memory_space<vmem>> -> memref<64xi32, #tpu.memory_space<vmem>>
      %dma_wait3A_108 = arith.constant 0 : i32
      %dma_wait3A_109 = arith.constant 0 : i32
      %dma_wait3A_110 = tpu.memref_slice %arg2[%dma_wait3A_108, %dma_wait3A_109] : memref<10000x128xf32, #tpu.memory_space<hbm>> -> memref<10000x128xf32, #tpu.memory_space<hbm>>
      tpu.wait_indirect_dma semaphore(%arg12 : memref<!tpu.dma_semaphore, #tpu.memory_space<semaphore_mem>>) src(%dma_wait3A_110 : memref<10000x128xf32, #tpu.memory_space<hbm>>) dst(%dma_wait3A_104 : memref<64x128xf32, #tpu.memory_space<vmem>>)
      %dma_wait3A_111 = arith.constant 64 : i32
      %dma_wait3A_112 = arith.constant 0 : i32
      %dma_wait3A_113 = tpu.memref_slice %arg9[%dma_wait3A_111, %dma_wait3A_112] : memref<128x128xf32, #tpu.memory_space<vmem>> -> memref<64x128xf32, #tpu.memory_space<vmem>>
      %dma_wait3A_114 = arith.constant 64 : i32
      %dma_wait3A_115 = tpu.memref_slice %arg7[%add3A_96, %dma_wait3A_114] : memref<40x128xi32, #tpu.memory_space<vmem>> -> memref<1x64xi32, #tpu.memory_space<vmem>>
      %dma_wait3A_116 = tpu.memref_squeeze %dma_wait3A_115 : memref<1x64xi32, #tpu.memory_space<vmem>> -> memref<64xi32, #tpu.memory_space<vmem>>
      %dma_wait3A_117 = arith.constant 0 : i32
      %dma_wait3A_118 = arith.constant 0 : i32
      %dma_wait3A_119 = tpu.memref_slice %arg2[%dma_wait3A_117, %dma_wait3A_118] : memref<10000x128xf32, #tpu.memory_space<hbm>> -> memref<10000x128xf32, #tpu.memory_space<hbm>>
      tpu.wait_indirect_dma semaphore(%arg13 : memref<!tpu.dma_semaphore, #tpu.memory_space<semaphore_mem>>) src(%dma_wait3A_119 : memref<10000x128xf32, #tpu.memory_space<hbm>>) dst(%dma_wait3A_113 : memref<64x128xf32, #tpu.memory_space<vmem>>)
      "tpu.region"() ({
        %run_scoped3A = tpu.sem_alloc : memref<!tpu.dma_semaphore, #tpu.memory_space<semaphore_mem>>
        %dma_start3A_149 = arith.constant 0 : i32
        %dma_start3A_150 = tpu.memref_slice %arg8[%add3A_96, %dma_start3A_149] : memref<40x128xi32, #tpu.memory_space<vmem>> -> memref<1x128xi32, #tpu.memory_space<vmem>>
        %dma_start3A_151 = tpu.memref_squeeze %dma_start3A_150 : memref<1x128xi32, #tpu.memory_space<vmem>> -> memref<128xi32, #tpu.memory_space<vmem>>
        %dma_start3A_152 = arith.constant 0 : i32
        %dma_start3A_153 = arith.constant 0 : i32
        %dma_start3A_154 = tpu.memref_slice %arg11[%dma_start3A_152, %dma_start3A_153] : memref<10112x128xf32, #tpu.memory_space<vmem_shared>> -> memref<10112x128xf32, #tpu.memory_space<vmem_shared>>
        tpu.enqueue_indirect_dma source(%arg9 : memref<128x128xf32, #tpu.memory_space<vmem>>) target(%dma_start3A_154 : memref<10112x128xf32, #tpu.memory_space<vmem_shared>>) offsets(%dma_start3A_151 : memref<128xi32, #tpu.memory_space<vmem>>) semaphore(%run_scoped3A : memref<!tpu.dma_semaphore, #tpu.memory_space<semaphore_mem>>) {add = true}
        %dma_wait3A_155 = arith.constant 0 : i32
        %dma_wait3A_156 = tpu.memref_slice %arg8[%add3A_96, %dma_wait3A_155] : memref<40x128xi32, #tpu.memory_space<vmem>> -> memref<1x128xi32, #tpu.memory_space<vmem>>
        %dma_wait3A_157 = tpu.memref_squeeze %dma_wait3A_156 : memref<1x128xi32, #tpu.memory_space<vmem>> -> memref<128xi32, #tpu.memory_space<vmem>>
        %dma_wait3A_158 = arith.constant 0 : i32
        %dma_wait3A_159 = arith.constant 0 : i32
        %dma_wait3A_160 = tpu.memref_slice %arg11[%dma_wait3A_158, %dma_wait3A_159] : memref<10112x128xf32, #tpu.memory_space<vmem_shared>> -> memref<10112x128xf32, #tpu.memory_space<vmem_shared>>
        tpu.wait_indirect_dma semaphore(%run_scoped3A : memref<!tpu.dma_semaphore, #tpu.memory_space<semaphore_mem>>) src(%arg9 : memref<128x128xf32, #tpu.memory_space<vmem>>) dst(%dma_wait3A_160 : memref<10112x128xf32, #tpu.memory_space<vmem_shared>>)
        tpu.yield
      }) : () -> ()
      %mul3A_120 = arith.constant 2 : i32
      %mul3A_121 = arith.muli %scan3A_92, %mul3A_120 : i32
      %add3A_122 = arith.constant 1 : i32
      %add3A_123 = arith.addi %mul3A_121, %add3A_122 : i32
      %add3A_124 = arith.constant 1 : i32
      %add3A_125 = arith.addi %add3A_123, %add3A_124 : i32
      %lt3A_126 = arith.constant 40 : i32
      %lt3A_127 = arith.cmpi slt, %add3A_125, %lt3A_126 : i32
      %convert_element_type3A_128 = arith.extui %lt3A_127 : i1 to i32
      %cond3A_129 = arith.constant 0 : i32
      %cond3A_130 = arith.cmpi ne, %convert_element_type3A_128, %cond3A_129 : i32
      scf.if %cond3A_130 {
        %add3A_149 = arith.constant 1 : i32
        %add3A_150 = arith.addi %add3A_123, %add3A_149 : i32
        %dma_start3A_151 = arith.constant 0 : i32
        %dma_start3A_152 = arith.constant 0 : i32
        %dma_start3A_153 = tpu.memref_slice %arg9[%dma_start3A_151, %dma_start3A_152] : memref<128x128xf32, #tpu.memory_space<vmem>> -> memref<64x128xf32, #tpu.memory_space<vmem>>
        %dma_start3A_154 = arith.constant 0 : i32
        %dma_start3A_155 = tpu.memref_slice %arg7[%add3A_150, %dma_start3A_154] : memref<40x128xi32, #tpu.memory_space<vmem>> -> memref<1x64xi32, #tpu.memory_space<vmem>>
        %dma_start3A_156 = tpu.memref_squeeze %dma_start3A_155 : memref<1x64xi32, #tpu.memory_space<vmem>> -> memref<64xi32, #tpu.memory_space<vmem>>
        %dma_start3A_157 = arith.constant 0 : i32
        %dma_start3A_158 = arith.constant 0 : i32
        %dma_start3A_159 = tpu.memref_slice %arg2[%dma_start3A_157, %dma_start3A_158] : memref<10000x128xf32, #tpu.memory_space<hbm>> -> memref<10000x128xf32, #tpu.memory_space<hbm>>
        tpu.enqueue_indirect_dma source(%dma_start3A_159 : memref<10000x128xf32, #tpu.memory_space<hbm>>) target(%dma_start3A_153 : memref<64x128xf32, #tpu.memory_space<vmem>>) offsets(%dma_start3A_156 : memref<64xi32, #tpu.memory_space<vmem>>) semaphore(%arg12 : memref<!tpu.dma_semaphore, #tpu.memory_space<semaphore_mem>>)
        %dma_start3A_160 = arith.constant 64 : i32
        %dma_start3A_161 = arith.constant 0 : i32
        %dma_start3A_162 = tpu.memref_slice %arg9[%dma_start3A_160, %dma_start3A_161] : memref<128x128xf32, #tpu.memory_space<vmem>> -> memref<64x128xf32, #tpu.memory_space<vmem>>
        %dma_start3A_163 = arith.constant 64 : i32
        %dma_start3A_164 = tpu.memref_slice %arg7[%add3A_150, %dma_start3A_163] : memref<40x128xi32, #tpu.memory_space<vmem>> -> memref<1x64xi32, #tpu.memory_space<vmem>>
        %dma_start3A_165 = tpu.memref_squeeze %dma_start3A_164 : memref<1x64xi32, #tpu.memory_space<vmem>> -> memref<64xi32, #tpu.memory_space<vmem>>
        %dma_start3A_166 = arith.constant 0 : i32
        %dma_start3A_167 = arith.constant 0 : i32
        %dma_start3A_168 = tpu.memref_slice %arg2[%dma_start3A_166, %dma_start3A_167] : memref<10000x128xf32, #tpu.memory_space<hbm>> -> memref<10000x128xf32, #tpu.memory_space<hbm>>
        tpu.enqueue_indirect_dma source(%dma_start3A_168 : memref<10000x128xf32, #tpu.memory_space<hbm>>) target(%dma_start3A_162 : memref<64x128xf32, #tpu.memory_space<vmem>>) offsets(%dma_start3A_165 : memref<64xi32, #tpu.memory_space<vmem>>) semaphore(%arg13 : memref<!tpu.dma_semaphore, #tpu.memory_space<semaphore_mem>>)
      } else {
      }
      %dma_wait3A_131 = arith.constant 0 : i32
      %dma_wait3A_132 = arith.constant 0 : i32
      %dma_wait3A_133 = tpu.memref_slice %arg10[%dma_wait3A_131, %dma_wait3A_132] : memref<128x128xf32, #tpu.memory_space<vmem>> -> memref<64x128xf32, #tpu.memory_space<vmem>>
      %dma_wait3A_134 = arith.constant 0 : i32
      %dma_wait3A_135 = tpu.memref_slice %arg7[%add3A_123, %dma_wait3A_134] : memref<40x128xi32, #tpu.memory_space<vmem>> -> memref<1x64xi32, #tpu.memory_space<vmem>>
      %dma_wait3A_136 = tpu.memref_squeeze %dma_wait3A_135 : memref<1x64xi32, #tpu.memory_space<vmem>> -> memref<64xi32, #tpu.memory_space<vmem>>
      %dma_wait3A_137 = arith.constant 0 : i32
      %dma_wait3A_138 = arith.constant 0 : i32
      %dma_wait3A_139 = tpu.memref_slice %arg2[%dma_wait3A_137, %dma_wait3A_138] : memref<10000x128xf32, #tpu.memory_space<hbm>> -> memref<10000x128xf32, #tpu.memory_space<hbm>>
      tpu.wait_indirect_dma semaphore(%arg14 : memref<!tpu.dma_semaphore, #tpu.memory_space<semaphore_mem>>) src(%dma_wait3A_139 : memref<10000x128xf32, #tpu.memory_space<hbm>>) dst(%dma_wait3A_133 : memref<64x128xf32, #tpu.memory_space<vmem>>)
      %dma_wait3A_140 = arith.constant 64 : i32
      %dma_wait3A_141 = arith.constant 0 : i32
      %dma_wait3A_142 = tpu.memref_slice %arg10[%dma_wait3A_140, %dma_wait3A_141] : memref<128x128xf32, #tpu.memory_space<vmem>> -> memref<64x128xf32, #tpu.memory_space<vmem>>
      %dma_wait3A_143 = arith.constant 64 : i32
      %dma_wait3A_144 = tpu.memref_slice %arg7[%add3A_123, %dma_wait3A_143] : memref<40x128xi32, #tpu.memory_space<vmem>> -> memref<1x64xi32, #tpu.memory_space<vmem>>
      %dma_wait3A_145 = tpu.memref_squeeze %dma_wait3A_144 : memref<1x64xi32, #tpu.memory_space<vmem>> -> memref<64xi32, #tpu.memory_space<vmem>>
      %dma_wait3A_146 = arith.constant 0 : i32
      %dma_wait3A_147 = arith.constant 0 : i32
      %dma_wait3A_148 = tpu.memref_slice %arg2[%dma_wait3A_146, %dma_wait3A_147] : memref<10000x128xf32, #tpu.memory_space<hbm>> -> memref<10000x128xf32, #tpu.memory_space<hbm>>
      tpu.wait_indirect_dma semaphore(%arg15 : memref<!tpu.dma_semaphore, #tpu.memory_space<semaphore_mem>>) src(%dma_wait3A_148 : memref<10000x128xf32, #tpu.memory_space<hbm>>) dst(%dma_wait3A_142 : memref<64x128xf32, #tpu.memory_space<vmem>>)
      "tpu.region"() ({
        %run_scoped3A = tpu.sem_alloc : memref<!tpu.dma_semaphore, #tpu.memory_space<semaphore_mem>>
        %dma_start3A_149 = arith.constant 0 : i32
        %dma_start3A_150 = tpu.memref_slice %arg8[%add3A_123, %dma_start3A_149] : memref<40x128xi32, #tpu.memory_space<vmem>> -> memref<1x128xi32, #tpu.memory_space<vmem>>
        %dma_start3A_151 = tpu.memref_squeeze %dma_start3A_150 : memref<1x128xi32, #tpu.memory_space<vmem>> -> memref<128xi32, #tpu.memory_space<vmem>>
        %dma_start3A_152 = arith.constant 0 : i32
        %dma_start3A_153 = arith.constant 0 : i32
        %dma_start3A_154 = tpu.memref_slice %arg11[%dma_start3A_152, %dma_start3A_153] : memref<10112x128xf32, #tpu.memory_space<vmem_shared>> -> memref<10112x128xf32, #tpu.memory_space<vmem_shared>>
        tpu.enqueue_indirect_dma source(%arg10 : memref<128x128xf32, #tpu.memory_space<vmem>>) target(%dma_start3A_154 : memref<10112x128xf32, #tpu.memory_space<vmem_shared>>) offsets(%dma_start3A_151 : memref<128xi32, #tpu.memory_space<vmem>>) semaphore(%run_scoped3A : memref<!tpu.dma_semaphore, #tpu.memory_space<semaphore_mem>>) {add = true}
        %dma_wait3A_155 = arith.constant 0 : i32
        %dma_wait3A_156 = tpu.memref_slice %arg8[%add3A_123, %dma_wait3A_155] : memref<40x128xi32, #tpu.memory_space<vmem>> -> memref<1x128xi32, #tpu.memory_space<vmem>>
        %dma_wait3A_157 = tpu.memref_squeeze %dma_wait3A_156 : memref<1x128xi32, #tpu.memory_space<vmem>> -> memref<128xi32, #tpu.memory_space<vmem>>
        %dma_wait3A_158 = arith.constant 0 : i32
        %dma_wait3A_159 = arith.constant 0 : i32
        %dma_wait3A_160 = tpu.memref_slice %arg11[%dma_wait3A_158, %dma_wait3A_159] : memref<10112x128xf32, #tpu.memory_space<vmem_shared>> -> memref<10112x128xf32, #tpu.memory_space<vmem_shared>>
        tpu.wait_indirect_dma semaphore(%run_scoped3A : memref<!tpu.dma_semaphore, #tpu.memory_space<semaphore_mem>>) src(%arg10 : memref<128x128xf32, #tpu.memory_space<vmem>>) dst(%dma_wait3A_160 : memref<10112x128xf32, #tpu.memory_space<vmem_shared>>)
        tpu.yield
      }) : () -> ()
    }
    %scan3A_83 = arith.constant 20 : i32
    %barrier3A_84 = arith.constant 0 : index
    tpu.barrier barrier_id(%barrier3A_84)
    %eq3A = arith.constant 0 : i32
    %eq3A_85 = arith.cmpi eq, %arg0, %eq3A : i32
    %convert_element_type3A = arith.extui %eq3A_85 : i1 to i32
    %cond3A = arith.constant 0 : i32
    %cond3A_86 = arith.cmpi ne, %convert_element_type3A, %cond3A : i32
    scf.if %cond3A_86 {
      "tpu.region"() ({
        %run_scoped3A = tpu.sem_alloc : memref<!tpu.dma_semaphore, #tpu.memory_space<semaphore_mem>>
        %dma_start3A_92 = arith.constant 0 : i32
        %dma_start3A_93 = tpu.memref_slice %arg5[%mul3A_7, %dma_start3A_92] : memref<10112x128xf32, #tpu.memory_space<hbm>> -> memref<632x128xf32, #tpu.memory_space<hbm>>
        %dma_start3A_94 = arith.constant 0 : i32
        %dma_start3A_95 = tpu.memref_slice %arg11[%mul3A_7, %dma_start3A_94] : memref<10112x128xf32, #tpu.memory_space<vmem_shared>> -> memref<632x128xf32, #tpu.memory_space<vmem_shared>>
        tpu.enqueue_dma source(%dma_start3A_95 : memref<632x128xf32, #tpu.memory_space<vmem_shared>>) target(%dma_start3A_93 : memref<632x128xf32, #tpu.memory_space<hbm>>) target_semaphore(%run_scoped3A : memref<!tpu.dma_semaphore, #tpu.memory_space<semaphore_mem>>)
        %dma_wait3A = arith.constant 0 : i32
        %dma_wait3A_96 = tpu.memref_slice %arg5[%mul3A_7, %dma_wait3A] : memref<10112x128xf32, #tpu.memory_space<hbm>> -> memref<632x128xf32, #tpu.memory_space<hbm>>
        %dma_wait3A_97 = arith.constant 0 : i32
        %dma_wait3A_98 = tpu.memref_slice %arg11[%mul3A_7, %dma_wait3A_97] : memref<10112x128xf32, #tpu.memory_space<vmem_shared>> -> memref<632x128xf32, #tpu.memory_space<vmem_shared>>
        tpu.wait_dma2 semaphore(%run_scoped3A : memref<!tpu.dma_semaphore, #tpu.memory_space<semaphore_mem>>) src(%dma_wait3A_98 : memref<632x128xf32, #tpu.memory_space<vmem_shared>>) dst(%dma_wait3A_96 : memref<632x128xf32, #tpu.memory_space<hbm>>)
        tpu.yield
      }) : () -> ()
    } else {
    }
    %eq3A_87 = arith.constant 1 : i32
    %eq3A_88 = arith.cmpi eq, %arg0, %eq3A_87 : i32
    %convert_element_type3A_89 = arith.extui %eq3A_88 : i1 to i32
    %cond3A_90 = arith.constant 0 : i32
    %cond3A_91 = arith.cmpi ne, %convert_element_type3A_89, %cond3A_90 : i32
    scf.if %cond3A_91 {
      "tpu.region"() ({
        %run_scoped3A = tpu.sem_alloc : memref<!tpu.dma_semaphore, #tpu.memory_space<semaphore_mem>>
        %dma_start3A_92 = arith.constant 0 : i32
        %dma_start3A_93 = tpu.memref_slice %arg6[%mul3A_7, %dma_start3A_92] : memref<10112x128xf32, #tpu.memory_space<hbm>> -> memref<632x128xf32, #tpu.memory_space<hbm>>
        %dma_start3A_94 = arith.constant 0 : i32
        %dma_start3A_95 = tpu.memref_slice %arg11[%mul3A_7, %dma_start3A_94] : memref<10112x128xf32, #tpu.memory_space<vmem_shared>> -> memref<632x128xf32, #tpu.memory_space<vmem_shared>>
        tpu.enqueue_dma source(%dma_start3A_95 : memref<632x128xf32, #tpu.memory_space<vmem_shared>>) target(%dma_start3A_93 : memref<632x128xf32, #tpu.memory_space<hbm>>) target_semaphore(%run_scoped3A : memref<!tpu.dma_semaphore, #tpu.memory_space<semaphore_mem>>)
        %dma_wait3A = arith.constant 0 : i32
        %dma_wait3A_96 = tpu.memref_slice %arg6[%mul3A_7, %dma_wait3A] : memref<10112x128xf32, #tpu.memory_space<hbm>> -> memref<632x128xf32, #tpu.memory_space<hbm>>
        %dma_wait3A_97 = arith.constant 0 : i32
        %dma_wait3A_98 = tpu.memref_slice %arg11[%mul3A_7, %dma_wait3A_97] : memref<10112x128xf32, #tpu.memory_space<vmem_shared>> -> memref<632x128xf32, #tpu.memory_space<vmem_shared>>
        tpu.wait_dma2 semaphore(%run_scoped3A : memref<!tpu.dma_semaphore, #tpu.memory_space<semaphore_mem>>) src(%dma_wait3A_98 : memref<632x128xf32, #tpu.memory_space<vmem_shared>>) dst(%dma_wait3A_96 : memref<632x128xf32, #tpu.memory_space<hbm>>)
        tpu.yield
      }) : () -> ()
    } else {
    }
    return
  }
}

module attributes {stable_mosaic.version = 14 : i64} {
  func.func @_tc1_body(%arg0: i32, %arg1: memref<400x128xf32, #tpu.memory_space<vmem>>, %arg2: memref<128x128xf32, #tpu.memory_space<vmem>>, %arg3: memref<400x16xf32, #tpu.memory_space<vmem>>, %arg4: memref<400x16xf32, #tpu.memory_space<vmem>>, %arg5: memref<400x128xf32, #tpu.memory_space<vmem>>) attributes {dimension_semantics = [#tpu.dimension_semantics<arbitrary>], iteration_bounds = array<i64: 25>, scalar_prefetch = 0 : i64, scratch_operands = 0 : i64, tpu.core_type = #tpu.core_type<tc>, window_params = [{transform_indices = @transform_0, window_bounds = array<i64: 400, 128>}, {pipeline_mode = #tpu.pipeline_mode<synchronous>, transform_indices = @transform_1, window_bounds = array<i64: 128, 128>}, {transform_indices = @transform_2, window_bounds = array<i64: 400, 16>}, {transform_indices = @transform_3, window_bounds = array<i64: 400, 16>}, {transform_indices = @transform_4, window_bounds = array<i64: 400, 128>}]} {
    %get3A = arith.constant 0 : index
    %get3A_0 = arith.constant 0 : index
    %get3A_1 = vector.load %arg3[%get3A, %get3A_0] : memref<400x16xf32, #tpu.memory_space<vmem>>, vector<400x16xf32>
    %get3A_2 = arith.constant 0 : index
    %get3A_3 = arith.constant 0 : index
    %get3A_4 = vector.load %arg4[%get3A_2, %get3A_3] : memref<400x16xf32, #tpu.memory_space<vmem>>, vector<400x16xf32>
    %add3A = arith.addf %get3A_1, %get3A_4 : vector<400x16xf32>
    %slice3A = vector.extract_strided_slice %add3A {offsets = [0, 0], sizes = [400, 1], strides = [1, 1]} : vector<400x16xf32> to vector<400x1xf32>
    %add3A_5 = arith.constant 1.000000e+00 : f32
    %add3A_6 = vector.broadcast %add3A_5 : f32 to vector<400x1xf32>
    %add3A_7 = arith.addf %slice3A, %add3A_6 : vector<400x1xf32>
    %rsqrt3A = math.rsqrt %add3A_7 : vector<400x1xf32>
    %get3A_8 = arith.constant 0 : index
    %get3A_9 = arith.constant 0 : index
    %get3A_10 = vector.load %arg1[%get3A_8, %get3A_9] : memref<400x128xf32, #tpu.memory_space<vmem>>, vector<400x128xf32>
    %get3A_11 = arith.constant 0 : index
    %get3A_12 = arith.constant 0 : index
    %get3A_13 = vector.load %arg2[%get3A_11, %get3A_12] : memref<128x128xf32, #tpu.memory_space<vmem>>, vector<128x128xf32>
    %dot_general3A = arith.constant dense<0.000000e+00> : vector<400x128xf32>
    %dot_general3A_14 = tpu.matmul %get3A_10, %get3A_13, %dot_general3A {dimension_numbers = #tpu.dot_dimension_numbers<[1], [0], [0], [1], [0, 0, 1, 1], [], []>, transpose_lhs_hint = false} : vector<400x128xf32>, vector<128x128xf32>, vector<400x128xf32> -> vector<400x128xf32>
    %mul3A = vector.broadcast %rsqrt3A : vector<400x1xf32> to vector<400x128xf32>
    %mul3A_15 = arith.mulf %dot_general3A_14, %mul3A : vector<400x128xf32>
    %swap3A = arith.constant 0 : index
    %swap3A_16 = arith.constant 0 : index
    %swap3A_17 = vector.load %arg5[%swap3A, %swap3A_16] : memref<400x128xf32, #tpu.memory_space<vmem>>, vector<400x128xf32>
    tpu.vector_store %arg5[%swap3A, %swap3A_16], %mul3A_15 {strides = array<i32>} : memref<400x128xf32, #tpu.memory_space<vmem>>, vector<400x128xf32>,
    return
  }
  func.func @transform_0(%arg0: i32) -> (i32, i32) {
    %c0_i32 = arith.constant 0 : i32
    %c0_i32_0 = arith.constant 0 : i32
    return %arg0, %c0_i32 : i32, i32
  }
  func.func @transform_1(%arg0: i32) -> (i32, i32) {
    %c0_i32 = arith.constant 0 : i32
    %c0_i32_0 = arith.constant 0 : i32
    %c0_i32_1 = arith.constant 0 : i32
    return %c0_i32, %c0_i32_0 : i32, i32
  }
  func.func @transform_2(%arg0: i32) -> (i32, i32) {
    %c0_i32 = arith.constant 0 : i32
    %c0_i32_0 = arith.constant 0 : i32
    return %arg0, %c0_i32 : i32, i32
  }
  func.func @transform_3(%arg0: i32) -> (i32, i32) {
    %c0_i32 = arith.constant 0 : i32
    %c0_i32_0 = arith.constant 0 : i32
    return %arg0, %c0_i32 : i32, i32
  }
  func.func @transform_4(%arg0: i32) -> (i32, i32) {
    %c0_i32 = arith.constant 0 : i32
    %c0_i32_0 = arith.constant 0 : i32
    return %arg0, %c0_i32 : i32, i32
  }
}

module attributes {stable_mosaic.version = 14 : i64} {
  func.func @_tc2_body(%arg0: i32, %arg1: memref<400x128xf32, #tpu.memory_space<vmem>>, %arg2: memref<400x128xf32, #tpu.memory_space<vmem>>, %arg3: memref<400x128xf32, #tpu.memory_space<vmem>>, %arg4: memref<400x16xf32, #tpu.memory_space<vmem>>, %arg5: memref<400x16xf32, #tpu.memory_space<vmem>>, %arg6: memref<1x128xf32, #tpu.memory_space<vmem>>, %arg7: memref<128x128xf32, #tpu.memory_space<vmem>>, %arg8: memref<400x128xf32, #tpu.memory_space<vmem>>) attributes {dimension_semantics = [#tpu.dimension_semantics<arbitrary>], iteration_bounds = array<i64: 25>, scalar_prefetch = 0 : i64, scratch_operands = 0 : i64, tpu.core_type = #tpu.core_type<tc>, window_params = [{transform_indices = @transform_0, window_bounds = array<i64: 400, 128>}, {transform_indices = @transform_1, window_bounds = array<i64: 400, 128>}, {transform_indices = @transform_2, window_bounds = array<i64: 400, 128>}, {transform_indices = @transform_3, window_bounds = array<i64: 400, 16>}, {transform_indices = @transform_4, window_bounds = array<i64: 400, 16>}, {pipeline_mode = #tpu.pipeline_mode<synchronous>, transform_indices = @transform_5, window_bounds = array<i64: 1, 128>}, {pipeline_mode = #tpu.pipeline_mode<synchronous>, transform_indices = @transform_6, window_bounds = array<i64: 128, 128>}, {transform_indices = @transform_7, window_bounds = array<i64: 400, 128>}]} {
    %get3A = arith.constant 0 : index
    %get3A_0 = arith.constant 0 : index
    %get3A_1 = vector.load %arg4[%get3A, %get3A_0] : memref<400x16xf32, #tpu.memory_space<vmem>>, vector<400x16xf32>
    %get3A_2 = arith.constant 0 : index
    %get3A_3 = arith.constant 0 : index
    %get3A_4 = vector.load %arg5[%get3A_2, %get3A_3] : memref<400x16xf32, #tpu.memory_space<vmem>>, vector<400x16xf32>
    %add3A = arith.addf %get3A_1, %get3A_4 : vector<400x16xf32>
    %slice3A = vector.extract_strided_slice %add3A {offsets = [0, 0], sizes = [400, 1], strides = [1, 1]} : vector<400x16xf32> to vector<400x1xf32>
    %add3A_5 = arith.constant 1.000000e+00 : f32
    %add3A_6 = vector.broadcast %add3A_5 : f32 to vector<400x1xf32>
    %add3A_7 = arith.addf %slice3A, %add3A_6 : vector<400x1xf32>
    %rsqrt3A = math.rsqrt %add3A_7 : vector<400x1xf32>
    %get3A_8 = arith.constant 0 : index
    %get3A_9 = arith.constant 0 : index
    %get3A_10 = vector.load %arg1[%get3A_8, %get3A_9] : memref<400x128xf32, #tpu.memory_space<vmem>>, vector<400x128xf32>
    %get3A_11 = arith.constant 0 : index
    %get3A_12 = arith.constant 0 : index
    %get3A_13 = vector.load %arg2[%get3A_11, %get3A_12] : memref<400x128xf32, #tpu.memory_space<vmem>>, vector<400x128xf32>
    %add3A_14 = arith.addf %get3A_10, %get3A_13 : vector<400x128xf32>
    %get3A_15 = arith.constant 0 : index
    %get3A_16 = arith.constant 0 : index
    %get3A_17 = vector.load %arg3[%get3A_15, %get3A_16] : memref<400x128xf32, #tpu.memory_space<vmem>>, vector<400x128xf32>
    %add3A_18 = arith.addf %add3A_14, %get3A_17 : vector<400x128xf32>
    %mul3A = vector.broadcast %rsqrt3A : vector<400x1xf32> to vector<400x128xf32>
    %mul3A_19 = arith.mulf %add3A_18, %mul3A : vector<400x128xf32>
    %get3A_20 = arith.constant 0 : index
    %get3A_21 = arith.constant 0 : index
    %get3A_22 = vector.load %arg6[%get3A_20, %get3A_21] : memref<1x128xf32, #tpu.memory_space<vmem>>, vector<1x128xf32>
    %add3A_23 = vector.broadcast %get3A_22 : vector<1x128xf32> to vector<400x128xf32>
    %add3A_24 = arith.addf %mul3A_19, %add3A_23 : vector<400x128xf32>
    %max3A = arith.constant 0.000000e+00 : f32
    %max3A_25 = vector.broadcast %max3A : f32 to vector<400x128xf32>
    %max3A_26 = arith.maximumf %add3A_24, %max3A_25 : vector<400x128xf32>
    %get3A_27 = arith.constant 0 : index
    %get3A_28 = arith.constant 0 : index
    %get3A_29 = vector.load %arg7[%get3A_27, %get3A_28] : memref<128x128xf32, #tpu.memory_space<vmem>>, vector<128x128xf32>
    %dot_general3A = arith.constant dense<0.000000e+00> : vector<400x128xf32>
    %dot_general3A_30 = tpu.matmul %max3A_26, %get3A_29, %dot_general3A {dimension_numbers = #tpu.dot_dimension_numbers<[1], [0], [0], [1], [0, 0, 1, 1], [], []>, transpose_lhs_hint = false} : vector<400x128xf32>, vector<128x128xf32>, vector<400x128xf32> -> vector<400x128xf32>
    %mul3A_31 = vector.broadcast %rsqrt3A : vector<400x1xf32> to vector<400x128xf32>
    %mul3A_32 = arith.mulf %dot_general3A_30, %mul3A_31 : vector<400x128xf32>
    %swap3A = arith.constant 0 : index
    %swap3A_33 = arith.constant 0 : index
    %swap3A_34 = vector.load %arg8[%swap3A, %swap3A_33] : memref<400x128xf32, #tpu.memory_space<vmem>>, vector<400x128xf32>
    tpu.vector_store %arg8[%swap3A, %swap3A_33], %mul3A_32 {strides = array<i32>} : memref<400x128xf32, #tpu.memory_space<vmem>>, vector<400x128xf32>,
    return
  }
  func.func @transform_0(%arg0: i32) -> (i32, i32) {
    %c0_i32 = arith.constant 0 : i32
    %c0_i32_0 = arith.constant 0 : i32
    return %arg0, %c0_i32 : i32, i32
  }
  func.func @transform_1(%arg0: i32) -> (i32, i32) {
    %c0_i32 = arith.constant 0 : i32
    %c0_i32_0 = arith.constant 0 : i32
    return %arg0, %c0_i32 : i32, i32
  }
  func.func @transform_2(%arg0: i32) -> (i32, i32) {
    %c0_i32 = arith.constant 0 : i32
    %c0_i32_0 = arith.constant 0 : i32
    return %arg0, %c0_i32 : i32, i32
  }
  func.func @transform_3(%arg0: i32) -> (i32, i32) {
    %c0_i32 = arith.constant 0 : i32
    %c0_i32_0 = arith.constant 0 : i32
    return %arg0, %c0_i32 : i32, i32
  }
  func.func @transform_4(%arg0: i32) -> (i32, i32) {
    %c0_i32 = arith.constant 0 : i32
    %c0_i32_0 = arith.constant 0 : i32
    return %arg0, %c0_i32 : i32, i32
  }
  func.func @transform_5(%arg0: i32) -> (i32, i32) {
    %c0_i32 = arith.constant 0 : i32
    %c0_i32_0 = arith.constant 0 : i32
    %c0_i32_1 = arith.constant 0 : i32
    return %c0_i32, %c0_i32_0 : i32, i32
  }
  func.func @transform_6(%arg0: i32) -> (i32, i32) {
    %c0_i32 = arith.constant 0 : i32
    %c0_i32_0 = arith.constant 0 : i32
    %c0_i32_1 = arith.constant 0 : i32
    return %c0_i32, %c0_i32_0 : i32, i32
  }
  func.func @transform_7(%arg0: i32) -> (i32, i32) {
    %c0_i32 = arith.constant 0 : i32
    %c0_i32_0 = arith.constant 0 : i32
    return %arg0, %c0_i32 : i32, i32
  }
}

module attributes {stable_mosaic.version = 14 : i64} {
  func.func @_tc3_body(%arg0: i32, %arg1: memref<400x128xf32, #tpu.memory_space<vmem>>, %arg2: memref<400x128xf32, #tpu.memory_space<vmem>>, %arg3: memref<400x128xf32, #tpu.memory_space<vmem>>, %arg4: memref<400x16xf32, #tpu.memory_space<vmem>>, %arg5: memref<400x16xf32, #tpu.memory_space<vmem>>, %arg6: memref<1x128xf32, #tpu.memory_space<vmem>>, %arg7: memref<400x128xf32, #tpu.memory_space<vmem>>) attributes {dimension_semantics = [#tpu.dimension_semantics<arbitrary>], iteration_bounds = array<i64: 25>, scalar_prefetch = 0 : i64, scratch_operands = 0 : i64, tpu.core_type = #tpu.core_type<tc>, window_params = [{transform_indices = @transform_0, window_bounds = array<i64: 400, 128>}, {transform_indices = @transform_1, window_bounds = array<i64: 400, 128>}, {transform_indices = @transform_2, window_bounds = array<i64: 400, 128>}, {transform_indices = @transform_3, window_bounds = array<i64: 400, 16>}, {transform_indices = @transform_4, window_bounds = array<i64: 400, 16>}, {pipeline_mode = #tpu.pipeline_mode<synchronous>, transform_indices = @transform_5, window_bounds = array<i64: 1, 128>}, {transform_indices = @transform_6, window_bounds = array<i64: 400, 128>}]} {
    %get3A = arith.constant 0 : index
    %get3A_0 = arith.constant 0 : index
    %get3A_1 = vector.load %arg4[%get3A, %get3A_0] : memref<400x16xf32, #tpu.memory_space<vmem>>, vector<400x16xf32>
    %get3A_2 = arith.constant 0 : index
    %get3A_3 = arith.constant 0 : index
    %get3A_4 = vector.load %arg5[%get3A_2, %get3A_3] : memref<400x16xf32, #tpu.memory_space<vmem>>, vector<400x16xf32>
    %add3A = arith.addf %get3A_1, %get3A_4 : vector<400x16xf32>
    %slice3A = vector.extract_strided_slice %add3A {offsets = [0, 0], sizes = [400, 1], strides = [1, 1]} : vector<400x16xf32> to vector<400x1xf32>
    %add3A_5 = arith.constant 1.000000e+00 : f32
    %add3A_6 = vector.broadcast %add3A_5 : f32 to vector<400x1xf32>
    %add3A_7 = arith.addf %slice3A, %add3A_6 : vector<400x1xf32>
    %rsqrt3A = math.rsqrt %add3A_7 : vector<400x1xf32>
    %get3A_8 = arith.constant 0 : index
    %get3A_9 = arith.constant 0 : index
    %get3A_10 = vector.load %arg1[%get3A_8, %get3A_9] : memref<400x128xf32, #tpu.memory_space<vmem>>, vector<400x128xf32>
    %get3A_11 = arith.constant 0 : index
    %get3A_12 = arith.constant 0 : index
    %get3A_13 = vector.load %arg2[%get3A_11, %get3A_12] : memref<400x128xf32, #tpu.memory_space<vmem>>, vector<400x128xf32>
    %add3A_14 = arith.addf %get3A_10, %get3A_13 : vector<400x128xf32>
    %get3A_15 = arith.constant 0 : index
    %get3A_16 = arith.constant 0 : index
    %get3A_17 = vector.load %arg3[%get3A_15, %get3A_16] : memref<400x128xf32, #tpu.memory_space<vmem>>, vector<400x128xf32>
    %add3A_18 = arith.addf %add3A_14, %get3A_17 : vector<400x128xf32>
    %mul3A = vector.broadcast %rsqrt3A : vector<400x1xf32> to vector<400x128xf32>
    %mul3A_19 = arith.mulf %add3A_18, %mul3A : vector<400x128xf32>
    %get3A_20 = arith.constant 0 : index
    %get3A_21 = arith.constant 0 : index
    %get3A_22 = vector.load %arg6[%get3A_20, %get3A_21] : memref<1x128xf32, #tpu.memory_space<vmem>>, vector<1x128xf32>
    %add3A_23 = vector.broadcast %get3A_22 : vector<1x128xf32> to vector<400x128xf32>
    %add3A_24 = arith.addf %mul3A_19, %add3A_23 : vector<400x128xf32>
    %mul3A_25 = arith.mulf %add3A_24, %add3A_24 : vector<400x128xf32>
    %reduce_sum3A = arith.constant dense<0.000000e+00> : vector<400xf32>
    %reduce_sum3A_26 = vector.multi_reduction <add>, %mul3A_25, %reduce_sum3A [1] : vector<400x128xf32> to vector<400xf32>
    %broadcast_in_dim3A = vector.shape_cast %reduce_sum3A_26 : vector<400xf32> to vector<400x1xf32>
    %sqrt3A = math.sqrt %broadcast_in_dim3A : vector<400x1xf32>
    %max3A = arith.constant 9.99999996E-13 : f32
    %max3A_27 = vector.broadcast %max3A : f32 to vector<400x1xf32>
    %max3A_28 = arith.maximumf %sqrt3A, %max3A_27 : vector<400x1xf32>
    %div3A = vector.broadcast %max3A_28 : vector<400x1xf32> to vector<400x128xf32>
    %div3A_29 = arith.divf %add3A_24, %div3A : vector<400x128xf32>
    %reduce_max3A = arith.constant dense<0xFF800000> : vector<400xf32>
    %reduce_max3A_30 = vector.multi_reduction <maximumf>, %div3A_29, %reduce_max3A [1] : vector<400x128xf32> to vector<400xf32>
    %broadcast_in_dim3A_31 = vector.shape_cast %reduce_max3A_30 : vector<400xf32> to vector<400x1xf32>
    %sub3A = vector.broadcast %broadcast_in_dim3A_31 : vector<400x1xf32> to vector<400x128xf32>
    %sub3A_32 = arith.subf %div3A_29, %sub3A : vector<400x128xf32>
    %exp3A = math.exp %sub3A_32 : vector<400x128xf32>
    %reduce_sum3A_33 = arith.constant dense<0.000000e+00> : vector<400xf32>
    %reduce_sum3A_34 = vector.multi_reduction <add>, %exp3A, %reduce_sum3A_33 [1] : vector<400x128xf32> to vector<400xf32>
    %broadcast_in_dim3A_35 = vector.shape_cast %reduce_sum3A_34 : vector<400xf32> to vector<400x1xf32>
    %log3A = math.log %broadcast_in_dim3A_35 : vector<400x1xf32>
    %sub3A_36 = vector.broadcast %log3A : vector<400x1xf32> to vector<400x128xf32>
    %sub3A_37 = arith.subf %sub3A_32, %sub3A_36 : vector<400x128xf32>
    %swap3A = arith.constant 0 : index
    %swap3A_38 = arith.constant 0 : index
    %swap3A_39 = vector.load %arg7[%swap3A, %swap3A_38] : memref<400x128xf32, #tpu.memory_space<vmem>>, vector<400x128xf32>
    tpu.vector_store %arg7[%swap3A, %swap3A_38], %sub3A_37 {strides = array<i32>} : memref<400x128xf32, #tpu.memory_space<vmem>>, vector<400x128xf32>,
    return
  }
  func.func @transform_0(%arg0: i32) -> (i32, i32) {
    %c0_i32 = arith.constant 0 : i32
    %c0_i32_0 = arith.constant 0 : i32
    return %arg0, %c0_i32 : i32, i32
  }
  func.func @transform_1(%arg0: i32) -> (i32, i32) {
    %c0_i32 = arith.constant 0 : i32
    %c0_i32_0 = arith.constant 0 : i32
    return %arg0, %c0_i32 : i32, i32
  }
  func.func @transform_2(%arg0: i32) -> (i32, i32) {
    %c0_i32 = arith.constant 0 : i32
    %c0_i32_0 = arith.constant 0 : i32
    return %arg0, %c0_i32 : i32, i32
  }
  func.func @transform_3(%arg0: i32) -> (i32, i32) {
    %c0_i32 = arith.constant 0 : i32
    %c0_i32_0 = arith.constant 0 : i32
    return %arg0, %c0_i32 : i32, i32
  }
  func.func @transform_4(%arg0: i32) -> (i32, i32) {
    %c0_i32 = arith.constant 0 : i32
    %c0_i32_0 = arith.constant 0 : i32
    return %arg0, %c0_i32 : i32, i32
  }
  func.func @transform_5(%arg0: i32) -> (i32, i32) {
    %c0_i32 = arith.constant 0 : i32
    %c0_i32_0 = arith.constant 0 : i32
    %c0_i32_1 = arith.constant 0 : i32
    return %c0_i32, %c0_i32_0 : i32, i32
  }
  func.func @transform_6(%arg0: i32) -> (i32, i32) {
    %c0_i32 = arith.constant 0 : i32
    %c0_i32_0 = arith.constant 0 : i32
    return %arg0, %c0_i32 : i32, i32
  }
}

</mosaic_0001>

<sc_bundles>
// kernel: kernel.11.cloned.1.call-start
scs
__scs_entry_jumppad:
0x0: {  	(pc) =	sbr.rel $0x88, $3  }
0x1: {  	(tag) =	ssettag $0x0;
	lr =	simm.s32 $0x1  }
0x2: {  	[smem:$0x3F9B] =	sst lr;
	_ =	strace $0xD0000000  }
0x3: {  	_ = 	snop  }
0x4: {  	_ = 	snop  }
0x5: {  	_ = 	snop  }
0x6: {  	_ = 	snop  }
0x7: {  	_ = 	snop  }
__scs_overlays_trampoline_lowered:
0x8: {  	[smem:$0x3FAA] =	sst s0  }
0x9: {  	[smem:$0x3FAB] =	sst s1  }
0xa: {  	[smem:$0x3FAC] =	sst s2  }
0xb: {  	[smem:$0x3FAD] =	sst s3  }
0xc: {  	[smem:$0x3FAE] =	sst s4  }
0xd: {  	[smem:$0x3FAF] =	sst s5  }
0xe: {  	[smem:$0x3FB0] =	sst s6  }
0xf: {  	[smem:$0x3FB1] =	sst s7  }
0x10: {  	[smem:$0x3FB2] =	sst s8  }
0x11: {  	[smem:$0x3FB3] =	sst s9;
	s0 =	simm.s32 @!p0 $0x0  }
0x12: {  	s1 =	sld [smem:$0x3F99];
	s0 =	simm.s32 @p0 $0x1  }
0x13: {  	[smem:$0x3FB4] =	sst s0;
	s0 =	simm.s32 @!p1 $0x0  }
0x14: {  	s2 =	sld [smem:$0x3F98];
	s0 =	simm.s32 @p1 $0x1  }
0x15: {  	[smem:$0x3FB5] =	sst s0;
	s0 =	simm.s32 @!p2 $0x0  }
0x16: {  	s3 =	sld [smem:$0x3FDB];
	s0 =	simm.s32 @p2 $0x1  }
0x17: {  	s4 =	simm.s32 $0x1BF5;
	[smem:$0x3FB7] =	sst s0  }
0x18: {  	s0 =	sld [smem:$0x3F9A];
	_ =	swait.ge [sflag:s4], $0x0  }
0x19: {  	s7 =	sld [smem:$0x3F9B]  }
0x1a: {  	s8 =	sadd.s32 $0xFFFFE003, lr  }
0x1b: {  	s9 =	sadd.s32 $0xFFFFFEF7, lr;
	s5 =	simm.s32 $0xFFFFFFFF;
	p2 =	slt.u32 s8, $0xFFFFF086  }
0x1c: {  	p1 =	slt.u32 s9, $0xF7A;
	s5 =	simm.s32 @!p2 $0x0  }
0x1d: {  	s5 =	simm.s32 @p1 $0x1;
	p0 =	seq.s32 s7, s2  }
0x1e: {  	s7 =	smul.u32 @!p0 $0xF7A, s2;
	p2 =	seq.s32 @!p0 s5, $0x0  }
0x1f: {  	s9 =	smul.u32 $0xF7A, s1;
	s8 =	simm.s32 @!p0 $0x1BF5;
	p2 =	por !p2, p0  }
0x20: {  	[sflag:s8] =	ssyncset.s32 @!p0 $0xFFFFF086;
	s6 =	sadd.s32 @!p0 s3, s7;
	s7 =	simm.s32 @!p0 $0x108  }
0x21: {  	s3 =	sadd.s32 s3, s9;
	s6 =	sadd.s32 @!p0 $0x88, s6;
	s7 =	simm.s32 @p2 $0x1082  }
0x22: {  	[simem:s7], [sflag:s8] =	dma.local @!p0 [hbm:s6], $0xF7A  }
0x23: {  	s9 =	sor.u32 $0xD0000000, s2;
	s6 =	simm.s32 $0x108;
	_ =	swait.ge @!p0 [sflag:s8], $0x0  }
0x24: {  	s3 =	sadd.s32 $0x88, s3;
	s6 =	simm.s32 @!p1 $0x1082;
	[sflag:s4] =	ssyncset.s32 $0xFFFFF086  }
0x25: {  	[simem:s6], [sflag:s4] =	dma.local [hbm:s3], $0xF7A  }
0x26: {  	[smem:$0x3F9B] =	sst s1;
	(tag) =	ssettag s2;
	_ =	strace s9  }
0x27: {  	s1 =	sld [smem:$0x3FAB]  }
0x28: {  	s2 =	sld [smem:$0x3FAC]  }
0x29: {  	s4 =	sld [smem:$0x3FAE]  }
0x2a: {  	p0 =	seq.s32 s5, $0x0;
	s5 =	sld [smem:$0x3FAF]  }
0x2b: {  	s6 =	sld [smem:$0x3FB0]  }
0x2c: {  	s7 =	sld [smem:$0x3FB1]  }
0x2d: {  	s3 =	simm.s32 $0x108;
	s8 =	sld [smem:$0x3FB2]  }
0x2e: {  	s3 =	simm.s32 @!p0 $0x1082;
	s9 =	sld [smem:$0x3FB3]  }
0x2f: {  	lr =	sadd.s32 s0, s3;
	s0 =	sld [smem:$0x3FAA]  }
0x30: {  	s3 =	sld [smem:$0x3FAD]  }
0x31: {  	[smem:$0x3FB6] =	sst s10  }
0x32: {  	s10 =	sld [smem:$0x3FB4];
	_ =	sdelay $0x3  }
0x33: {  	p0 =	seq.s32 s10, $0x1;
	s10 =	sld [smem:$0x3FB6];
	_ =	sdelay $0x3  }
0x34: {  	[smem:$0x3FB6] =	sst s10  }
0x35: {  	s10 =	sld [smem:$0x3FB5];
	_ =	sdelay $0x3  }
0x36: {  	p1 =	seq.s32 s10, $0x1;
	s10 =	sld [smem:$0x3FB6];
	_ =	sdelay $0x3  }
0x37: {  	[smem:$0x3FB6] =	sst s10  }
0x38: {  	s10 =	sld [smem:$0x3FB7]  }
0x39: {  	_ = 	snop;
	(pc) =	sbr.ind lr, $3  }
0x3a: {  	_ = 	snop  }
0x3b: {  	_ = 	snop  }
0x3c: {  	p2 =	seq.s32 s10, $0x1;
	s10 =	sld [smem:$0x3FB6]  }
0x3d: {  	_ =	shalt  }
0x3e: {  	_ =	shalt  }
0x3f: {  	_ =	shalt  }
0x40: {  	_ =	shalt  }
0x41: {  	_ =	shalt  }
0x42: {  	_ =	shalt  }
0x43: {  	_ =	shalt  }
0x44: {  	_ =	shalt  }
0x45: {  	_ =	shalt  }
0x46: {  	_ =	shalt  }
0x47: {  	_ =	shalt  }
0x48: {  	_ =	shalt  }
0x49: {  	_ =	shalt  }
0x4a: {  	_ =	shalt  }
0x4b: {  	_ =	shalt  }
0x4c: {  	_ =	shalt  }
0x4d: {  	_ =	shalt  }
0x4e: {  	_ =	shalt  }
0x4f: {  	_ =	shalt  }
0x50: {  	_ =	shalt  }
0x51: {  	_ =	shalt  }
0x52: {  	_ =	shalt  }
0x53: {  	_ =	shalt  }
0x54: {  	_ =	shalt  }
0x55: {  	_ =	shalt  }
0x56: {  	_ =	shalt  }
0x57: {  	_ =	shalt  }
0x58: {  	_ =	shalt  }
0x59: {  	_ =	shalt  }
0x5a: {  	_ =	shalt  }
0x5b: {  	_ =	shalt  }
0x5c: {  	_ =	shalt  }
0x5d: {  	_ =	shalt  }
0x5e: {  	_ =	shalt  }
0x5f: {  	_ =	shalt  }
0x60: {  	_ =	shalt  }
0x61: {  	_ =	shalt  }
0x62: {  	_ =	shalt  }
0x63: {  	_ =	shalt  }
0x64: {  	_ =	shalt  }
0x65: {  	_ =	shalt  }
0x66: {  	_ =	shalt  }
0x67: {  	_ =	shalt  }
0x68: {  	_ =	shalt  }
0x69: {  	_ =	shalt  }
0x6a: {  	_ =	shalt  }
0x6b: {  	_ =	shalt  }
0x6c: {  	_ =	shalt  }
0x6d: {  	_ =	shalt  }
0x6e: {  	_ =	shalt  }
0x6f: {  	_ =	shalt  }
0x70: {  	_ =	shalt  }
0x71: {  	_ =	shalt  }
0x72: {  	_ =	shalt  }
0x73: {  	_ =	shalt  }
0x74: {  	_ =	shalt  }
0x75: {  	_ =	shalt  }
0x76: {  	_ =	shalt  }
0x77: {  	_ =	shalt  }
0x78: {  	_ =	shalt  }
0x79: {  	_ =	shalt  }
0x7a: {  	_ =	shalt  }
0x7b: {  	_ =	shalt  }
0x7c: {  	_ =	shalt  }
0x7d: {  	_ =	shalt  }
0x7e: {  	_ =	shalt  }
0x7f: {  	_ =	shalt  }
0x80: {  	_ =	shalt  }
0x81: {  	_ =	shalt  }
0x82: {  	_ =	shalt  }
0x83: {  	_ =	shalt  }
0x84: {  	_ =	shalt  }
0x85: {  	_ =	shalt  }
0x86: {  	_ =	shalt  }
0x87: {  	_ =	shalt  }
.Lfunc_end0:
.L_simem_size_0:
called_computation.1_lowered:
.L_overlay_start_0:
0x88: {  	s2 =	sld [smem:$0x3FD9]  }
0x89: {  	s3 =	sld [smem:$0x3FFE];
	_ =	sdelay $0x1  }
0x8a: {  	s1 =	srdreg.scid  }
0x8b: {  	s0 =	sand.u32 $0x1, s1  }
0x8c: {  	s17 =	sshll.u32 s0, $0xA;
	s2 =	sadd.s32 s3, s2  }
0x8d: {  	s2 =	sadd.s32 s2, s17  }
0x8e: {  	[smem:$0x3FC2] =	sst s2  }
0x8f: {  	_ = 	snop  }
0x90: {  	s2 =	sld [smem:$0x3FD0];
	(tm) =	ssettm $0x1  }
0x91: {  	s18 =	sld [smem:$0x3FFB];
	_ =	sdelay $0x3  }
0x92: {  	_ =	strace s18  }
0x93: {  	s3 =	sld [smem:$0x3FFC];
	_ =	sdelay $0x3  }
0x94: {  	_ =	strace s3  }
0x95: {  	s3 =	sld [smem:$0x3FFD];
	_ =	sdelay $0x3  }
0x96: {  	_ =	strace s3  }
0x97: {  	_ =	strace $0x8FFFFFFF  }
0x98: {  	s19 =	sld [smem:$0x3FDB];
	_ =	sdelay $0x1  }
0x99: {  	s4 =	simm.s32 $_scs_section_size  }
0x9a: {  	s5 =	simm.s32 $_size__tile_overlayer_lowered;
	s6 =	simm.s32 $_tile_overlayer_lowered  }
0x9b: {  	s22 =	simm.s32 $0x1BFF;
	s21 =	sshll.u32 s6, $0x1;
	s3 =	sadd.s32 s4, s19  }
0x9c: {  	s7 =	simm.s32 $0x0;
	s20 =	sshll.u32 s5, $0x1;
	s5 =	sadd.s32 s21, s3  }
0x9d: {  	[timem:s7], [sflag:s22] =	dma.local [hbm:s5], s20  }
0x9e: {  	_ =	swait.ge [sflag:s22], s20  }
0x9f: {  	s4 =	ssub.s32 $0x0, s20;
	[sflag:s22] =	ssyncset.done $0x0  }
0xa0: {  	[sflag:s22] =	ssyncadd.s32 s4;
	_ =	sdelay $0x1  }
0xa1: {  	s23 =	simm.s32 $0x1B8B  }
0xa2: {  	_ =	swait.ge [sflag:s23], $0x1  }
0xa3: {  	[sflag:s23] =	ssyncset.done $0x0  }
0xa4: {  	s25 =	simm.s32 $0x1B8E;
	s24 =	sld [smem:$0x3FFE];
	[sflag:s23] =	ssyncadd.s32 $0xFFFFFFFF  }
0xa5: {  	s26 =	simm.s32 $execute0_lowered;
	[smem:$0x3FD2] =	sst s25  }
0xa6: {  	s5 =	sshll.u32 s26, $0x1;
	_ =	strace $0x80000049;
	[dreg:$0x1] =	wrdreg $0xFFFFFFFF  }
0xa7: {  	s28 =	simm.s32 $_size_execute0_lowered;
	s3 =	sadd.s32 s3, s5;
	[dreg:$0x0] =	wrdreg $0x0  }
0xa8: {  	s5 =	sshll.u32 s28, $0x1;
	[dreg:$0x2] =	wrdreg s3  }
0xa9: {  	[dreg:$0x3] =	wrdreg s5  }
0xaa: {  	[dreg:$0x4] =	wrdreg $0xC0  }
0xab: {  	_ =	task [dreg:s7], $0x5FFFF  }
0xac: {  	[dreg:$0x1] =	wrdreg $0xFFFFFFFF  }
0xad: {  	[dreg:$0x0] =	wrdreg $0x60  }
0xae: {  	[dreg:$0x2] =	wrdreg s2  }
0xaf: {  	[dreg:$0x3] =	wrdreg s24  }
0xb0: {  	[dreg:$0x4] =	wrdreg $0xA8000  }
0xb1: {  	[dreg:$0x5] =	wrdreg $0x9  }
0xb2: {  	_ =	task.clear_ibuf [dreg:s7], $0x6FFFF;
	_ =	strace $0x90000049  }
0xb3: {  	s29 =	simm.s32 $0x9;
	_ =	strace $0x8000004B  }
0xb4: {  	_ =	swait.ge [sflag:s29], $0x1  }
0xb5: {  	[sflag:s29] =	ssyncadd.s32 $0xFFFFFFFF  }
0xb6: {  	_ =	strace $0x9000004B  }
0xb7: {  	_ =	sfence  }
0xb8: {  	s30 =	sld [smem:$0x0];
	_ =	sdelay $0x2  }
0xb9: {  	s31 =	sshll.u32 s1, $0xD;
	s1 =	sshrl.u32 s1, $0x2  }
0xba: {  	s3 =	sand.u32 $0x4000, s31;
	s1 =	sadd.s32 s1, s30  }
0xbb: {  	s0 =	sor.u32 s3, s0;
	s1 =	sshll.u32 s1, $0x11  }
0xbc: {  	s0 =	sor.u32 s1, s0  }
0xbd: {  	s0 =	sadd.s32 $0x8F2B, s0  }
0xbe: {  	[sflag:s0] =	ssyncadd.remote.s32 $0x1  }
0xbf: {  	_ =	sfence.sel $0xFFFF  }
0xc0: {  	[dreg:$0x0] =	wrdreg $0xFFFFFFFF;
	(pc) =	sbr.abs _section_cstart, $3  }
0xc1: {  	[dreg:$0x1] =	wrdreg $0xFFFFFFFF  }
0xc2: {  	_ =	task.clear_ibuf [dreg:s7], $0x2FFFF;
	_ =	strace $0x9FFFFFFF  }
0xc3: {  	(tm) =	ssettm $0x7FFFFFFF  }
tec
execute0_lowered:
.L_overlay_start_1:
0x0: {  	(tag) =	ssettag $0x1  }
0x1: {  	s1 =	rddreg [dreg:$0x0]  }
0x2: {  	s0 =	rddreg [dreg:$0x1]  }
0x3: {  	s2 =	rddreg [dreg:$0x2];
	s3 =	simm.s32 $0x0;
	s19 =	srdreg.scid  }
0x4: {  	s15 =	stileid.u32;
	s16 =	simm.s32 $0x2800;
	s17 =	simm.s32 $0x5  }
0x5: {  	s18 =	simm.s32 $0x1400;
	s28 =	simm.s32 $0x4;
	s29 =	simm.s32 $0x1380  }
0x6: {  	s30 =	simm.s32 $0x13C0;
	s31 =	simm.s32 $0x2700;
	[smem:$0x7FF] =	sst s3  }
0x7: {  	s3 =	sand.u32 $0x1, s19;
	s4 =	smul.u32 $0x4F000, s15;
	s6 =	sadd.s32 $0x4400, s0  }
0x8: {  	s13 =	sadd.s32 $0xE400, s0;
	s26 =	smul.u32 $0x2780, s15;
	s19 =	simm.s32 $0x40  }
0x9: {  	_ =	strace $0x8000004A;
	s5 =	sshll.u32 s3, $0x4;
	s7 =	ssub.s32 $0x2, s3  }
0xa: {  	p0 =	seq.s32 s3, $0x1;
	s3 =	simm.s32 $0x8EC00;
	s8 =	sor.u32 s15, s5  }
0xb: {  	s4 =	sshrl.u32 s4, $0x2;
	s9 =	sshrl.u32 s7, $0x1;
	s3 =	simm.s32 @!p0 $0x67400  }
0xc: {  	s5 =	sadd.s32 s4, s2;
	s20 =	smul.u32 $0x500, s8;
	s14 =	ssub.s32 s7, s9  }
0xd: {  	s12 =	smul.u32 $0x2800, s8;
	s0 =	sadd.s32 s3, s0;
	s21 =	sadd.s32 $0x4000, s5  }
0xe: {  	s22 =	sadd.s32 $0x8000, s5;
	s23 =	sadd.s32 $0xC000, s5;
	[dreg:$0x4] =	wrdreg s21  }
0xf: {  	s24 =	sadd.s32 $0x10000, s5;
	s14 =	smax.u32 s14, $0x1;
	[dreg:$0x5] =	wrdreg s22  }
0x10: {  	s15 =	sadd.s32 s0, s26;
	s26 =	simm.s32 $0x3;
	[dreg:$0x6] =	wrdreg s23  }
0x11: {  	s0 =	simm.s32 $0x2780;
	[dreg:$0x7] =	wrdreg s24;
	s10 =	sadd.s32 s6, s20  }
0x12: {  	s11 =	sadd.s32 s13, s20;
	s25 =	sshrl.u32 s12, $0x3;
	s20 =	simm.s32 $0x4800  }
0x13: {  	s21 =	simm.s32 $0x6800;
	s22 =	simm.s32 $0x8800;
	s23 =	simm.s32 $0x1  }
0x14: {  	s24 =	simm.s32 $0x2;
	s4 =	sadd.s32 $0x280, s25;
	s25 =	simm.s32 $0x80  }
0x15: {  	v0 =	vimm.f32 $0.0e+00;
	s12 =	sadd.s32 s6, s4;
	s13 =	sadd.s32 s13, s4;
	s4 =	simm.s32 $0x0  }
.LBB2_1:
0x16: {  	s6 =	simm.s32 $0x0  }
0x17: {  	s3 =	simm.s32 $0x10;
	s6 =	sand.u32 $0x3FF0, s6  }
.LBB2_2:
0x18: {  	p0 =	sne.s32 s3, $0x3FF0;
	[tilespmem:s6+$0x2800] =	vst v0;
	s6 =	smov.u32 s3;
	s3 =	sadd.s32 $0x10, s3  }
.Ltmp0:
0x19: {  	(pc) =	sbr.rel @p0 .LBB2_2-.Ltmp0, $2  }
0x1a: {  	_ =	sdelay $0x2  }
0x1b: {  	s6 =	sand.u32 $0x3FF0, s6  }
0x1c: {  	[tilespmem:s6+$0x2800] =	vst v0  }
0x1d: {  	[spmem:s5] =	stream.linear.scatter [tilespmem:s16], [sflag:$0x5], $0x4000, $0x38;
	[tilespmem:$0x1E400] =	vst v63  }
0x1e: {  	_ =	swait.ge [sflag:s17], $0x4000  }
0x1f: {  	[sflag:s17] =	ssyncset.done $0x0  }
0x20: {  	s3 =	rddreg [dreg:$0x4];
	[sflag:s17] =	ssyncadd.s32 $0xFFFFC000  }
0x21: {  	[spmem:s3] =	stream.linear.scatter [tilespmem:s16], [sflag:$0x5], $0x4000, $0x38;
	[tilespmem:$0x1E400] =	vst v63  }
0x22: {  	_ =	swait.ge [sflag:s17], $0x4000  }
0x23: {  	[sflag:s17] =	ssyncset.done $0x0  }
0x24: {  	s8 =	rddreg [dreg:$0x5];
	[sflag:s17] =	ssyncadd.s32 $0xFFFFC000  }
0x25: {  	[spmem:s8] =	stream.linear.scatter [tilespmem:s16], [sflag:$0x5], $0x4000, $0x38;
	[tilespmem:$0x1E400] =	vst v63  }
0x26: {  	_ =	swait.ge [sflag:s17], $0x4000  }
0x27: {  	[sflag:s17] =	ssyncset.done $0x0  }
0x28: {  	s9 =	rddreg [dreg:$0x6];
	[sflag:s17] =	ssyncadd.s32 $0xFFFFC000  }
0x29: {  	[spmem:s9] =	stream.linear.scatter [tilespmem:s16], [sflag:$0x5], $0x4000, $0x38;
	[tilespmem:$0x1E400] =	vst v63  }
0x2a: {  	_ =	swait.ge [sflag:s17], $0x4000  }
0x2b: {  	[sflag:s17] =	ssyncset.done $0x0  }
0x2c: {  	s6 =	rddreg [dreg:$0x7];
	[sflag:s17] =	ssyncadd.s32 $0xFFFFC000  }
0x2d: {  	[spmem:s6] =	stream.linear.scatter [tilespmem:s16], [sflag:$0x5], $0x3C00, $0x38;
	[tilespmem:$0x1E400] =	vst v63  }
0x2e: {  	_ =	swait.ge [sflag:s17], $0x3C00  }
0x2f: {  	[sflag:s17] =	ssyncset.done $0x0  }
0x30: {  	[sflag:s17] =	ssyncadd.s32 $0xFFFFC400  }
0x31: {  	s7 =	simm.s32 $0x0;
	[bflag:$0x0] =	sbarrier.arrive $0xFFFF  }
0x32: {  	[tilespmem:s7], [sflag:$0x5] =	stream.linear.gather [hbm4b:s10+s7], $0x1400, $0x38;
	[tilespmem:$0x1E400] =	vst v63  }
0x33: {  	_ =	swait.ge [sflag:s17], $0x1400  }
0x34: {  	[sflag:s17] =	ssyncset.done $0x0  }
0x35: {  	[sflag:s17] =	ssyncadd.s32 $0xFFFFEC00  }
0x36: {  	[tilespmem:s18], [sflag:$0x5] =	stream.linear.gather [hbm4b:s11+s7], $0x1400, $0x38;
	[tilespmem:$0x1E400] =	vst v63  }
0x37: {  	_ =	swait.ge [sflag:s17], $0x1400  }
0x38: {  	[sflag:s17] =	ssyncset.done $0x0  }
0x39: {  	[sflag:s17] =	ssyncadd.s32 $0xFFFFEC00  }
0x3a: {  	[tilespmem:s16], [sflag:$0x1] =	stream.indirect.gather [hbm4b:s1+s19], $0x80, s7, s19, $0xb8;
	[tilespmem:$0x1E400] =	vst v63  }
0x3b: {  	_ = 	snop  }
0x3c: {  	[tilespmem:s20], [sflag:$0x2] =	stream.indirect.gather [hbm4b:s1+s19], $0x80, s19, s19, $0xb8;
	[tilespmem:$0x1E400] =	vst v63  }
0x3d: {  	s8 =	simm.s32 $0x80  }
0x3e: {  	[tilespmem:s21], [sflag:$0x3] =	stream.indirect.gather [hbm4b:s1+s19], $0x80, s8, s19, $0xb8;
	[tilespmem:$0x1E400] =	vst v63  }
0x3f: {  	s9 =	simm.s32 $0xC0  }
0x40: {  	[tilespmem:s22], [sflag:$0x4] =	stream.indirect.gather [hbm4b:s1+s19], $0x80, s9, s19, $0xb8;
	[tilespmem:$0x1E400] =	vst v63  }
0x41: {  	_ =	swait.ge [sflag:s23], $0x2000  }
0x42: {  	[sflag:s23] =	ssyncset.done $0x0  }
0x43: {  	[sflag:s23] =	ssyncadd.s32 $0xFFFFE000  }
0x44: {  	_ =	swait.ge [sflag:s24], $0x2000  }
0x45: {  	[sflag:s24] =	ssyncset.done $0x0  }
0x46: {  	s6 =	simm.s32 $0x1400;
	[sflag:s24] =	ssyncadd.s32 $0xFFFFE000  }
0x47: {  	[spmem:s2] =	stream.indirect.scatter.add.f32 [tilespmem:s16], [sflag:$0x5], $0x80, s6, s25, $0xb8;
	[tilespmem:$0x1E400] =	vst v63  }
0x48: {  	_ =	swait.ge [sflag:s17], $0x4000  }
0x49: {  	[sflag:s17] =	ssyncset.done $0x0  }
0x4a: {  	s7 =	simm.s32 $0x100;
	[sflag:s17] =	ssyncadd.s32 $0xFFFFC000  }
0x4b: {  	[tilespmem:s16], [sflag:$0x1] =	stream.indirect.gather [hbm4b:s1+s19], $0x80, s7, s19, $0xb8;
	[tilespmem:$0x1E400] =	vst v63  }
0x4c: {  	s8 =	simm.s32 $0x140  }
0x4d: {  	[tilespmem:s20], [sflag:$0x2] =	stream.indirect.gather [hbm4b:s1+s19], $0x80, s8, s19, $0xb8;
	[tilespmem:$0x1E400] =	vst v63  }
0x4e: {  	_ =	swait.ge [sflag:s26], $0x2000  }
0x4f: {  	[sflag:s26] =	ssyncset.done $0x0  }
0x50: {  	[sflag:s26] =	ssyncadd.s32 $0xFFFFE000  }
0x51: {  	_ =	swait.ge [sflag:s28], $0x2000  }
0x52: {  	[sflag:s28] =	ssyncset.done $0x0  }
0x53: {  	s9 =	simm.s32 $0x1480;
	[sflag:s28] =	ssyncadd.s32 $0xFFFFE000  }
0x54: {  	[spmem:s2] =	stream.indirect.scatter.add.f32 [tilespmem:s21], [sflag:$0x5], $0x80, s9, s25, $0xb8;
	[tilespmem:$0x1E400] =	vst v63  }
0x55: {  	_ =	swait.ge [sflag:s17], $0x4000  }
0x56: {  	s3 =	simm.s32 $0x100;
	s6 =	simm.s32 $0x800;
	[sflag:s17] =	ssyncset.done $0x0  }
.LBB2_4:
0x57: {  	s7 =	sadd.s32 $0x80, s3  }
0x58: {  	[sflag:s17] =	ssyncadd.s32 $0xFFFFC000;
	s8 =	smov.u32 s6;
	s9 =	sadd.s32 $0x400, s6  }
0x59: {  	[tilespmem:s21], [sflag:$0x3] =	stream.indirect.gather [hbm4b:s1+s19], $0x80, s7, s19, $0xb8;
	[tilespmem:$0x1E400] =	vst v63  }
0x5a: {  	p0 =	sne.s32 s6, $0x4800;
	s6 =	sadd.s32 $0xC0, s3  }
0x5b: {  	[tilespmem:s22], [sflag:$0x4] =	stream.indirect.gather [hbm4b:s1+s19], $0x80, s6, s19, $0xb8;
	[tilespmem:$0x1E400] =	vst v63  }
0x5c: {  	_ =	swait.ge [sflag:s23], $0x2000  }
0x5d: {  	[sflag:s23] =	ssyncset.done $0x0  }
0x5e: {  	[sflag:s23] =	ssyncadd.s32 $0xFFFFE000  }
0x5f: {  	_ =	swait.ge [sflag:s24], $0x2000  }
0x60: {  	[sflag:s24] =	ssyncset.done $0x0  }
0x61: {  	s6 =	sadd.s32 $0x1400, s3;
	[sflag:s24] =	ssyncadd.s32 $0xFFFFE000  }
0x62: {  	[spmem:s2] =	stream.indirect.scatter.add.f32 [tilespmem:s16], [sflag:$0x5], $0x80, s6, s25, $0xb8;
	[tilespmem:$0x1E400] =	vst v63  }
0x63: {  	_ =	swait.ge [sflag:s17], $0x4000  }
0x64: {  	[sflag:s17] =	ssyncset.done $0x0  }
0x65: {  	s6 =	sadd.s32 $0x100, s3;
	[sflag:s17] =	ssyncadd.s32 $0xFFFFC000  }
0x66: {  	[tilespmem:s16], [sflag:$0x1] =	stream.indirect.gather [hbm4b:s1+s19], $0x80, s6, s19, $0xb8;
	[tilespmem:$0x1E400] =	vst v63  }
0x67: {  	s6 =	sadd.s32 $0x140, s3  }
0x68: {  	[tilespmem:s20], [sflag:$0x2] =	stream.indirect.gather [hbm4b:s1+s19], $0x80, s6, s19, $0xb8;
	[tilespmem:$0x1E400] =	vst v63  }
0x69: {  	_ =	swait.ge [sflag:s26], $0x2000  }
0x6a: {  	[sflag:s26] =	ssyncset.done $0x0  }
0x6b: {  	[sflag:s26] =	ssyncadd.s32 $0xFFFFE000  }
0x6c: {  	_ =	swait.ge [sflag:s28], $0x2000  }
.Ltmp1:
0x6d: {  	[sflag:s28] =	ssyncset.done $0x0;
	(pc) =	sbr.rel @p0 .LBB2_4-.Ltmp1, $4  }
0x6e: {  	s3 =	sadd.s32 $0x1480, s3;
	[sflag:s28] =	ssyncadd.s32 $0xFFFFE000  }
0x6f: {  	[spmem:s2] =	stream.indirect.scatter.add.f32 [tilespmem:s21], [sflag:$0x5], $0x80, s3, s25, $0xb8;
	[tilespmem:$0x1E400] =	vst v63  }
0x70: {  	_ =	swait.ge [sflag:s17], $0x4000  }
0x71: {  	s6 =	smov.u32 s9;
	s3 =	sshra.s32 s8, $0x2;
	[sflag:s17] =	ssyncset.done $0x0  }
0x72: {  	s6 =	sadd.s32 $0x80, s3;
	[sflag:s17] =	ssyncadd.s32 $0xFFFFC000  }
0x73: {  	[tilespmem:s21], [sflag:$0x3] =	stream.indirect.gather [hbm4b:s1+s19], $0x80, s6, s19, $0xb8;
	[tilespmem:$0x1E400] =	vst v63  }
0x74: {  	s9 =	sadd.s32 $0xC0, s3  }
0x75: {  	[tilespmem:s22], [sflag:$0x4] =	stream.indirect.gather [hbm4b:s1+s19], $0x80, s9, s19, $0xb8;
	[tilespmem:$0x1E400] =	vst v63  }
0x76: {  	_ =	swait.ge [sflag:s23], $0x2000  }
0x77: {  	[sflag:s23] =	ssyncset.done $0x0  }
0x78: {  	[sflag:s23] =	ssyncadd.s32 $0xFFFFE000  }
0x79: {  	_ =	swait.ge [sflag:s24], $0x2000  }
0x7a: {  	[sflag:s24] =	ssyncset.done $0x0  }
0x7b: {  	s7 =	sadd.s32 $0x1400, s3;
	[sflag:s24] =	ssyncadd.s32 $0xFFFFE000  }
0x7c: {  	[spmem:s2] =	stream.indirect.scatter.add.f32 [tilespmem:s16], [sflag:$0x5], $0x80, s7, s25, $0xb8;
	[tilespmem:$0x1E400] =	vst v63  }
0x7d: {  	_ =	swait.ge [sflag:s17], $0x4000  }
0x7e: {  	[sflag:s17] =	ssyncset.done $0x0  }
0x7f: {  	s8 =	sadd.s32 $0x100, s3;
	[sflag:s17] =	ssyncadd.s32 $0xFFFFC000  }
0x80: {  	[tilespmem:s16], [sflag:$0x1] =	stream.indirect.gather [hbm4b:s1+s19], $0x80, s8, s19, $0xb8;
	[tilespmem:$0x1E400] =	vst v63  }
0x81: {  	s9 =	sadd.s32 $0x140, s3  }
0x82: {  	[tilespmem:s20], [sflag:$0x2] =	stream.indirect.gather [hbm4b:s1+s19], $0x80, s9, s19, $0xb8;
	[tilespmem:$0x1E400] =	vst v63  }
0x83: {  	_ =	swait.ge [sflag:s26], $0x2000  }
0x84: {  	[sflag:s26] =	ssyncset.done $0x0  }
0x85: {  	[sflag:s26] =	ssyncadd.s32 $0xFFFFE000  }
0x86: {  	_ =	swait.ge [sflag:s28], $0x2000  }
0x87: {  	[sflag:s28] =	ssyncset.done $0x0  }
0x88: {  	s6 =	sadd.s32 $0x1480, s3;
	[sflag:s28] =	ssyncadd.s32 $0xFFFFE000  }
0x89: {  	[spmem:s2] =	stream.indirect.scatter.add.f32 [tilespmem:s21], [sflag:$0x5], $0x80, s6, s25, $0xb8;
	[tilespmem:$0x1E400] =	vst v63  }
0x8a: {  	_ =	swait.ge [sflag:s17], $0x4000  }
0x8b: {  	[sflag:s17] =	ssyncset.done $0x0  }
0x8c: {  	[sflag:s17] =	ssyncadd.s32 $0xFFFFC000  }
0x8d: {  	[tilespmem:s21], [sflag:$0x3] =	stream.indirect.gather [hbm4b:s1+s19], $0x80, s29, s19, $0xb8;
	[tilespmem:$0x1E400] =	vst v63  }
0x8e: {  	_ = 	snop  }
0x8f: {  	[tilespmem:s22], [sflag:$0x4] =	stream.indirect.gather [hbm4b:s1+s19], $0x80, s30, s19, $0xb8;
	[tilespmem:$0x1E400] =	vst v63  }
0x90: {  	_ =	swait.ge [sflag:s23], $0x2000  }
0x91: {  	[sflag:s23] =	ssyncset.done $0x0  }
0x92: {  	[sflag:s23] =	ssyncadd.s32 $0xFFFFE000  }
0x93: {  	_ =	swait.ge [sflag:s24], $0x2000  }
0x94: {  	[sflag:s24] =	ssyncset.done $0x0  }
0x95: {  	[sflag:s24] =	ssyncadd.s32 $0xFFFFE000  }
0x96: {  	[spmem:s2] =	stream.indirect.scatter.add.f32 [tilespmem:s16], [sflag:$0x5], $0x80, s31, s25, $0xb8;
	[tilespmem:$0x1E400] =	vst v63  }
0x97: {  	_ =	swait.ge [sflag:s17], $0x4000  }
0x98: {  	[sflag:s17] =	ssyncset.done $0x0  }
0x99: {  	[sflag:s17] =	ssyncadd.s32 $0xFFFFC000  }
0x9a: {  	_ =	swait.ge [sflag:s26], $0x2000  }
0x9b: {  	[sflag:s26] =	ssyncset.done $0x0  }
0x9c: {  	[sflag:s26] =	ssyncadd.s32 $0xFFFFE000  }
0x9d: {  	_ =	swait.ge [sflag:s28], $0x2000  }
0x9e: {  	[sflag:s28] =	ssyncset.done $0x0  }
0x9f: {  	[sflag:s28] =	ssyncadd.s32 $0xFFFFE000  }
0xa0: {  	[spmem:s2] =	stream.indirect.scatter.add.f32 [tilespmem:s21], [sflag:$0x5], $0x80, s0, s25, $0xb8;
	[tilespmem:$0x1E400] =	vst v63  }
0xa1: {  	_ =	swait.ge [sflag:s17], $0x4000  }
0xa2: {  	[sflag:s17] =	ssyncset.done $0x0  }
0xa3: {  	s7 =	simm.s32 $0x0;
	[sflag:s17] =	ssyncadd.s32 $0xFFFFC000  }
0xa4: {  	[tilespmem:s7], [sflag:$0x5] =	stream.linear.gather [hbm4b:s12+s7], $0x1400, $0x38;
	[tilespmem:$0x1E400] =	vst v63  }
0xa5: {  	_ =	swait.ge [sflag:s17], $0x1400  }
0xa6: {  	[sflag:s17] =	ssyncset.done $0x0  }
0xa7: {  	[sflag:s17] =	ssyncadd.s32 $0xFFFFEC00  }
0xa8: {  	[tilespmem:s18], [sflag:$0x5] =	stream.linear.gather [hbm4b:s13+s7], $0x1400, $0x38;
	[tilespmem:$0x1E400] =	vst v63  }
0xa9: {  	_ =	swait.ge [sflag:s17], $0x1400  }
0xaa: {  	[sflag:s17] =	ssyncset.done $0x0  }
0xab: {  	[sflag:s17] =	ssyncadd.s32 $0xFFFFEC00  }
0xac: {  	[tilespmem:s16], [sflag:$0x1] =	stream.indirect.gather [hbm4b:s1+s19], $0x80, s7, s19, $0xb8;
	[tilespmem:$0x1E400] =	vst v63  }
0xad: {  	_ = 	snop  }
0xae: {  	[tilespmem:s20], [sflag:$0x2] =	stream.indirect.gather [hbm4b:s1+s19], $0x80, s19, s19, $0xb8;
	[tilespmem:$0x1E400] =	vst v63  }
0xaf: {  	s8 =	simm.s32 $0x80  }
0xb0: {  	[tilespmem:s21], [sflag:$0x3] =	stream.indirect.gather [hbm4b:s1+s19], $0x80, s8, s19, $0xb8;
	[tilespmem:$0x1E400] =	vst v63  }
0xb1: {  	s9 =	simm.s32 $0xC0  }
0xb2: {  	[tilespmem:s22], [sflag:$0x4] =	stream.indirect.gather [hbm4b:s1+s19], $0x80, s9, s19, $0xb8;
	[tilespmem:$0x1E400] =	vst v63  }
0xb3: {  	_ =	swait.ge [sflag:s23], $0x2000  }
0xb4: {  	[sflag:s23] =	ssyncset.done $0x0  }
0xb5: {  	[sflag:s23] =	ssyncadd.s32 $0xFFFFE000  }
0xb6: {  	_ =	swait.ge [sflag:s24], $0x2000  }
0xb7: {  	[sflag:s24] =	ssyncset.done $0x0  }
0xb8: {  	s6 =	simm.s32 $0x1400;
	[sflag:s24] =	ssyncadd.s32 $0xFFFFE000  }
0xb9: {  	[spmem:s2] =	stream.indirect.scatter.add.f32 [tilespmem:s16], [sflag:$0x5], $0x80, s6, s25, $0xb8;
	[tilespmem:$0x1E400] =	vst v63  }
0xba: {  	_ =	swait.ge [sflag:s17], $0x4000  }
0xbb: {  	[sflag:s17] =	ssyncset.done $0x0  }
0xbc: {  	s7 =	simm.s32 $0x100;
	[sflag:s17] =	ssyncadd.s32 $0xFFFFC000  }
0xbd: {  	[tilespmem:s16], [sflag:$0x1] =	stream.indirect.gather [hbm4b:s1+s19], $0x80, s7, s19, $0xb8;
	[tilespmem:$0x1E400] =	vst v63  }
0xbe: {  	s8 =	simm.s32 $0x140  }
0xbf: {  	[tilespmem:s20], [sflag:$0x2] =	stream.indirect.gather [hbm4b:s1+s19], $0x80, s8, s19, $0xb8;
	[tilespmem:$0x1E400] =	vst v63  }
0xc0: {  	_ =	swait.ge [sflag:s26], $0x2000  }
0xc1: {  	[sflag:s26] =	ssyncset.done $0x0  }
0xc2: {  	[sflag:s26] =	ssyncadd.s32 $0xFFFFE000  }
0xc3: {  	_ =	swait.ge [sflag:s28], $0x2000  }
0xc4: {  	[sflag:s28] =	ssyncset.done $0x0  }
0xc5: {  	s9 =	simm.s32 $0x1480;
	[sflag:s28] =	ssyncadd.s32 $0xFFFFE000  }
0xc6: {  	[spmem:s2] =	stream.indirect.scatter.add.f32 [tilespmem:s21], [sflag:$0x5], $0x80, s9, s25, $0xb8;
	[tilespmem:$0x1E400] =	vst v63  }
0xc7: {  	_ =	swait.ge [sflag:s17], $0x4000  }
0xc8: {  	s3 =	simm.s32 $0x100;
	s6 =	simm.s32 $0x800;
	[sflag:s17] =	ssyncset.done $0x0  }
.LBB2_6:
0xc9: {  	s7 =	sadd.s32 $0x80, s3  }
0xca: {  	[sflag:s17] =	ssyncadd.s32 $0xFFFFC000;
	s8 =	smov.u32 s6;
	s9 =	sadd.s32 $0x400, s6  }
0xcb: {  	[tilespmem:s21], [sflag:$0x3] =	stream.indirect.gather [hbm4b:s1+s19], $0x80, s7, s19, $0xb8;
	[tilespmem:$0x1E400] =	vst v63  }
0xcc: {  	p0 =	sne.s32 s6, $0x4800;
	s6 =	sadd.s32 $0xC0, s3  }
0xcd: {  	[tilespmem:s22], [sflag:$0x4] =	stream.indirect.gather [hbm4b:s1+s19], $0x80, s6, s19, $0xb8;
	[tilespmem:$0x1E400] =	vst v63  }
0xce: {  	_ =	swait.ge [sflag:s23], $0x2000  }
0xcf: {  	[sflag:s23] =	ssyncset.done $0x0  }
0xd0: {  	[sflag:s23] =	ssyncadd.s32 $0xFFFFE000  }
0xd1: {  	_ =	swait.ge [sflag:s24], $0x2000  }
0xd2: {  	[sflag:s24] =	ssyncset.done $0x0  }
0xd3: {  	s6 =	sadd.s32 $0x1400, s3;
	[sflag:s24] =	ssyncadd.s32 $0xFFFFE000  }
0xd4: {  	[spmem:s2] =	stream.indirect.scatter.add.f32 [tilespmem:s16], [sflag:$0x5], $0x80, s6, s25, $0xb8;
	[tilespmem:$0x1E400] =	vst v63  }
0xd5: {  	_ =	swait.ge [sflag:s17], $0x4000  }
0xd6: {  	[sflag:s17] =	ssyncset.done $0x0  }
0xd7: {  	s6 =	sadd.s32 $0x100, s3;
	[sflag:s17] =	ssyncadd.s32 $0xFFFFC000  }
0xd8: {  	[tilespmem:s16], [sflag:$0x1] =	stream.indirect.gather [hbm4b:s1+s19], $0x80, s6, s19, $0xb8;
	[tilespmem:$0x1E400] =	vst v63  }
0xd9: {  	s6 =	sadd.s32 $0x140, s3  }
0xda: {  	[tilespmem:s20], [sflag:$0x2] =	stream.indirect.gather [hbm4b:s1+s19], $0x80, s6, s19, $0xb8;
	[tilespmem:$0x1E400] =	vst v63  }
0xdb: {  	_ =	swait.ge [sflag:s26], $0x2000  }
0xdc: {  	[sflag:s26] =	ssyncset.done $0x0  }
0xdd: {  	[sflag:s26] =	ssyncadd.s32 $0xFFFFE000  }
0xde: {  	_ =	swait.ge [sflag:s28], $0x2000  }
.Ltmp2:
0xdf: {  	[sflag:s28] =	ssyncset.done $0x0;
	(pc) =	sbr.rel @p0 .LBB2_6-.Ltmp2, $4  }
0xe0: {  	s3 =	sadd.s32 $0x1480, s3;
	[sflag:s28] =	ssyncadd.s32 $0xFFFFE000  }
0xe1: {  	[spmem:s2] =	stream.indirect.scatter.add.f32 [tilespmem:s21], [sflag:$0x5], $0x80, s3, s25, $0xb8;
	[tilespmem:$0x1E400] =	vst v63  }
0xe2: {  	_ =	swait.ge [sflag:s17], $0x4000  }
0xe3: {  	s6 =	smov.u32 s9;
	s3 =	sshra.s32 s8, $0x2;
	[sflag:s17] =	ssyncset.done $0x0  }
0xe4: {  	s6 =	sadd.s32 $0x80, s3;
	[sflag:s17] =	ssyncadd.s32 $0xFFFFC000  }
0xe5: {  	[tilespmem:s21], [sflag:$0x3] =	stream.indirect.gather [hbm4b:s1+s19], $0x80, s6, s19, $0xb8;
	[tilespmem:$0x1E400] =	vst v63  }
0xe6: {  	s9 =	sadd.s32 $0xC0, s3  }
0xe7: {  	[tilespmem:s22], [sflag:$0x4] =	stream.indirect.gather [hbm4b:s1+s19], $0x80, s9, s19, $0xb8;
	[tilespmem:$0x1E400] =	vst v63  }
0xe8: {  	_ =	swait.ge [sflag:s23], $0x2000  }
0xe9: {  	[sflag:s23] =	ssyncset.done $0x0  }
0xea: {  	[sflag:s23] =	ssyncadd.s32 $0xFFFFE000  }
0xeb: {  	_ =	swait.ge [sflag:s24], $0x2000  }
0xec: {  	[sflag:s24] =	ssyncset.done $0x0  }
0xed: {  	s7 =	sadd.s32 $0x1400, s3;
	[sflag:s24] =	ssyncadd.s32 $0xFFFFE000  }
0xee: {  	[spmem:s2] =	stream.indirect.scatter.add.f32 [tilespmem:s16], [sflag:$0x5], $0x80, s7, s25, $0xb8;
	[tilespmem:$0x1E400] =	vst v63  }
0xef: {  	_ =	swait.ge [sflag:s17], $0x4000  }
0xf0: {  	[sflag:s17] =	ssyncset.done $0x0  }
0xf1: {  	s8 =	sadd.s32 $0x100, s3;
	[sflag:s17] =	ssyncadd.s32 $0xFFFFC000  }
0xf2: {  	[tilespmem:s16], [sflag:$0x1] =	stream.indirect.gather [hbm4b:s1+s19], $0x80, s8, s19, $0xb8;
	[tilespmem:$0x1E400] =	vst v63  }
0xf3: {  	s9 =	sadd.s32 $0x140, s3  }
0xf4: {  	[tilespmem:s20], [sflag:$0x2] =	stream.indirect.gather [hbm4b:s1+s19], $0x80, s9, s19, $0xb8;
	[tilespmem:$0x1E400] =	vst v63  }
0xf5: {  	_ =	swait.ge [sflag:s26], $0x2000  }
0xf6: {  	[sflag:s26] =	ssyncset.done $0x0  }
0xf7: {  	[sflag:s26] =	ssyncadd.s32 $0xFFFFE000  }
0xf8: {  	_ =	swait.ge [sflag:s28], $0x2000  }
0xf9: {  	[sflag:s28] =	ssyncset.done $0x0  }
0xfa: {  	s7 =	sadd.s32 $0x1480, s3;
	[sflag:s28] =	ssyncadd.s32 $0xFFFFE000  }
0xfb: {  	[spmem:s2] =	stream.indirect.scatter.add.f32 [tilespmem:s21], [sflag:$0x5], $0x80, s7, s25, $0xb8;
	[tilespmem:$0x1E400] =	vst v63  }
0xfc: {  	_ =	swait.ge [sflag:s17], $0x4000  }
0xfd: {  	[sflag:s17] =	ssyncset.done $0x0  }
0xfe: {  	[sflag:s17] =	ssyncadd.s32 $0xFFFFC000  }
0xff: {  	[tilespmem:s21], [sflag:$0x3] =	stream.indirect.gather [hbm4b:s1+s19], $0x80, s29, s19, $0xb8;
	[tilespmem:$0x1E400] =	vst v63  }
0x100: {  	_ = 	snop  }
0x101: {  	[tilespmem:s22], [sflag:$0x4] =	stream.indirect.gather [hbm4b:s1+s19], $0x80, s30, s19, $0xb8;
	[tilespmem:$0x1E400] =	vst v63  }
0x102: {  	_ =	swait.ge [sflag:s23], $0x2000  }
0x103: {  	[sflag:s23] =	ssyncset.done $0x0  }
0x104: {  	[sflag:s23] =	ssyncadd.s32 $0xFFFFE000  }
0x105: {  	_ =	swait.ge [sflag:s24], $0x2000  }
0x106: {  	[sflag:s24] =	ssyncset.done $0x0  }
0x107: {  	[sflag:s24] =	ssyncadd.s32 $0xFFFFE000  }
0x108: {  	[spmem:s2] =	stream.indirect.scatter.add.f32 [tilespmem:s16], [sflag:$0x5], $0x80, s31, s25, $0xb8;
	[tilespmem:$0x1E400] =	vst v63  }
0x109: {  	_ =	swait.ge [sflag:s17], $0x4000  }
0x10a: {  	[sflag:s17] =	ssyncset.done $0x0  }
0x10b: {  	[sflag:s17] =	ssyncadd.s32 $0xFFFFC000  }
0x10c: {  	_ =	swait.ge [sflag:s26], $0x2000  }
0x10d: {  	[sflag:s26] =	ssyncset.done $0x0  }
0x10e: {  	[sflag:s26] =	ssyncadd.s32 $0xFFFFE000  }
0x10f: {  	_ =	swait.ge [sflag:s28], $0x2000  }
0x110: {  	[sflag:s28] =	ssyncset.done $0x0  }
0x111: {  	[sflag:s28] =	ssyncadd.s32 $0xFFFFE000  }
0x112: {  	[spmem:s2] =	stream.indirect.scatter.add.f32 [tilespmem:s21], [sflag:$0x5], $0x80, s0, s25, $0xb8;
	[tilespmem:$0x1E400] =	vst v63  }
0x113: {  	s8 =	stileid.u32;
	_ =	swait.ge [sflag:s17], $0x4000  }
0x114: {  	s4 =	sadd.s32 $0x1, s4;
	s3 =	sshll.u32 s8, $0x6;
	[sflag:s17] =	ssyncset.done $0x0  }
0x115: {  	p0 =	sne.s32 s4, s14;
	s3 =	sor.u32 $0x1C05, s3;
	[sflag:s17] =	ssyncadd.s32 $0xFFFFC000  }
.Ltmp3:
0x116: {  	s9 =	sshrl.u32 s5, $0x3;
	[bflag:$0x0] =	sbarrier.arrive $0xFFFF;
	(pc) =	sbr.rel @p0 .LBB2_1-.Ltmp3, $4  }
0x117: {  	[hbm:s15], [sflag:s3] =	dma.local [spmem:s9], $0x2780  }
0x118: {  	_ =	swait.ge [sflag:s17], $0x2780  }
0x119: {  	[sflag:s17] =	ssyncset.done $0x0  }
0x11a: {  	[sflag:s17] =	ssyncadd.s32 $0xFFFFD880  }
0x11b: {  	_ =	sfence.sel $0x180000  }
0x11c: {  	[bflag:$0x0] =	sbarrier.arrive $0xFFFF  }
0x11d: {  	_ =	strace $0x9000004A  }
0x11e: {  	s0 =	stileid.u32;
	[bflag:$0x2] =	sbarrier.arrive $0xFFFF  }
0x11f: {  	p0 =	sne.s32 s0, $0x0;
	s0 =	rddreg [dreg:$0x3]  }
0x120: {  	s0 =	sadd.s32 @!p0 $0x100000, s0  }
0x121: {  	[sflag:s0] =	ssyncadd.tile.s32 @!p0 $0x1;
	_ =	shalt  }
.Lfunc_end2:
_tile_overlayer_lowered:
.L_overlay_start_2:
0x122: {  	(tag) =	ssettag $0x2  }
0x123: {  	s0 =	rddreg [dreg:$0x0];
	s2 =	stileid.u32  }
0x124: {  	s1 =	rddreg [dreg:$0x1];
	p0 =	sne.s32 s2, $0x0  }
0x125: {  	s3 =	rddreg [dreg:$0x2];
	[bflag:$0x3] =	sbarrier.arrive $0xFFFF;
	s2 =	simm.s32 @!p0 $0x1C05  }
0x126: {  	[timem:s3], [sflag:s2] =	dma.local @!p0 [hbm:s0], s1  }
0x127: {  	s0 =	simm.s32 @!p0 $0x5  }
0x128: {  	_ =	swait.ge @!p0 [sflag:s0], s1  }
0x129: {  	s1 =	ssub.s32 @!p0 $0x0, s1;
	[sflag:s0] =	ssyncset.done @!p0 $0x0  }
0x12a: {  	[sflag:s0] =	ssyncadd.s32 @!p0 s1  }
0x12b: {  	[bflag:$0x3] =	sbarrier.arrive $0xFFFF  }
0x12c: {  	_ =	shalt  }

// kernel: kernel.14.cloned.1.call-start
scs
__scs_entry_jumppad:
0x0: {  	(pc) =	sbr.rel $0x88, $3  }
0x1: {  	(tag) =	ssettag $0x0;
	lr =	simm.s32 $0x1  }
0x2: {  	[smem:$0x3F9B] =	sst lr;
	_ =	strace $0xD0000000  }
0x3: {  	_ = 	snop  }
0x4: {  	_ = 	snop  }
0x5: {  	_ = 	snop  }
0x6: {  	_ = 	snop  }
0x7: {  	_ = 	snop  }
__scs_overlays_trampoline_lowered:
0x8: {  	[smem:$0x3FAA] =	sst s0  }
0x9: {  	[smem:$0x3FAB] =	sst s1  }
0xa: {  	[smem:$0x3FAC] =	sst s2  }
0xb: {  	[smem:$0x3FAD] =	sst s3  }
0xc: {  	[smem:$0x3FAE] =	sst s4  }
0xd: {  	[smem:$0x3FAF] =	sst s5  }
0xe: {  	[smem:$0x3FB0] =	sst s6  }
0xf: {  	[smem:$0x3FB1] =	sst s7  }
0x10: {  	[smem:$0x3FB2] =	sst s8  }
0x11: {  	[smem:$0x3FB3] =	sst s9;
	s0 =	simm.s32 @!p0 $0x0  }
0x12: {  	s1 =	sld [smem:$0x3F99];
	s0 =	simm.s32 @p0 $0x1  }
0x13: {  	[smem:$0x3FB4] =	sst s0;
	s0 =	simm.s32 @!p1 $0x0  }
0x14: {  	s2 =	sld [smem:$0x3F98];
	s0 =	simm.s32 @p1 $0x1  }
0x15: {  	[smem:$0x3FB5] =	sst s0;
	s0 =	simm.s32 @!p2 $0x0  }
0x16: {  	s3 =	sld [smem:$0x3FDB];
	s0 =	simm.s32 @p2 $0x1  }
0x17: {  	s4 =	simm.s32 $0x1BF5;
	[smem:$0x3FB7] =	sst s0  }
0x18: {  	s0 =	sld [smem:$0x3F9A];
	_ =	swait.ge [sflag:s4], $0x0  }
0x19: {  	s7 =	sld [smem:$0x3F9B]  }
0x1a: {  	s8 =	sadd.s32 $0xFFFFE003, lr  }
0x1b: {  	s9 =	sadd.s32 $0xFFFFFEF7, lr;
	s5 =	simm.s32 $0xFFFFFFFF;
	p2 =	slt.u32 s8, $0xFFFFF086  }
0x1c: {  	p1 =	slt.u32 s9, $0xF7A;
	s5 =	simm.s32 @!p2 $0x0  }
0x1d: {  	s5 =	simm.s32 @p1 $0x1;
	p0 =	seq.s32 s7, s2  }
0x1e: {  	s7 =	smul.u32 @!p0 $0xF7A, s2;
	p2 =	seq.s32 @!p0 s5, $0x0  }
0x1f: {  	s9 =	smul.u32 $0xF7A, s1;
	s8 =	simm.s32 @!p0 $0x1BF5;
	p2 =	por !p2, p0  }
0x20: {  	[sflag:s8] =	ssyncset.s32 @!p0 $0xFFFFF086;
	s6 =	sadd.s32 @!p0 s3, s7;
	s7 =	simm.s32 @!p0 $0x108  }
0x21: {  	s3 =	sadd.s32 s3, s9;
	s6 =	sadd.s32 @!p0 $0x88, s6;
	s7 =	simm.s32 @p2 $0x1082  }
0x22: {  	[simem:s7], [sflag:s8] =	dma.local @!p0 [hbm:s6], $0xF7A  }
0x23: {  	s9 =	sor.u32 $0xD0000000, s2;
	s6 =	simm.s32 $0x108;
	_ =	swait.ge @!p0 [sflag:s8], $0x0  }
0x24: {  	s3 =	sadd.s32 $0x88, s3;
	s6 =	simm.s32 @!p1 $0x1082;
	[sflag:s4] =	ssyncset.s32 $0xFFFFF086  }
0x25: {  	[simem:s6], [sflag:s4] =	dma.local [hbm:s3], $0xF7A  }
0x26: {  	[smem:$0x3F9B] =	sst s1;
	(tag) =	ssettag s2;
	_ =	strace s9  }
0x27: {  	s1 =	sld [smem:$0x3FAB]  }
0x28: {  	s2 =	sld [smem:$0x3FAC]  }
0x29: {  	s4 =	sld [smem:$0x3FAE]  }
0x2a: {  	p0 =	seq.s32 s5, $0x0;
	s5 =	sld [smem:$0x3FAF]  }
0x2b: {  	s6 =	sld [smem:$0x3FB0]  }
0x2c: {  	s7 =	sld [smem:$0x3FB1]  }
0x2d: {  	s3 =	simm.s32 $0x108;
	s8 =	sld [smem:$0x3FB2]  }
0x2e: {  	s3 =	simm.s32 @!p0 $0x1082;
	s9 =	sld [smem:$0x3FB3]  }
0x2f: {  	lr =	sadd.s32 s0, s3;
	s0 =	sld [smem:$0x3FAA]  }
0x30: {  	s3 =	sld [smem:$0x3FAD]  }
0x31: {  	[smem:$0x3FB6] =	sst s10  }
0x32: {  	s10 =	sld [smem:$0x3FB4];
	_ =	sdelay $0x3  }
0x33: {  	p0 =	seq.s32 s10, $0x1;
	s10 =	sld [smem:$0x3FB6];
	_ =	sdelay $0x3  }
0x34: {  	[smem:$0x3FB6] =	sst s10  }
0x35: {  	s10 =	sld [smem:$0x3FB5];
	_ =	sdelay $0x3  }
0x36: {  	p1 =	seq.s32 s10, $0x1;
	s10 =	sld [smem:$0x3FB6];
	_ =	sdelay $0x3  }
0x37: {  	[smem:$0x3FB6] =	sst s10  }
0x38: {  	s10 =	sld [smem:$0x3FB7]  }
0x39: {  	_ = 	snop;
	(pc) =	sbr.ind lr, $3  }
0x3a: {  	_ = 	snop  }
0x3b: {  	_ = 	snop  }
0x3c: {  	p2 =	seq.s32 s10, $0x1;
	s10 =	sld [smem:$0x3FB6]  }
0x3d: {  	_ =	shalt  }
0x3e: {  	_ =	shalt  }
0x3f: {  	_ =	shalt  }
0x40: {  	_ =	shalt  }
0x41: {  	_ =	shalt  }
0x42: {  	_ =	shalt  }
0x43: {  	_ =	shalt  }
0x44: {  	_ =	shalt  }
0x45: {  	_ =	shalt  }
0x46: {  	_ =	shalt  }
0x47: {  	_ =	shalt  }
0x48: {  	_ =	shalt  }
0x49: {  	_ =	shalt  }
0x4a: {  	_ =	shalt  }
0x4b: {  	_ =	shalt  }
0x4c: {  	_ =	shalt  }
0x4d: {  	_ =	shalt  }
0x4e: {  	_ =	shalt  }
0x4f: {  	_ =	shalt  }
0x50: {  	_ =	shalt  }
0x51: {  	_ =	shalt  }
0x52: {  	_ =	shalt  }
0x53: {  	_ =	shalt  }
0x54: {  	_ =	shalt  }
0x55: {  	_ =	shalt  }
0x56: {  	_ =	shalt  }
0x57: {  	_ =	shalt  }
0x58: {  	_ =	shalt  }
0x59: {  	_ =	shalt  }
0x5a: {  	_ =	shalt  }
0x5b: {  	_ =	shalt  }
0x5c: {  	_ =	shalt  }
0x5d: {  	_ =	shalt  }
0x5e: {  	_ =	shalt  }
0x5f: {  	_ =	shalt  }
0x60: {  	_ =	shalt  }
0x61: {  	_ =	shalt  }
0x62: {  	_ =	shalt  }
0x63: {  	_ =	shalt  }
0x64: {  	_ =	shalt  }
0x65: {  	_ =	shalt  }
0x66: {  	_ =	shalt  }
0x67: {  	_ =	shalt  }
0x68: {  	_ =	shalt  }
0x69: {  	_ =	shalt  }
0x6a: {  	_ =	shalt  }
0x6b: {  	_ =	shalt  }
0x6c: {  	_ =	shalt  }
0x6d: {  	_ =	shalt  }
0x6e: {  	_ =	shalt  }
0x6f: {  	_ =	shalt  }
0x70: {  	_ =	shalt  }
0x71: {  	_ =	shalt  }
0x72: {  	_ =	shalt  }
0x73: {  	_ =	shalt  }
0x74: {  	_ =	shalt  }
0x75: {  	_ =	shalt  }
0x76: {  	_ =	shalt  }
0x77: {  	_ =	shalt  }
0x78: {  	_ =	shalt  }
0x79: {  	_ =	shalt  }
0x7a: {  	_ =	shalt  }
0x7b: {  	_ =	shalt  }
0x7c: {  	_ =	shalt  }
0x7d: {  	_ =	shalt  }
0x7e: {  	_ =	shalt  }
0x7f: {  	_ =	shalt  }
0x80: {  	_ =	shalt  }
0x81: {  	_ =	shalt  }
0x82: {  	_ =	shalt  }
0x83: {  	_ =	shalt  }
0x84: {  	_ =	shalt  }
0x85: {  	_ =	shalt  }
0x86: {  	_ =	shalt  }
0x87: {  	_ =	shalt  }
.Lfunc_end0:
.L_simem_size_0:
called_computation.2_lowered:
.L_overlay_start_0:
0x88: {  	s2 =	sld [smem:$0x3FD9]  }
0x89: {  	s3 =	sld [smem:$0x3FFE];
	_ =	sdelay $0x1  }
0x8a: {  	s1 =	srdreg.scid  }
0x8b: {  	s0 =	sand.u32 $0x1, s1  }
0x8c: {  	s17 =	sshll.u32 s0, $0xA;
	s2 =	sadd.s32 s3, s2  }
0x8d: {  	s2 =	sadd.s32 s2, s17  }
0x8e: {  	[smem:$0x3FC2] =	sst s2  }
0x8f: {  	_ = 	snop  }
0x90: {  	s2 =	sld [smem:$0x3FD0];
	(tm) =	ssettm $0x1  }
0x91: {  	s18 =	sld [smem:$0x3FFB];
	_ =	sdelay $0x3  }
0x92: {  	_ =	strace s18  }
0x93: {  	s3 =	sld [smem:$0x3FFC];
	_ =	sdelay $0x3  }
0x94: {  	_ =	strace s3  }
0x95: {  	s3 =	sld [smem:$0x3FFD];
	_ =	sdelay $0x3  }
0x96: {  	_ =	strace s3  }
0x97: {  	_ =	strace $0x8FFFFFFF  }
0x98: {  	s19 =	sld [smem:$0x3FDB];
	_ =	sdelay $0x1  }
0x99: {  	s4 =	simm.s32 $_scs_section_size  }
0x9a: {  	s5 =	simm.s32 $_size__tile_overlayer_lowered;
	s6 =	simm.s32 $_tile_overlayer_lowered  }
0x9b: {  	s22 =	simm.s32 $0x1BFF;
	s21 =	sshll.u32 s6, $0x1;
	s3 =	sadd.s32 s4, s19  }
0x9c: {  	s7 =	simm.s32 $0x0;
	s20 =	sshll.u32 s5, $0x1;
	s5 =	sadd.s32 s21, s3  }
0x9d: {  	[timem:s7], [sflag:s22] =	dma.local [hbm:s5], s20  }
0x9e: {  	_ =	swait.ge [sflag:s22], s20  }
0x9f: {  	s4 =	ssub.s32 $0x0, s20;
	[sflag:s22] =	ssyncset.done $0x0  }
0xa0: {  	[sflag:s22] =	ssyncadd.s32 s4;
	_ =	sdelay $0x1  }
0xa1: {  	s23 =	simm.s32 $0x1B8B  }
0xa2: {  	_ =	swait.ge [sflag:s23], $0x1  }
0xa3: {  	[sflag:s23] =	ssyncset.done $0x0  }
0xa4: {  	s25 =	simm.s32 $0x1B8E;
	s24 =	sld [smem:$0x3FFE];
	[sflag:s23] =	ssyncadd.s32 $0xFFFFFFFF  }
0xa5: {  	s26 =	simm.s32 $execute0_lowered;
	[smem:$0x3FD2] =	sst s25  }
0xa6: {  	s5 =	sshll.u32 s26, $0x1;
	_ =	strace $0x8000004C;
	[dreg:$0x1] =	wrdreg $0xFFFFFFFF  }
0xa7: {  	s28 =	simm.s32 $_size_execute0_lowered;
	s3 =	sadd.s32 s3, s5;
	[dreg:$0x0] =	wrdreg $0x0  }
0xa8: {  	s5 =	sshll.u32 s28, $0x1;
	[dreg:$0x2] =	wrdreg s3  }
0xa9: {  	[dreg:$0x3] =	wrdreg s5  }
0xaa: {  	[dreg:$0x4] =	wrdreg $0xC0  }
0xab: {  	_ =	task [dreg:s7], $0x5FFFF  }
0xac: {  	[dreg:$0x1] =	wrdreg $0xFFFFFFFF  }
0xad: {  	[dreg:$0x0] =	wrdreg $0x60  }
0xae: {  	[dreg:$0x2] =	wrdreg s2  }
0xaf: {  	[dreg:$0x3] =	wrdreg s24  }
0xb0: {  	[dreg:$0x4] =	wrdreg $0xA8000  }
0xb1: {  	[dreg:$0x5] =	wrdreg $0x9  }
0xb2: {  	_ =	task.clear_ibuf [dreg:s7], $0x6FFFF;
	_ =	strace $0x9000004C  }
0xb3: {  	s29 =	simm.s32 $0x9;
	_ =	strace $0x8000004E  }
0xb4: {  	_ =	swait.ge [sflag:s29], $0x1  }
0xb5: {  	[sflag:s29] =	ssyncadd.s32 $0xFFFFFFFF  }
0xb6: {  	_ =	strace $0x9000004E  }
0xb7: {  	_ =	sfence  }
0xb8: {  	s30 =	sld [smem:$0x0];
	_ =	sdelay $0x2  }
0xb9: {  	s31 =	sshll.u32 s1, $0xD;
	s1 =	sshrl.u32 s1, $0x2  }
0xba: {  	s3 =	sand.u32 $0x4000, s31;
	s1 =	sadd.s32 s1, s30  }
0xbb: {  	s0 =	sor.u32 s3, s0;
	s1 =	sshll.u32 s1, $0x11  }
0xbc: {  	s0 =	sor.u32 s1, s0  }
0xbd: {  	s0 =	sadd.s32 $0x8F2B, s0  }
0xbe: {  	[sflag:s0] =	ssyncadd.remote.s32 $0x1  }
0xbf: {  	_ =	sfence.sel $0xFFFF  }
0xc0: {  	[dreg:$0x0] =	wrdreg $0xFFFFFFFF;
	(pc) =	sbr.abs _section_cstart, $3  }
0xc1: {  	[dreg:$0x1] =	wrdreg $0xFFFFFFFF  }
0xc2: {  	_ =	task.clear_ibuf [dreg:s7], $0x2FFFF;
	_ =	strace $0x9FFFFFFF  }
0xc3: {  	(tm) =	ssettm $0x7FFFFFFF  }
tec
execute0_lowered:
.L_overlay_start_1:
0x0: {  	(tag) =	ssettag $0x1  }
0x1: {  	s1 =	rddreg [dreg:$0x0]  }
0x2: {  	s0 =	rddreg [dreg:$0x1]  }
0x3: {  	s2 =	rddreg [dreg:$0x2];
	s3 =	simm.s32 $0x0;
	s19 =	srdreg.scid  }
0x4: {  	s15 =	stileid.u32;
	s16 =	simm.s32 $0x2800;
	s17 =	simm.s32 $0x5  }
0x5: {  	s18 =	simm.s32 $0x1400;
	s28 =	simm.s32 $0x4;
	s29 =	simm.s32 $0x1380  }
0x6: {  	s30 =	simm.s32 $0x13C0;
	s31 =	simm.s32 $0x2700;
	[smem:$0x7FF] =	sst s3  }
0x7: {  	s3 =	sand.u32 $0x1, s19;
	s4 =	smul.u32 $0x4F000, s15;
	s6 =	sadd.s32 $0x4400, s0  }
0x8: {  	s13 =	sadd.s32 $0xE400, s0;
	s26 =	smul.u32 $0x2780, s15;
	s19 =	simm.s32 $0x40  }
0x9: {  	_ =	strace $0x8000004D;
	s5 =	sshll.u32 s3, $0x4;
	s7 =	ssub.s32 $0x2, s3  }
0xa: {  	p0 =	seq.s32 s3, $0x1;
	s3 =	simm.s32 $0x8EC00;
	s8 =	sor.u32 s15, s5  }
0xb: {  	s4 =	sshrl.u32 s4, $0x2;
	s9 =	sshrl.u32 s7, $0x1;
	s3 =	simm.s32 @!p0 $0x67400  }
0xc: {  	s5 =	sadd.s32 s4, s2;
	s20 =	smul.u32 $0x500, s8;
	s14 =	ssub.s32 s7, s9  }
0xd: {  	s12 =	smul.u32 $0x2800, s8;
	s0 =	sadd.s32 s3, s0;
	s21 =	sadd.s32 $0x4000, s5  }
0xe: {  	s22 =	sadd.s32 $0x8000, s5;
	s23 =	sadd.s32 $0xC000, s5;
	[dreg:$0x4] =	wrdreg s21  }
0xf: {  	s24 =	sadd.s32 $0x10000, s5;
	s14 =	smax.u32 s14, $0x1;
	[dreg:$0x5] =	wrdreg s22  }
0x10: {  	s15 =	sadd.s32 s0, s26;
	s26 =	simm.s32 $0x3;
	[dreg:$0x6] =	wrdreg s23  }
0x11: {  	s0 =	simm.s32 $0x2780;
	[dreg:$0x7] =	wrdreg s24;
	s10 =	sadd.s32 s6, s20  }
0x12: {  	s11 =	sadd.s32 s13, s20;
	s25 =	sshrl.u32 s12, $0x3;
	s20 =	simm.s32 $0x4800  }
0x13: {  	s21 =	simm.s32 $0x6800;
	s22 =	simm.s32 $0x8800;
	s23 =	simm.s32 $0x1  }
0x14: {  	s24 =	simm.s32 $0x2;
	s4 =	sadd.s32 $0x280, s25;
	s25 =	simm.s32 $0x80  }
0x15: {  	v0 =	vimm.f32 $0.0e+00;
	s12 =	sadd.s32 s6, s4;
	s13 =	sadd.s32 s13, s4;
	s4 =	simm.s32 $0x0  }
.LBB2_1:
0x16: {  	s6 =	simm.s32 $0x0  }
0x17: {  	s3 =	simm.s32 $0x10;
	s6 =	sand.u32 $0x3FF0, s6  }
.LBB2_2:
0x18: {  	p0 =	sne.s32 s3, $0x3FF0;
	[tilespmem:s6+$0x2800] =	vst v0;
	s6 =	smov.u32 s3;
	s3 =	sadd.s32 $0x10, s3  }
.Ltmp0:
0x19: {  	(pc) =	sbr.rel @p0 .LBB2_2-.Ltmp0, $2  }
0x1a: {  	_ =	sdelay $0x2  }
0x1b: {  	s6 =	sand.u32 $0x3FF0, s6  }
0x1c: {  	[tilespmem:s6+$0x2800] =	vst v0  }
0x1d: {  	[spmem:s5] =	stream.linear.scatter [tilespmem:s16], [sflag:$0x5], $0x4000, $0x38;
	[tilespmem:$0x1E400] =	vst v63  }
0x1e: {  	_ =	swait.ge [sflag:s17], $0x4000  }
0x1f: {  	[sflag:s17] =	ssyncset.done $0x0  }
0x20: {  	s3 =	rddreg [dreg:$0x4];
	[sflag:s17] =	ssyncadd.s32 $0xFFFFC000  }
0x21: {  	[spmem:s3] =	stream.linear.scatter [tilespmem:s16], [sflag:$0x5], $0x4000, $0x38;
	[tilespmem:$0x1E400] =	vst v63  }
0x22: {  	_ =	swait.ge [sflag:s17], $0x4000  }
0x23: {  	[sflag:s17] =	ssyncset.done $0x0  }
0x24: {  	s8 =	rddreg [dreg:$0x5];
	[sflag:s17] =	ssyncadd.s32 $0xFFFFC000  }
0x25: {  	[spmem:s8] =	stream.linear.scatter [tilespmem:s16], [sflag:$0x5], $0x4000, $0x38;
	[tilespmem:$0x1E400] =	vst v63  }
0x26: {  	_ =	swait.ge [sflag:s17], $0x4000  }
0x27: {  	[sflag:s17] =	ssyncset.done $0x0  }
0x28: {  	s9 =	rddreg [dreg:$0x6];
	[sflag:s17] =	ssyncadd.s32 $0xFFFFC000  }
0x29: {  	[spmem:s9] =	stream.linear.scatter [tilespmem:s16], [sflag:$0x5], $0x4000, $0x38;
	[tilespmem:$0x1E400] =	vst v63  }
0x2a: {  	_ =	swait.ge [sflag:s17], $0x4000  }
0x2b: {  	[sflag:s17] =	ssyncset.done $0x0  }
0x2c: {  	s6 =	rddreg [dreg:$0x7];
	[sflag:s17] =	ssyncadd.s32 $0xFFFFC000  }
0x2d: {  	[spmem:s6] =	stream.linear.scatter [tilespmem:s16], [sflag:$0x5], $0x3C00, $0x38;
	[tilespmem:$0x1E400] =	vst v63  }
0x2e: {  	_ =	swait.ge [sflag:s17], $0x3C00  }
0x2f: {  	[sflag:s17] =	ssyncset.done $0x0  }
0x30: {  	[sflag:s17] =	ssyncadd.s32 $0xFFFFC400  }
0x31: {  	s7 =	simm.s32 $0x0;
	[bflag:$0x0] =	sbarrier.arrive $0xFFFF  }
0x32: {  	[tilespmem:s7], [sflag:$0x5] =	stream.linear.gather [hbm4b:s10+s7], $0x1400, $0x38;
	[tilespmem:$0x1E400] =	vst v63  }
0x33: {  	_ =	swait.ge [sflag:s17], $0x1400  }
0x34: {  	[sflag:s17] =	ssyncset.done $0x0  }
0x35: {  	[sflag:s17] =	ssyncadd.s32 $0xFFFFEC00  }
0x36: {  	[tilespmem:s18], [sflag:$0x5] =	stream.linear.gather [hbm4b:s11+s7], $0x1400, $0x38;
	[tilespmem:$0x1E400] =	vst v63  }
0x37: {  	_ =	swait.ge [sflag:s17], $0x1400  }
0x38: {  	[sflag:s17] =	ssyncset.done $0x0  }
0x39: {  	[sflag:s17] =	ssyncadd.s32 $0xFFFFEC00  }
0x3a: {  	[tilespmem:s16], [sflag:$0x1] =	stream.indirect.gather [hbm4b:s1+s19], $0x80, s7, s19, $0xb8;
	[tilespmem:$0x1E400] =	vst v63  }
0x3b: {  	_ = 	snop  }
0x3c: {  	[tilespmem:s20], [sflag:$0x2] =	stream.indirect.gather [hbm4b:s1+s19], $0x80, s19, s19, $0xb8;
	[tilespmem:$0x1E400] =	vst v63  }
0x3d: {  	s8 =	simm.s32 $0x80  }
0x3e: {  	[tilespmem:s21], [sflag:$0x3] =	stream.indirect.gather [hbm4b:s1+s19], $0x80, s8, s19, $0xb8;
	[tilespmem:$0x1E400] =	vst v63  }
0x3f: {  	s9 =	simm.s32 $0xC0  }
0x40: {  	[tilespmem:s22], [sflag:$0x4] =	stream.indirect.gather [hbm4b:s1+s19], $0x80, s9, s19, $0xb8;
	[tilespmem:$0x1E400] =	vst v63  }
0x41: {  	_ =	swait.ge [sflag:s23], $0x2000  }
0x42: {  	[sflag:s23] =	ssyncset.done $0x0  }
0x43: {  	[sflag:s23] =	ssyncadd.s32 $0xFFFFE000  }
0x44: {  	_ =	swait.ge [sflag:s24], $0x2000  }
0x45: {  	[sflag:s24] =	ssyncset.done $0x0  }
0x46: {  	s6 =	simm.s32 $0x1400;
	[sflag:s24] =	ssyncadd.s32 $0xFFFFE000  }
0x47: {  	[spmem:s2] =	stream.indirect.scatter.add.f32 [tilespmem:s16], [sflag:$0x5], $0x80, s6, s25, $0xb8;
	[tilespmem:$0x1E400] =	vst v63  }
0x48: {  	_ =	swait.ge [sflag:s17], $0x4000  }
0x49: {  	[sflag:s17] =	ssyncset.done $0x0  }
0x4a: {  	s7 =	simm.s32 $0x100;
	[sflag:s17] =	ssyncadd.s32 $0xFFFFC000  }
0x4b: {  	[tilespmem:s16], [sflag:$0x1] =	stream.indirect.gather [hbm4b:s1+s19], $0x80, s7, s19, $0xb8;
	[tilespmem:$0x1E400] =	vst v63  }
0x4c: {  	s8 =	simm.s32 $0x140  }
0x4d: {  	[tilespmem:s20], [sflag:$0x2] =	stream.indirect.gather [hbm4b:s1+s19], $0x80, s8, s19, $0xb8;
	[tilespmem:$0x1E400] =	vst v63  }
0x4e: {  	_ =	swait.ge [sflag:s26], $0x2000  }
0x4f: {  	[sflag:s26] =	ssyncset.done $0x0  }
0x50: {  	[sflag:s26] =	ssyncadd.s32 $0xFFFFE000  }
0x51: {  	_ =	swait.ge [sflag:s28], $0x2000  }
0x52: {  	[sflag:s28] =	ssyncset.done $0x0  }
0x53: {  	s9 =	simm.s32 $0x1480;
	[sflag:s28] =	ssyncadd.s32 $0xFFFFE000  }
0x54: {  	[spmem:s2] =	stream.indirect.scatter.add.f32 [tilespmem:s21], [sflag:$0x5], $0x80, s9, s25, $0xb8;
	[tilespmem:$0x1E400] =	vst v63  }
0x55: {  	_ =	swait.ge [sflag:s17], $0x4000  }
0x56: {  	s3 =	simm.s32 $0x100;
	s6 =	simm.s32 $0x800;
	[sflag:s17] =	ssyncset.done $0x0  }
.LBB2_4:
0x57: {  	s7 =	sadd.s32 $0x80, s3  }
0x58: {  	[sflag:s17] =	ssyncadd.s32 $0xFFFFC000;
	s8 =	smov.u32 s6;
	s9 =	sadd.s32 $0x400, s6  }
0x59: {  	[tilespmem:s21], [sflag:$0x3] =	stream.indirect.gather [hbm4b:s1+s19], $0x80, s7, s19, $0xb8;
	[tilespmem:$0x1E400] =	vst v63  }
0x5a: {  	p0 =	sne.s32 s6, $0x4800;
	s6 =	sadd.s32 $0xC0, s3  }
0x5b: {  	[tilespmem:s22], [sflag:$0x4] =	stream.indirect.gather [hbm4b:s1+s19], $0x80, s6, s19, $0xb8;
	[tilespmem:$0x1E400] =	vst v63  }
0x5c: {  	_ =	swait.ge [sflag:s23], $0x2000  }
0x5d: {  	[sflag:s23] =	ssyncset.done $0x0  }
0x5e: {  	[sflag:s23] =	ssyncadd.s32 $0xFFFFE000  }
0x5f: {  	_ =	swait.ge [sflag:s24], $0x2000  }
0x60: {  	[sflag:s24] =	ssyncset.done $0x0  }
0x61: {  	s6 =	sadd.s32 $0x1400, s3;
	[sflag:s24] =	ssyncadd.s32 $0xFFFFE000  }
0x62: {  	[spmem:s2] =	stream.indirect.scatter.add.f32 [tilespmem:s16], [sflag:$0x5], $0x80, s6, s25, $0xb8;
	[tilespmem:$0x1E400] =	vst v63  }
0x63: {  	_ =	swait.ge [sflag:s17], $0x4000  }
0x64: {  	[sflag:s17] =	ssyncset.done $0x0  }
0x65: {  	s6 =	sadd.s32 $0x100, s3;
	[sflag:s17] =	ssyncadd.s32 $0xFFFFC000  }
0x66: {  	[tilespmem:s16], [sflag:$0x1] =	stream.indirect.gather [hbm4b:s1+s19], $0x80, s6, s19, $0xb8;
	[tilespmem:$0x1E400] =	vst v63  }
0x67: {  	s6 =	sadd.s32 $0x140, s3  }
0x68: {  	[tilespmem:s20], [sflag:$0x2] =	stream.indirect.gather [hbm4b:s1+s19], $0x80, s6, s19, $0xb8;
	[tilespmem:$0x1E400] =	vst v63  }
0x69: {  	_ =	swait.ge [sflag:s26], $0x2000  }
0x6a: {  	[sflag:s26] =	ssyncset.done $0x0  }
0x6b: {  	[sflag:s26] =	ssyncadd.s32 $0xFFFFE000  }
0x6c: {  	_ =	swait.ge [sflag:s28], $0x2000  }
.Ltmp1:
0x6d: {  	[sflag:s28] =	ssyncset.done $0x0;
	(pc) =	sbr.rel @p0 .LBB2_4-.Ltmp1, $4  }
0x6e: {  	s3 =	sadd.s32 $0x1480, s3;
	[sflag:s28] =	ssyncadd.s32 $0xFFFFE000  }
0x6f: {  	[spmem:s2] =	stream.indirect.scatter.add.f32 [tilespmem:s21], [sflag:$0x5], $0x80, s3, s25, $0xb8;
	[tilespmem:$0x1E400] =	vst v63  }
0x70: {  	_ =	swait.ge [sflag:s17], $0x4000  }
0x71: {  	s6 =	smov.u32 s9;
	s3 =	sshra.s32 s8, $0x2;
	[sflag:s17] =	ssyncset.done $0x0  }
0x72: {  	s6 =	sadd.s32 $0x80, s3;
	[sflag:s17] =	ssyncadd.s32 $0xFFFFC000  }
0x73: {  	[tilespmem:s21], [sflag:$0x3] =	stream.indirect.gather [hbm4b:s1+s19], $0x80, s6, s19, $0xb8;
	[tilespmem:$0x1E400] =	vst v63  }
0x74: {  	s9 =	sadd.s32 $0xC0, s3  }
0x75: {  	[tilespmem:s22], [sflag:$0x4] =	stream.indirect.gather [hbm4b:s1+s19], $0x80, s9, s19, $0xb8;
	[tilespmem:$0x1E400] =	vst v63  }
0x76: {  	_ =	swait.ge [sflag:s23], $0x2000  }
0x77: {  	[sflag:s23] =	ssyncset.done $0x0  }
0x78: {  	[sflag:s23] =	ssyncadd.s32 $0xFFFFE000  }
0x79: {  	_ =	swait.ge [sflag:s24], $0x2000  }
0x7a: {  	[sflag:s24] =	ssyncset.done $0x0  }
0x7b: {  	s7 =	sadd.s32 $0x1400, s3;
	[sflag:s24] =	ssyncadd.s32 $0xFFFFE000  }
0x7c: {  	[spmem:s2] =	stream.indirect.scatter.add.f32 [tilespmem:s16], [sflag:$0x5], $0x80, s7, s25, $0xb8;
	[tilespmem:$0x1E400] =	vst v63  }
0x7d: {  	_ =	swait.ge [sflag:s17], $0x4000  }
0x7e: {  	[sflag:s17] =	ssyncset.done $0x0  }
0x7f: {  	s8 =	sadd.s32 $0x100, s3;
	[sflag:s17] =	ssyncadd.s32 $0xFFFFC000  }
0x80: {  	[tilespmem:s16], [sflag:$0x1] =	stream.indirect.gather [hbm4b:s1+s19], $0x80, s8, s19, $0xb8;
	[tilespmem:$0x1E400] =	vst v63  }
0x81: {  	s9 =	sadd.s32 $0x140, s3  }
0x82: {  	[tilespmem:s20], [sflag:$0x2] =	stream.indirect.gather [hbm4b:s1+s19], $0x80, s9, s19, $0xb8;
	[tilespmem:$0x1E400] =	vst v63  }
0x83: {  	_ =	swait.ge [sflag:s26], $0x2000  }
0x84: {  	[sflag:s26] =	ssyncset.done $0x0  }
0x85: {  	[sflag:s26] =	ssyncadd.s32 $0xFFFFE000  }
0x86: {  	_ =	swait.ge [sflag:s28], $0x2000  }
0x87: {  	[sflag:s28] =	ssyncset.done $0x0  }
0x88: {  	s6 =	sadd.s32 $0x1480, s3;
	[sflag:s28] =	ssyncadd.s32 $0xFFFFE000  }
0x89: {  	[spmem:s2] =	stream.indirect.scatter.add.f32 [tilespmem:s21], [sflag:$0x5], $0x80, s6, s25, $0xb8;
	[tilespmem:$0x1E400] =	vst v63  }
0x8a: {  	_ =	swait.ge [sflag:s17], $0x4000  }
0x8b: {  	[sflag:s17] =	ssyncset.done $0x0  }
0x8c: {  	[sflag:s17] =	ssyncadd.s32 $0xFFFFC000  }
0x8d: {  	[tilespmem:s21], [sflag:$0x3] =	stream.indirect.gather [hbm4b:s1+s19], $0x80, s29, s19, $0xb8;
	[tilespmem:$0x1E400] =	vst v63  }
0x8e: {  	_ = 	snop  }
0x8f: {  	[tilespmem:s22], [sflag:$0x4] =	stream.indirect.gather [hbm4b:s1+s19], $0x80, s30, s19, $0xb8;
	[tilespmem:$0x1E400] =	vst v63  }
0x90: {  	_ =	swait.ge [sflag:s23], $0x2000  }
0x91: {  	[sflag:s23] =	ssyncset.done $0x0  }
0x92: {  	[sflag:s23] =	ssyncadd.s32 $0xFFFFE000  }
0x93: {  	_ =	swait.ge [sflag:s24], $0x2000  }
0x94: {  	[sflag:s24] =	ssyncset.done $0x0  }
0x95: {  	[sflag:s24] =	ssyncadd.s32 $0xFFFFE000  }
0x96: {  	[spmem:s2] =	stream.indirect.scatter.add.f32 [tilespmem:s16], [sflag:$0x5], $0x80, s31, s25, $0xb8;
	[tilespmem:$0x1E400] =	vst v63  }
0x97: {  	_ =	swait.ge [sflag:s17], $0x4000  }
0x98: {  	[sflag:s17] =	ssyncset.done $0x0  }
0x99: {  	[sflag:s17] =	ssyncadd.s32 $0xFFFFC000  }
0x9a: {  	_ =	swait.ge [sflag:s26], $0x2000  }
0x9b: {  	[sflag:s26] =	ssyncset.done $0x0  }
0x9c: {  	[sflag:s26] =	ssyncadd.s32 $0xFFFFE000  }
0x9d: {  	_ =	swait.ge [sflag:s28], $0x2000  }
0x9e: {  	[sflag:s28] =	ssyncset.done $0x0  }
0x9f: {  	[sflag:s28] =	ssyncadd.s32 $0xFFFFE000  }
0xa0: {  	[spmem:s2] =	stream.indirect.scatter.add.f32 [tilespmem:s21], [sflag:$0x5], $0x80, s0, s25, $0xb8;
	[tilespmem:$0x1E400] =	vst v63  }
0xa1: {  	_ =	swait.ge [sflag:s17], $0x4000  }
0xa2: {  	[sflag:s17] =	ssyncset.done $0x0  }
0xa3: {  	s7 =	simm.s32 $0x0;
	[sflag:s17] =	ssyncadd.s32 $0xFFFFC000  }
0xa4: {  	[tilespmem:s7], [sflag:$0x5] =	stream.linear.gather [hbm4b:s12+s7], $0x1400, $0x38;
	[tilespmem:$0x1E400] =	vst v63  }
0xa5: {  	_ =	swait.ge [sflag:s17], $0x1400  }
0xa6: {  	[sflag:s17] =	ssyncset.done $0x0  }
0xa7: {  	[sflag:s17] =	ssyncadd.s32 $0xFFFFEC00  }
0xa8: {  	[tilespmem:s18], [sflag:$0x5] =	stream.linear.gather [hbm4b:s13+s7], $0x1400, $0x38;
	[tilespmem:$0x1E400] =	vst v63  }
0xa9: {  	_ =	swait.ge [sflag:s17], $0x1400  }
0xaa: {  	[sflag:s17] =	ssyncset.done $0x0  }
0xab: {  	[sflag:s17] =	ssyncadd.s32 $0xFFFFEC00  }
0xac: {  	[tilespmem:s16], [sflag:$0x1] =	stream.indirect.gather [hbm4b:s1+s19], $0x80, s7, s19, $0xb8;
	[tilespmem:$0x1E400] =	vst v63  }
0xad: {  	_ = 	snop  }
0xae: {  	[tilespmem:s20], [sflag:$0x2] =	stream.indirect.gather [hbm4b:s1+s19], $0x80, s19, s19, $0xb8;
	[tilespmem:$0x1E400] =	vst v63  }
0xaf: {  	s8 =	simm.s32 $0x80  }
0xb0: {  	[tilespmem:s21], [sflag:$0x3] =	stream.indirect.gather [hbm4b:s1+s19], $0x80, s8, s19, $0xb8;
	[tilespmem:$0x1E400] =	vst v63  }
0xb1: {  	s9 =	simm.s32 $0xC0  }
0xb2: {  	[tilespmem:s22], [sflag:$0x4] =	stream.indirect.gather [hbm4b:s1+s19], $0x80, s9, s19, $0xb8;
	[tilespmem:$0x1E400] =	vst v63  }
0xb3: {  	_ =	swait.ge [sflag:s23], $0x2000  }
0xb4: {  	[sflag:s23] =	ssyncset.done $0x0  }
0xb5: {  	[sflag:s23] =	ssyncadd.s32 $0xFFFFE000  }
0xb6: {  	_ =	swait.ge [sflag:s24], $0x2000  }
0xb7: {  	[sflag:s24] =	ssyncset.done $0x0  }
0xb8: {  	s6 =	simm.s32 $0x1400;
	[sflag:s24] =	ssyncadd.s32 $0xFFFFE000  }
0xb9: {  	[spmem:s2] =	stream.indirect.scatter.add.f32 [tilespmem:s16], [sflag:$0x5], $0x80, s6, s25, $0xb8;
	[tilespmem:$0x1E400] =	vst v63  }
0xba: {  	_ =	swait.ge [sflag:s17], $0x4000  }
0xbb: {  	[sflag:s17] =	ssyncset.done $0x0  }
0xbc: {  	s7 =	simm.s32 $0x100;
	[sflag:s17] =	ssyncadd.s32 $0xFFFFC000  }
0xbd: {  	[tilespmem:s16], [sflag:$0x1] =	stream.indirect.gather [hbm4b:s1+s19], $0x80, s7, s19, $0xb8;
	[tilespmem:$0x1E400] =	vst v63  }
0xbe: {  	s8 =	simm.s32 $0x140  }
0xbf: {  	[tilespmem:s20], [sflag:$0x2] =	stream.indirect.gather [hbm4b:s1+s19], $0x80, s8, s19, $0xb8;
	[tilespmem:$0x1E400] =	vst v63  }
0xc0: {  	_ =	swait.ge [sflag:s26], $0x2000  }
0xc1: {  	[sflag:s26] =	ssyncset.done $0x0  }
0xc2: {  	[sflag:s26] =	ssyncadd.s32 $0xFFFFE000  }
0xc3: {  	_ =	swait.ge [sflag:s28], $0x2000  }
0xc4: {  	[sflag:s28] =	ssyncset.done $0x0  }
0xc5: {  	s9 =	simm.s32 $0x1480;
	[sflag:s28] =	ssyncadd.s32 $0xFFFFE000  }
0xc6: {  	[spmem:s2] =	stream.indirect.scatter.add.f32 [tilespmem:s21], [sflag:$0x5], $0x80, s9, s25, $0xb8;
	[tilespmem:$0x1E400] =	vst v63  }
0xc7: {  	_ =	swait.ge [sflag:s17], $0x4000  }
0xc8: {  	s3 =	simm.s32 $0x100;
	s6 =	simm.s32 $0x800;
	[sflag:s17] =	ssyncset.done $0x0  }
.LBB2_6:
0xc9: {  	s7 =	sadd.s32 $0x80, s3  }
0xca: {  	[sflag:s17] =	ssyncadd.s32 $0xFFFFC000;
	s8 =	smov.u32 s6;
	s9 =	sadd.s32 $0x400, s6  }
0xcb: {  	[tilespmem:s21], [sflag:$0x3] =	stream.indirect.gather [hbm4b:s1+s19], $0x80, s7, s19, $0xb8;
	[tilespmem:$0x1E400] =	vst v63  }
0xcc: {  	p0 =	sne.s32 s6, $0x4800;
	s6 =	sadd.s32 $0xC0, s3  }
0xcd: {  	[tilespmem:s22], [sflag:$0x4] =	stream.indirect.gather [hbm4b:s1+s19], $0x80, s6, s19, $0xb8;
	[tilespmem:$0x1E400] =	vst v63  }
0xce: {  	_ =	swait.ge [sflag:s23], $0x2000  }
0xcf: {  	[sflag:s23] =	ssyncset.done $0x0  }
0xd0: {  	[sflag:s23] =	ssyncadd.s32 $0xFFFFE000  }
0xd1: {  	_ =	swait.ge [sflag:s24], $0x2000  }
0xd2: {  	[sflag:s24] =	ssyncset.done $0x0  }
0xd3: {  	s6 =	sadd.s32 $0x1400, s3;
	[sflag:s24] =	ssyncadd.s32 $0xFFFFE000  }
0xd4: {  	[spmem:s2] =	stream.indirect.scatter.add.f32 [tilespmem:s16], [sflag:$0x5], $0x80, s6, s25, $0xb8;
	[tilespmem:$0x1E400] =	vst v63  }
0xd5: {  	_ =	swait.ge [sflag:s17], $0x4000  }
0xd6: {  	[sflag:s17] =	ssyncset.done $0x0  }
0xd7: {  	s6 =	sadd.s32 $0x100, s3;
	[sflag:s17] =	ssyncadd.s32 $0xFFFFC000  }
0xd8: {  	[tilespmem:s16], [sflag:$0x1] =	stream.indirect.gather [hbm4b:s1+s19], $0x80, s6, s19, $0xb8;
	[tilespmem:$0x1E400] =	vst v63  }
0xd9: {  	s6 =	sadd.s32 $0x140, s3  }
0xda: {  	[tilespmem:s20], [sflag:$0x2] =	stream.indirect.gather [hbm4b:s1+s19], $0x80, s6, s19, $0xb8;
	[tilespmem:$0x1E400] =	vst v63  }
0xdb: {  	_ =	swait.ge [sflag:s26], $0x2000  }
0xdc: {  	[sflag:s26] =	ssyncset.done $0x0  }
0xdd: {  	[sflag:s26] =	ssyncadd.s32 $0xFFFFE000  }
0xde: {  	_ =	swait.ge [sflag:s28], $0x2000  }
.Ltmp2:
0xdf: {  	[sflag:s28] =	ssyncset.done $0x0;
	(pc) =	sbr.rel @p0 .LBB2_6-.Ltmp2, $4  }
0xe0: {  	s3 =	sadd.s32 $0x1480, s3;
	[sflag:s28] =	ssyncadd.s32 $0xFFFFE000  }
0xe1: {  	[spmem:s2] =	stream.indirect.scatter.add.f32 [tilespmem:s21], [sflag:$0x5], $0x80, s3, s25, $0xb8;
	[tilespmem:$0x1E400] =	vst v63  }
0xe2: {  	_ =	swait.ge [sflag:s17], $0x4000  }
0xe3: {  	s6 =	smov.u32 s9;
	s3 =	sshra.s32 s8, $0x2;
	[sflag:s17] =	ssyncset.done $0x0  }
0xe4: {  	s6 =	sadd.s32 $0x80, s3;
	[sflag:s17] =	ssyncadd.s32 $0xFFFFC000  }
0xe5: {  	[tilespmem:s21], [sflag:$0x3] =	stream.indirect.gather [hbm4b:s1+s19], $0x80, s6, s19, $0xb8;
	[tilespmem:$0x1E400] =	vst v63  }
0xe6: {  	s9 =	sadd.s32 $0xC0, s3  }
0xe7: {  	[tilespmem:s22], [sflag:$0x4] =	stream.indirect.gather [hbm4b:s1+s19], $0x80, s9, s19, $0xb8;
	[tilespmem:$0x1E400] =	vst v63  }
0xe8: {  	_ =	swait.ge [sflag:s23], $0x2000  }
0xe9: {  	[sflag:s23] =	ssyncset.done $0x0  }
0xea: {  	[sflag:s23] =	ssyncadd.s32 $0xFFFFE000  }
0xeb: {  	_ =	swait.ge [sflag:s24], $0x2000  }
0xec: {  	[sflag:s24] =	ssyncset.done $0x0  }
0xed: {  	s7 =	sadd.s32 $0x1400, s3;
	[sflag:s24] =	ssyncadd.s32 $0xFFFFE000  }
0xee: {  	[spmem:s2] =	stream.indirect.scatter.add.f32 [tilespmem:s16], [sflag:$0x5], $0x80, s7, s25, $0xb8;
	[tilespmem:$0x1E400] =	vst v63  }
0xef: {  	_ =	swait.ge [sflag:s17], $0x4000  }
0xf0: {  	[sflag:s17] =	ssyncset.done $0x0  }
0xf1: {  	s8 =	sadd.s32 $0x100, s3;
	[sflag:s17] =	ssyncadd.s32 $0xFFFFC000  }
0xf2: {  	[tilespmem:s16], [sflag:$0x1] =	stream.indirect.gather [hbm4b:s1+s19], $0x80, s8, s19, $0xb8;
	[tilespmem:$0x1E400] =	vst v63  }
0xf3: {  	s9 =	sadd.s32 $0x140, s3  }
0xf4: {  	[tilespmem:s20], [sflag:$0x2] =	stream.indirect.gather [hbm4b:s1+s19], $0x80, s9, s19, $0xb8;
	[tilespmem:$0x1E400] =	vst v63  }
0xf5: {  	_ =	swait.ge [sflag:s26], $0x2000  }
0xf6: {  	[sflag:s26] =	ssyncset.done $0x0  }
0xf7: {  	[sflag:s26] =	ssyncadd.s32 $0xFFFFE000  }
0xf8: {  	_ =	swait.ge [sflag:s28], $0x2000  }
0xf9: {  	[sflag:s28] =	ssyncset.done $0x0  }
0xfa: {  	s7 =	sadd.s32 $0x1480, s3;
	[sflag:s28] =	ssyncadd.s32 $0xFFFFE000  }
0xfb: {  	[spmem:s2] =	stream.indirect.scatter.add.f32 [tilespmem:s21], [sflag:$0x5], $0x80, s7, s25, $0xb8;
	[tilespmem:$0x1E400] =	vst v63  }
0xfc: {  	_ =	swait.ge [sflag:s17], $0x4000  }
0xfd: {  	[sflag:s17] =	ssyncset.done $0x0  }
0xfe: {  	[sflag:s17] =	ssyncadd.s32 $0xFFFFC000  }
0xff: {  	[tilespmem:s21], [sflag:$0x3] =	stream.indirect.gather [hbm4b:s1+s19], $0x80, s29, s19, $0xb8;
	[tilespmem:$0x1E400] =	vst v63  }
0x100: {  	_ = 	snop  }
0x101: {  	[tilespmem:s22], [sflag:$0x4] =	stream.indirect.gather [hbm4b:s1+s19], $0x80, s30, s19, $0xb8;
	[tilespmem:$0x1E400] =	vst v63  }
0x102: {  	_ =	swait.ge [sflag:s23], $0x2000  }
0x103: {  	[sflag:s23] =	ssyncset.done $0x0  }
0x104: {  	[sflag:s23] =	ssyncadd.s32 $0xFFFFE000  }
0x105: {  	_ =	swait.ge [sflag:s24], $0x2000  }
0x106: {  	[sflag:s24] =	ssyncset.done $0x0  }
0x107: {  	[sflag:s24] =	ssyncadd.s32 $0xFFFFE000  }
0x108: {  	[spmem:s2] =	stream.indirect.scatter.add.f32 [tilespmem:s16], [sflag:$0x5], $0x80, s31, s25, $0xb8;
	[tilespmem:$0x1E400] =	vst v63  }
0x109: {  	_ =	swait.ge [sflag:s17], $0x4000  }
0x10a: {  	[sflag:s17] =	ssyncset.done $0x0  }
0x10b: {  	[sflag:s17] =	ssyncadd.s32 $0xFFFFC000  }
0x10c: {  	_ =	swait.ge [sflag:s26], $0x2000  }
0x10d: {  	[sflag:s26] =	ssyncset.done $0x0  }
0x10e: {  	[sflag:s26] =	ssyncadd.s32 $0xFFFFE000  }
0x10f: {  	_ =	swait.ge [sflag:s28], $0x2000  }
0x110: {  	[sflag:s28] =	ssyncset.done $0x0  }
0x111: {  	[sflag:s28] =	ssyncadd.s32 $0xFFFFE000  }
0x112: {  	[spmem:s2] =	stream.indirect.scatter.add.f32 [tilespmem:s21], [sflag:$0x5], $0x80, s0, s25, $0xb8;
	[tilespmem:$0x1E400] =	vst v63  }
0x113: {  	s8 =	stileid.u32;
	_ =	swait.ge [sflag:s17], $0x4000  }
0x114: {  	s4 =	sadd.s32 $0x1, s4;
	s3 =	sshll.u32 s8, $0x6;
	[sflag:s17] =	ssyncset.done $0x0  }
0x115: {  	p0 =	sne.s32 s4, s14;
	s3 =	sor.u32 $0x1C05, s3;
	[sflag:s17] =	ssyncadd.s32 $0xFFFFC000  }
.Ltmp3:
0x116: {  	s9 =	sshrl.u32 s5, $0x3;
	[bflag:$0x0] =	sbarrier.arrive $0xFFFF;
	(pc) =	sbr.rel @p0 .LBB2_1-.Ltmp3, $4  }
0x117: {  	[hbm:s15], [sflag:s3] =	dma.local [spmem:s9], $0x2780  }
0x118: {  	_ =	swait.ge [sflag:s17], $0x2780  }
0x119: {  	[sflag:s17] =	ssyncset.done $0x0  }
0x11a: {  	[sflag:s17] =	ssyncadd.s32 $0xFFFFD880  }
0x11b: {  	_ =	sfence.sel $0x180000  }
0x11c: {  	[bflag:$0x0] =	sbarrier.arrive $0xFFFF  }
0x11d: {  	_ =	strace $0x9000004D  }
0x11e: {  	s0 =	stileid.u32;
	[bflag:$0x2] =	sbarrier.arrive $0xFFFF  }
0x11f: {  	p0 =	sne.s32 s0, $0x0;
	s0 =	rddreg [dreg:$0x3]  }
0x120: {  	s0 =	sadd.s32 @!p0 $0x100000, s0  }
0x121: {  	[sflag:s0] =	ssyncadd.tile.s32 @!p0 $0x1;
	_ =	shalt  }
.Lfunc_end2:
_tile_overlayer_lowered:
.L_overlay_start_2:
0x122: {  	(tag) =	ssettag $0x2  }
0x123: {  	s0 =	rddreg [dreg:$0x0];
	s2 =	stileid.u32  }
0x124: {  	s1 =	rddreg [dreg:$0x1];
	p0 =	sne.s32 s2, $0x0  }
0x125: {  	s3 =	rddreg [dreg:$0x2];
	[bflag:$0x3] =	sbarrier.arrive $0xFFFF;
	s2 =	simm.s32 @!p0 $0x1C05  }
0x126: {  	[timem:s3], [sflag:s2] =	dma.local @!p0 [hbm:s0], s1  }
0x127: {  	s0 =	simm.s32 @!p0 $0x5  }
0x128: {  	_ =	swait.ge @!p0 [sflag:s0], s1  }
0x129: {  	s1 =	ssub.s32 @!p0 $0x0, s1;
	[sflag:s0] =	ssyncset.done @!p0 $0x0  }
0x12a: {  	[sflag:s0] =	ssyncadd.s32 @!p0 s1  }
0x12b: {  	[bflag:$0x3] =	sbarrier.arrive $0xFFFF  }
0x12c: {  	_ =	shalt  }

// kernel: kernel.8.cloned.1.call-start
scs
__scs_entry_jumppad:
0x0: {  	(pc) =	sbr.rel $0x88, $3  }
0x1: {  	(tag) =	ssettag $0x0;
	lr =	simm.s32 $0x1  }
0x2: {  	[smem:$0x3F9B] =	sst lr;
	_ =	strace $0xD0000000  }
0x3: {  	_ = 	snop  }
0x4: {  	_ = 	snop  }
0x5: {  	_ = 	snop  }
0x6: {  	_ = 	snop  }
0x7: {  	_ = 	snop  }
__scs_overlays_trampoline_lowered:
0x8: {  	[smem:$0x3FAA] =	sst s0  }
0x9: {  	[smem:$0x3FAB] =	sst s1  }
0xa: {  	[smem:$0x3FAC] =	sst s2  }
0xb: {  	[smem:$0x3FAD] =	sst s3  }
0xc: {  	[smem:$0x3FAE] =	sst s4  }
0xd: {  	[smem:$0x3FAF] =	sst s5  }
0xe: {  	[smem:$0x3FB0] =	sst s6  }
0xf: {  	[smem:$0x3FB1] =	sst s7  }
0x10: {  	[smem:$0x3FB2] =	sst s8  }
0x11: {  	[smem:$0x3FB3] =	sst s9;
	s0 =	simm.s32 @!p0 $0x0  }
0x12: {  	s1 =	sld [smem:$0x3F99];
	s0 =	simm.s32 @p0 $0x1  }
0x13: {  	[smem:$0x3FB4] =	sst s0;
	s0 =	simm.s32 @!p1 $0x0  }
0x14: {  	s2 =	sld [smem:$0x3F98];
	s0 =	simm.s32 @p1 $0x1  }
0x15: {  	[smem:$0x3FB5] =	sst s0;
	s0 =	simm.s32 @!p2 $0x0  }
0x16: {  	s3 =	sld [smem:$0x3FDB];
	s0 =	simm.s32 @p2 $0x1  }
0x17: {  	s4 =	simm.s32 $0x1BF5;
	[smem:$0x3FB7] =	sst s0  }
0x18: {  	s0 =	sld [smem:$0x3F9A];
	_ =	swait.ge [sflag:s4], $0x0  }
0x19: {  	s7 =	sld [smem:$0x3F9B]  }
0x1a: {  	s8 =	sadd.s32 $0xFFFFE003, lr  }
0x1b: {  	s9 =	sadd.s32 $0xFFFFFEF7, lr;
	s5 =	simm.s32 $0xFFFFFFFF;
	p2 =	slt.u32 s8, $0xFFFFF086  }
0x1c: {  	p1 =	slt.u32 s9, $0xF7A;
	s5 =	simm.s32 @!p2 $0x0  }
0x1d: {  	s5 =	simm.s32 @p1 $0x1;
	p0 =	seq.s32 s7, s2  }
0x1e: {  	s7 =	smul.u32 @!p0 $0xF7A, s2;
	p2 =	seq.s32 @!p0 s5, $0x0  }
0x1f: {  	s9 =	smul.u32 $0xF7A, s1;
	s8 =	simm.s32 @!p0 $0x1BF5;
	p2 =	por !p2, p0  }
0x20: {  	[sflag:s8] =	ssyncset.s32 @!p0 $0xFFFFF086;
	s6 =	sadd.s32 @!p0 s3, s7;
	s7 =	simm.s32 @!p0 $0x108  }
0x21: {  	s3 =	sadd.s32 s3, s9;
	s6 =	sadd.s32 @!p0 $0x88, s6;
	s7 =	simm.s32 @p2 $0x1082  }
0x22: {  	[simem:s7], [sflag:s8] =	dma.local @!p0 [hbm:s6], $0xF7A  }
0x23: {  	s9 =	sor.u32 $0xD0000000, s2;
	s6 =	simm.s32 $0x108;
	_ =	swait.ge @!p0 [sflag:s8], $0x0  }
0x24: {  	s3 =	sadd.s32 $0x88, s3;
	s6 =	simm.s32 @!p1 $0x1082;
	[sflag:s4] =	ssyncset.s32 $0xFFFFF086  }
0x25: {  	[simem:s6], [sflag:s4] =	dma.local [hbm:s3], $0xF7A  }
0x26: {  	[smem:$0x3F9B] =	sst s1;
	(tag) =	ssettag s2;
	_ =	strace s9  }
0x27: {  	s1 =	sld [smem:$0x3FAB]  }
0x28: {  	s2 =	sld [smem:$0x3FAC]  }
0x29: {  	s4 =	sld [smem:$0x3FAE]  }
0x2a: {  	p0 =	seq.s32 s5, $0x0;
	s5 =	sld [smem:$0x3FAF]  }
0x2b: {  	s6 =	sld [smem:$0x3FB0]  }
0x2c: {  	s7 =	sld [smem:$0x3FB1]  }
0x2d: {  	s3 =	simm.s32 $0x108;
	s8 =	sld [smem:$0x3FB2]  }
0x2e: {  	s3 =	simm.s32 @!p0 $0x1082;
	s9 =	sld [smem:$0x3FB3]  }
0x2f: {  	lr =	sadd.s32 s0, s3;
	s0 =	sld [smem:$0x3FAA]  }
0x30: {  	s3 =	sld [smem:$0x3FAD]  }
0x31: {  	[smem:$0x3FB6] =	sst s10  }
0x32: {  	s10 =	sld [smem:$0x3FB4];
	_ =	sdelay $0x3  }
0x33: {  	p0 =	seq.s32 s10, $0x1;
	s10 =	sld [smem:$0x3FB6];
	_ =	sdelay $0x3  }
0x34: {  	[smem:$0x3FB6] =	sst s10  }
0x35: {  	s10 =	sld [smem:$0x3FB5];
	_ =	sdelay $0x3  }
0x36: {  	p1 =	seq.s32 s10, $0x1;
	s10 =	sld [smem:$0x3FB6];
	_ =	sdelay $0x3  }
0x37: {  	[smem:$0x3FB6] =	sst s10  }
0x38: {  	s10 =	sld [smem:$0x3FB7]  }
0x39: {  	_ = 	snop;
	(pc) =	sbr.ind lr, $3  }
0x3a: {  	_ = 	snop  }
0x3b: {  	_ = 	snop  }
0x3c: {  	p2 =	seq.s32 s10, $0x1;
	s10 =	sld [smem:$0x3FB6]  }
0x3d: {  	_ =	shalt  }
0x3e: {  	_ =	shalt  }
0x3f: {  	_ =	shalt  }
0x40: {  	_ =	shalt  }
0x41: {  	_ =	shalt  }
0x42: {  	_ =	shalt  }
0x43: {  	_ =	shalt  }
0x44: {  	_ =	shalt  }
0x45: {  	_ =	shalt  }
0x46: {  	_ =	shalt  }
0x47: {  	_ =	shalt  }
0x48: {  	_ =	shalt  }
0x49: {  	_ =	shalt  }
0x4a: {  	_ =	shalt  }
0x4b: {  	_ =	shalt  }
0x4c: {  	_ =	shalt  }
0x4d: {  	_ =	shalt  }
0x4e: {  	_ =	shalt  }
0x4f: {  	_ =	shalt  }
0x50: {  	_ =	shalt  }
0x51: {  	_ =	shalt  }
0x52: {  	_ =	shalt  }
0x53: {  	_ =	shalt  }
0x54: {  	_ =	shalt  }
0x55: {  	_ =	shalt  }
0x56: {  	_ =	shalt  }
0x57: {  	_ =	shalt  }
0x58: {  	_ =	shalt  }
0x59: {  	_ =	shalt  }
0x5a: {  	_ =	shalt  }
0x5b: {  	_ =	shalt  }
0x5c: {  	_ =	shalt  }
0x5d: {  	_ =	shalt  }
0x5e: {  	_ =	shalt  }
0x5f: {  	_ =	shalt  }
0x60: {  	_ =	shalt  }
0x61: {  	_ =	shalt  }
0x62: {  	_ =	shalt  }
0x63: {  	_ =	shalt  }
0x64: {  	_ =	shalt  }
0x65: {  	_ =	shalt  }
0x66: {  	_ =	shalt  }
0x67: {  	_ =	shalt  }
0x68: {  	_ =	shalt  }
0x69: {  	_ =	shalt  }
0x6a: {  	_ =	shalt  }
0x6b: {  	_ =	shalt  }
0x6c: {  	_ =	shalt  }
0x6d: {  	_ =	shalt  }
0x6e: {  	_ =	shalt  }
0x6f: {  	_ =	shalt  }
0x70: {  	_ =	shalt  }
0x71: {  	_ =	shalt  }
0x72: {  	_ =	shalt  }
0x73: {  	_ =	shalt  }
0x74: {  	_ =	shalt  }
0x75: {  	_ =	shalt  }
0x76: {  	_ =	shalt  }
0x77: {  	_ =	shalt  }
0x78: {  	_ =	shalt  }
0x79: {  	_ =	shalt  }
0x7a: {  	_ =	shalt  }
0x7b: {  	_ =	shalt  }
0x7c: {  	_ =	shalt  }
0x7d: {  	_ =	shalt  }
0x7e: {  	_ =	shalt  }
0x7f: {  	_ =	shalt  }
0x80: {  	_ =	shalt  }
0x81: {  	_ =	shalt  }
0x82: {  	_ =	shalt  }
0x83: {  	_ =	shalt  }
0x84: {  	_ =	shalt  }
0x85: {  	_ =	shalt  }
0x86: {  	_ =	shalt  }
0x87: {  	_ =	shalt  }
.Lfunc_end0:
.L_simem_size_0:
called_computation_lowered:
.L_overlay_start_0:
0x88: {  	s2 =	sld [smem:$0x3FD9]  }
0x89: {  	s3 =	sld [smem:$0x3FFE];
	_ =	sdelay $0x1  }
0x8a: {  	s1 =	srdreg.scid  }
0x8b: {  	s0 =	sand.u32 $0x1, s1  }
0x8c: {  	s16 =	sshll.u32 s0, $0xA;
	s2 =	sadd.s32 s3, s2  }
0x8d: {  	s2 =	sadd.s32 s2, s16  }
0x8e: {  	[smem:$0x3FC2] =	sst s2  }
0x8f: {  	_ = 	snop  }
0x90: {  	(tm) =	ssettm $0x1  }
0x91: {  	s17 =	sld [smem:$0x3FFB];
	_ =	sdelay $0x3  }
0x92: {  	_ =	strace s17  }
0x93: {  	s2 =	sld [smem:$0x3FFC];
	_ =	sdelay $0x3  }
0x94: {  	_ =	strace s2  }
0x95: {  	s2 =	sld [smem:$0x3FFD];
	_ =	sdelay $0x3  }
0x96: {  	_ =	strace s2  }
0x97: {  	_ =	strace $0x8FFFFFFF  }
0x98: {  	s18 =	sld [smem:$0x3FDB];
	_ =	sdelay $0x1  }
0x99: {  	s19 =	simm.s32 $_scs_section_size  }
0x9a: {  	s4 =	simm.s32 $_size__tile_overlayer_lowered;
	s5 =	simm.s32 $_tile_overlayer_lowered  }
0x9b: {  	s22 =	simm.s32 $0x1BFF;
	s21 =	sshll.u32 s5, $0x1;
	s2 =	sadd.s32 s19, s18  }
0x9c: {  	s6 =	simm.s32 $0x0;
	s20 =	sshll.u32 s4, $0x1;
	s4 =	sadd.s32 s21, s2  }
0x9d: {  	[timem:s6], [sflag:s22] =	dma.local [hbm:s4], s20  }
0x9e: {  	_ =	swait.ge [sflag:s22], s20  }
0x9f: {  	s3 =	ssub.s32 $0x0, s20;
	[sflag:s22] =	ssyncset.done $0x0  }
0xa0: {  	[sflag:s22] =	ssyncadd.s32 s3;
	_ =	sdelay $0x1  }
0xa1: {  	s23 =	simm.s32 $0x1B8B  }
0xa2: {  	_ =	swait.ge [sflag:s23], $0x1  }
0xa3: {  	[sflag:s23] =	ssyncset.done $0x0  }
0xa4: {  	s25 =	simm.s32 $0x1B8E;
	s24 =	sld [smem:$0x3FFE];
	[sflag:s23] =	ssyncadd.s32 $0xFFFFFFFF  }
0xa5: {  	s26 =	simm.s32 $execute0_lowered;
	[smem:$0x3FD2] =	sst s25  }
0xa6: {  	s4 =	sshll.u32 s26, $0x1;
	_ =	strace $0x80000046;
	[dreg:$0x1] =	wrdreg $0xFFFFFFFF  }
0xa7: {  	s28 =	simm.s32 $_size_execute0_lowered;
	s2 =	sadd.s32 s2, s4;
	[dreg:$0x0] =	wrdreg $0x0  }
0xa8: {  	s4 =	sshll.u32 s28, $0x1;
	[dreg:$0x2] =	wrdreg s2  }
0xa9: {  	[dreg:$0x3] =	wrdreg s4  }
0xaa: {  	[dreg:$0x4] =	wrdreg $0xC0  }
0xab: {  	_ =	task [dreg:s6], $0x5FFFF  }
0xac: {  	[dreg:$0x1] =	wrdreg $0xFFFFFFFF  }
0xad: {  	[dreg:$0x0] =	wrdreg $0x60  }
0xae: {  	[dreg:$0x2] =	wrdreg s24  }
0xaf: {  	[dreg:$0x3] =	wrdreg $0xA8000  }
0xb0: {  	[dreg:$0x4] =	wrdreg $0x9  }
0xb1: {  	_ =	task.clear_ibuf [dreg:s6], $0x5FFFF;
	_ =	strace $0x90000046  }
0xb2: {  	s29 =	simm.s32 $0x9;
	_ =	strace $0x80000048  }
0xb3: {  	_ =	swait.ge [sflag:s29], $0x1  }
0xb4: {  	[sflag:s29] =	ssyncadd.s32 $0xFFFFFFFF  }
0xb5: {  	_ =	strace $0x90000048  }
0xb6: {  	_ =	sfence  }
0xb7: {  	s30 =	sld [smem:$0x0];
	_ =	sdelay $0x2  }
0xb8: {  	s31 =	sshll.u32 s1, $0xD;
	s1 =	sshrl.u32 s1, $0x2  }
0xb9: {  	s3 =	sand.u32 $0x4000, s31;
	s1 =	sadd.s32 s1, s30  }
0xba: {  	s0 =	sor.u32 s3, s0;
	s1 =	sshll.u32 s1, $0x11  }
0xbb: {  	s0 =	sor.u32 s1, s0  }
0xbc: {  	s0 =	sadd.s32 $0x8F2B, s0  }
0xbd: {  	[sflag:s0] =	ssyncadd.remote.s32 $0x1  }
0xbe: {  	_ =	sfence.sel $0xFFFF  }
0xbf: {  	[dreg:$0x0] =	wrdreg $0xFFFFFFFF;
	(pc) =	sbr.abs _section_cstart, $3  }
0xc0: {  	[dreg:$0x1] =	wrdreg $0xFFFFFFFF  }
0xc1: {  	_ =	task.clear_ibuf [dreg:s6], $0x2FFFF;
	_ =	strace $0x9FFFFFFF  }
0xc2: {  	(tm) =	ssettm $0x7FFFFFFF  }
0xc3: {  	_ =	shalt  }
tec
execute0_lowered:
.L_overlay_start_1:
0x0: {  	(tag) =	ssettag $0x1  }
0x1: {  	s0 =	srdreg.scid;
	s10 =	rddreg [dreg:$0x0]  }
0x2: {  	s2 =	rddreg [dreg:$0x1];
	s3 =	simm.s32 $0x0;
	s12 =	simm.s32 $0x3FC00  }
0x3: {  	s14 =	simm.s32 $0x80;
	s15 =	simm.s32 $0x2800;
	s7 =	sand.u32 $0x1, s0  }
0x4: {  	s0 =	stileid.u32;
	[smem:$0x7FF] =	sst s3;
	s1 =	sshll.u32 s7, $0x4  }
0x5: {  	s5 =	smul.u32 $0x4F000, s0;
	s6 =	ssub.s32 $0x2, s7;
	p0 =	seq.s32 s7, $0x1  }
0x6: {  	s13 =	smul.u32 $0x2780, s0;
	s16 =	sshll.u32 s0, $0x6;
	s4 =	sor.u32 s0, s1  }
0x7: {  	s1 =	rddreg [dreg:$0x2];
	_ =	strace $0x80000047;
	s8 =	sshrl.u32 s6, $0x1  }
0x8: {  	s12 =	simm.s32 @!p0 $0x18400;
	s4 =	smul.u32 $0x500, s4;
	s5 =	sshrl.u32 s5, $0x2  }
0x9: {  	s16 =	sor.u32 $0x1C01, s16;
	s11 =	ssub.s32 s6, s8;
	s5 =	sadd.s32 s5, s2  }
0xa: {  	s12 =	sadd.s32 s12, s10;
	s4 =	sadd.s32 s4, s10;
	s6 =	sadd.s32 $0x4000, s5  }
0xb: {  	s7 =	sadd.s32 $0x8000, s5;
	s8 =	sadd.s32 $0xC000, s5;
	s9 =	sadd.s32 $0x10000, s5  }
0xc: {  	s10 =	smax.u32 s11, $0x1;
	s11 =	sadd.s32 s12, s13;
	s12 =	simm.s32 $0x1  }
0xd: {  	v0 =	vimm.f32 $1.000000000e+00;
	v1 =	vimm.f32 $0.0e+00;
	s13 =	simm.s32 $0x6800;
	s17 =	sshrl.u32 s5, $0x3;
	s4 =	sadd.s32 $0xE400, s4  }
.LBB2_1:
0xe: {  	s18 =	simm.s32 $0x200;
	s19 =	simm.s32 $0x0  }
.LBB2_2:
0xf: {  	p0 =	sne.s32 s18, $0xFE00;
	[tilespmem:s19+$0x2800] =	vst v0;
	s20 =	smov.u32 s18;
	s18 =	sadd.s32 $0x200, s18  }
.Ltmp0:
0x10: {  	[tilespmem:s19+$0x6800] =	vst v1;
	(pc) =	sbr.rel @p0 .LBB2_2-.Ltmp0, $2  }
0x11: {  	_ =	sdelay $0x2  }
0x12: {  	s19 =	sshra.s32 s20, $0x2  }
0x13: {  	[tilespmem:s19+$0x2800] =	vst v0  }
0x14: {  	[tilespmem:s19+$0x6800] =	vst v1;
	s18 =	simm.s32 $0x0  }
0x15: {  	[tilespmem:s18], [sflag:$0x1] =	stream.linear.gather [hbm4b:s4+s18], $0x2800, $0x38;
	[tilespmem:$0xCF80] =	vst v63  }
0x16: {  	_ =	swait.ge [sflag:s12], $0x2800  }
0x17: {  	[sflag:s12] =	ssyncset.done $0x0  }
0x18: {  	[sflag:s12] =	ssyncadd.s32 $0xFFFFD800  }
0x19: {  	[spmem:s5] =	stream.linear.scatter [tilespmem:s13], [sflag:$0x1], $0x4000, $0x38;
	[tilespmem:$0xCF80] =	vst v63  }
0x1a: {  	_ =	swait.ge [sflag:s12], $0x4000  }
0x1b: {  	[sflag:s12] =	ssyncset.done $0x0  }
0x1c: {  	[sflag:s12] =	ssyncadd.s32 $0xFFFFC000  }
0x1d: {  	[spmem:s6] =	stream.linear.scatter [tilespmem:s13], [sflag:$0x1], $0x4000, $0x38;
	[tilespmem:$0xCF80] =	vst v63  }
0x1e: {  	_ =	swait.ge [sflag:s12], $0x4000  }
0x1f: {  	[sflag:s12] =	ssyncset.done $0x0  }
0x20: {  	[sflag:s12] =	ssyncadd.s32 $0xFFFFC000  }
0x21: {  	[spmem:s7] =	stream.linear.scatter [tilespmem:s13], [sflag:$0x1], $0x4000, $0x38;
	[tilespmem:$0xCF80] =	vst v63  }
0x22: {  	_ =	swait.ge [sflag:s12], $0x4000  }
0x23: {  	[sflag:s12] =	ssyncset.done $0x0  }
0x24: {  	[sflag:s12] =	ssyncadd.s32 $0xFFFFC000  }
0x25: {  	[spmem:s8] =	stream.linear.scatter [tilespmem:s13], [sflag:$0x1], $0x4000, $0x38;
	[tilespmem:$0xCF80] =	vst v63  }
0x26: {  	_ =	swait.ge [sflag:s12], $0x4000  }
0x27: {  	[sflag:s12] =	ssyncset.done $0x0  }
0x28: {  	[sflag:s12] =	ssyncadd.s32 $0xFFFFC000  }
0x29: {  	[spmem:s9] =	stream.linear.scatter [tilespmem:s13], [sflag:$0x1], $0x3C00, $0x38;
	[tilespmem:$0xCF80] =	vst v63  }
0x2a: {  	_ =	swait.ge [sflag:s12], $0x3C00  }
0x2b: {  	[sflag:s12] =	ssyncset.done $0x0  }
0x2c: {  	[sflag:s12] =	ssyncadd.s32 $0xFFFFC400  }
0x2d: {  	s31 =	simm.s32 $0x0;
	[bflag:$0x0] =	sbarrier.arrive $0xFFFF  }
0x2e: {  	[spmem:s2] =	stream.indirect.scatter.add.f32 [tilespmem:s15], [sflag:$0x1], $0x10, s31, s14, $0xb8;
	[tilespmem:$0xCF80] =	vst v63  }
0x2f: {  	_ =	swait.ge [sflag:s12], $0x800  }
0x30: {  	s18 =	simm.s32 $0x200;
	[sflag:s12] =	ssyncset.done $0x0  }
.LBB2_4:
0x31: {  	s19 =	sshra.s32 s18, $0x2;
	[sflag:s12] =	ssyncadd.s32 $0xFFFFF800;
	p0 =	sne.s32 s18, $0x9E00  }
0x32: {  	[spmem:s2] =	stream.indirect.scatter.add.f32 [tilespmem:s15], [sflag:$0x1], $0x10, s19, s14, $0xb8;
	[tilespmem:$0xCF80] =	vst v63  }
.Ltmp1:
0x33: {  	_ = 	snop;
	(pc) =	sbr.rel @p0 .LBB2_4-.Ltmp1, $4  }
0x34: {  	_ = 	snop  }
0x35: {  	s18 =	sadd.s32 $0x200, s18  }
0x36: {  	_ =	swait.ge [sflag:s12], $0x800  }
0x37: {  	[sflag:s12] =	ssyncset.done $0x0  }
0x38: {  	s3 =	sadd.s32 $0x1, s3  }
0x39: {  	[sflag:s12] =	ssyncadd.s32 $0xFFFFF800;
	p0 =	sne.s32 s3, s10  }
.Ltmp2:
0x3a: {  	[bflag:$0x0] =	sbarrier.arrive $0xFFFF;
	(pc) =	sbr.rel @p0 .LBB2_1-.Ltmp2, $4  }
0x3b: {  	[hbm:s11], [sflag:s16] =	dma.local [spmem:s17], $0x2780  }
0x3c: {  	_ =	swait.ge [sflag:s12], $0x2780  }
0x3d: {  	[sflag:s12] =	ssyncset.done $0x0  }
0x3e: {  	[sflag:s12] =	ssyncadd.s32 $0xFFFFD880  }
0x3f: {  	_ =	sfence.sel $0x180000  }
0x40: {  	[bflag:$0x0] =	sbarrier.arrive $0xFFFF  }
0x41: {  	p0 =	sne.s32 s0, $0x0;
	_ =	strace $0x90000047  }
0x42: {  	s0 =	sadd.s32 @!p0 $0x100000, s1;
	[bflag:$0x2] =	sbarrier.arrive $0xFFFF  }
0x43: {  	[sflag:s0] =	ssyncadd.tile.s32 @!p0 $0x1;
	_ =	shalt  }
.Lfunc_end2:
_tile_overlayer_lowered:
.L_overlay_start_2:
0x44: {  	(tag) =	ssettag $0x2  }
0x45: {  	s0 =	rddreg [dreg:$0x0];
	s2 =	stileid.u32  }
0x46: {  	s1 =	rddreg [dreg:$0x1];
	p0 =	sne.s32 s2, $0x0  }
0x47: {  	s3 =	rddreg [dreg:$0x2];
	[bflag:$0x3] =	sbarrier.arrive $0xFFFF;
	s2 =	simm.s32 @!p0 $0x1C01  }
0x48: {  	[timem:s3], [sflag:s2] =	dma.local @!p0 [hbm:s0], s1  }
0x49: {  	s0 =	simm.s32 @!p0 $0x1  }
0x4a: {  	_ =	swait.ge @!p0 [sflag:s0], s1  }
0x4b: {  	s1 =	ssub.s32 @!p0 $0x0, s1;
	[sflag:s0] =	ssyncset.done @!p0 $0x0  }
0x4c: {  	[sflag:s0] =	ssyncadd.s32 @!p0 s1  }
0x4d: {  	[bflag:$0x3] =	sbarrier.arrive $0xFFFF  }
0x4e: {  	_ =	shalt  }

</sc_bundles>
